<compile_context>
chip_gen: v7x
topology: tpu7x:2x2x1
jax: 0.10.2.dev20260603
libtpu: 0.0.44.dev20260713+nightly
codegen_flags: <defaults>
</compile_context>

<pallas_src>
import jax
import jax.numpy as jnp
from jax import lax
from jax.experimental import pallas as pl
from jax.experimental.pallas import tpu as pltpu
from jax.experimental.pallas import tpu_sc as plsc

BATCH = 4
SEQ = 8192
D = 768
LANES = 16

N_ROWS = BATCH * SEQ
NC, NS = 2, 16
NW = NC * NS
ROWS_PER_W = N_ROWS // NW
CHUNK = 32
N_CHUNKS = ROWS_PER_W // CHUNK
NSLOTS = 2
N_GROUPS = N_CHUNKS // NSLOTS
D_VECS = D // LANES


def _body(x_hbm, idx_hbm, table_hbm, out_hbm, idx_v,
          rows_s, x_s, gsems, xsems, osems):
    wid = lax.axis_index("s") * NC + lax.axis_index("c")
    base = wid * ROWS_PER_W

    pltpu.sync_copy(idx_hbm.at[pl.ds(base, ROWS_PER_W)], idx_v)

    def g_start(c, s):
        pltpu.async_copy(
            table_hbm.at[idx_v.at[pl.ds(c * CHUNK, CHUNK)]], rows_s[s],
            gsems[s])

    def x_start(c, s):
        pltpu.async_copy(x_hbm.at[pl.ds(base + c * CHUNK, CHUNK)], x_s[s],
                         xsems[s])

    def wait(c, s):
        pltpu.make_async_copy(
            table_hbm.at[idx_v.at[pl.ds(c * CHUNK, CHUNK)]], rows_s[s],
            gsems[s]).wait()
        pltpu.make_async_copy(
            x_hbm.at[pl.ds(base + c * CHUNK, CHUNK)], x_s[s],
            xsems[s]).wait()

    def add_chunk(s):
        def add_row(i, _):
            for j in range(D_VECS):
                sl = pl.ds(j * LANES, LANES)
                plsc.addupdate(x_s[s].at[i, sl], rows_s[s][i, sl])
            return 0

        lax.fori_loop(0, CHUNK, add_row, 0)

    def out_start(c, s):
        pltpu.async_copy(x_s[s], out_hbm.at[pl.ds(base + c * CHUNK, CHUNK)],
                         osems[s])

    def out_wait(c, s):
        pltpu.make_async_copy(
            x_s[s], out_hbm.at[pl.ds(base + c * CHUNK, CHUNK)],
            osems[s]).wait()

    for s in range(NSLOTS):
        g_start(s, s)
        x_start(s, s)

    def group_step(i, _):
        c0 = i * NSLOTS
        for s in range(NSLOTS):
            wait(c0 + s, s)
            add_chunk(s)
            g_start(c0 + NSLOTS + s, s)
            out_start(c0 + s, s)
        for s in range(NSLOTS):
            out_wait(c0 + s, s)
            x_start(c0 + NSLOTS + s, s)
        return 0

    lax.fori_loop(0, N_GROUPS - 1, group_step, 0)

    c0 = (N_GROUPS - 1) * NSLOTS
    for s in range(NSLOTS):
        wait(c0 + s, s)
        add_chunk(s)
        out_start(c0 + s, s)
    for s in range(NSLOTS):
        out_wait(c0 + s, s)


@jax.jit
def _run(x2d, idx, table):
    mesh = plsc.VectorSubcoreMesh(core_axis_name="c", subcore_axis_name="s")
    return pl.kernel(
        _body,
        out_type=jax.ShapeDtypeStruct((N_ROWS, D), jnp.float32),
        mesh=mesh,
        scratch_types=[
            pltpu.VMEM((ROWS_PER_W,), jnp.int32),
            [pltpu.VMEM((CHUNK, D), jnp.float32) for _ in range(NSLOTS)],
            [pltpu.VMEM((CHUNK, D), jnp.float32) for _ in range(NSLOTS)],
            [pltpu.SemaphoreType.DMA for _ in range(NSLOTS)],
            [pltpu.SemaphoreType.DMA for _ in range(NSLOTS)],
            [pltpu.SemaphoreType.DMA for _ in range(NSLOTS)],
        ],
    )(x2d, idx, table)


def kernel(x, position_ids, embeddings):
    x2d = x.reshape(N_ROWS, D)
    idx = position_ids.astype(jnp.int32).reshape(N_ROWS)
    out = _run(x2d, idx, embeddings)
    return out.reshape(BATCH, SEQ, D)

# --- scband reference (transcript-rebuilt; emitter-appended) ---
"""Pipeline reference for scband-position-embedding-25245817766309 (READ-ONLY COPY).

The authoritative reference and input builder live on the scoring server;
editing this copy changes nothing except your own understanding.
"""

import jax, jax.numpy as jnp
import numpy as np

INPUT_DIM = 8192
OUTPUT_DIM = 768
BATCH = 4
SEQ = 8192

def setup_inputs(seed: int = 0) -> dict:
    key = jax.random.key(seed)
    k1, k2, k3 = jax.random.split(key, 3)
    x = jax.random.normal(k1, (BATCH, SEQ, OUTPUT_DIM), dtype=jnp.float32)
    position_ids = jax.random.randint(k2, (BATCH, SEQ), 0, INPUT_DIM, dtype=jnp.int64)
    embeddings = jax.random.normal(k3, (INPUT_DIM, OUTPUT_DIM), dtype=jnp.float32) * 0.02
    return {"x": x, "position_ids": position_ids, "embeddings": embeddings}

def reference(x, position_ids, embeddings):
    # custom_position_ids=True, hierarchical=None, merge_mode='add'
    pos_ids = position_ids.astype(jnp.int32)
    emb = jnp.take(embeddings, pos_ids, axis=0)  # gather: [B, S, D]
    return x + emb

if __name__ == "__main__":
    import jax
    _d = setup_inputs()
    print(jax.jit(kernel)(*tuple(_d.values())))

</pallas_src>

<mosaic_0001>
#map = affine_map<(d0, d1) -> (0, 0)>
#map1 = affine_map<(d0, d1) -> (0)>
module attributes {stable_mosaic.version = 14 : i64} {
  func.func @_body(%arg0: i32, %arg1: i32, %arg2: memref<32768x768xf32, #tpu.memory_space<hbm>>, %arg3: memref<32768xi32, #tpu.memory_space<hbm>>, %arg4: memref<8192x768xf32, #tpu.memory_space<hbm>>, %arg5: memref<32768x768xf32, #tpu.memory_space<hbm>>, %arg6: memref<1024xi32, #tpu.memory_space<vmem>>, %arg7: memref<32x768xf32, #tpu.memory_space<vmem>>, %arg8: memref<32x768xf32, #tpu.memory_space<vmem>>, %arg9: memref<32x768xf32, #tpu.memory_space<vmem>>, %arg10: memref<32x768xf32, #tpu.memory_space<vmem>>, %arg11: memref<!tpu.dma_semaphore, #tpu.memory_space<semaphore_mem>>, %arg12: memref<!tpu.dma_semaphore, #tpu.memory_space<semaphore_mem>>, %arg13: memref<!tpu.dma_semaphore, #tpu.memory_space<semaphore_mem>>, %arg14: memref<!tpu.dma_semaphore, #tpu.memory_space<semaphore_mem>>, %arg15: memref<!tpu.dma_semaphore, #tpu.memory_space<semaphore_mem>>, %arg16: memref<!tpu.dma_semaphore, #tpu.memory_space<semaphore_mem>>) attributes {dimension_semantics = [#tpu.dimension_semantics<core_parallel>, #tpu.dimension_semantics<subcore_parallel>], iteration_bounds = array<i64: 2, 16>, scalar_prefetch = 0 : i64, scratch_operands = 11 : i64, tpu.core_type = #tpu.core_type<sc_vector_subcore>, window_params = [{transform_indices = #map}, {transform_indices = #map1}, {transform_indices = #map}, {transform_indices = #map}]} {
    %mul3A = arith.constant 2 : i32
    %mul3A_0 = arith.muli %arg1, %mul3A : i32
    %add3A = arith.addi %mul3A_0, %arg0 : i32
    %mul3A_1 = arith.constant 1024 : i32
    %mul3A_2 = arith.muli %add3A, %mul3A_1 : i32
    "tpu.region"() ({
      %run_scoped3A = tpu.sem_alloc : memref<!tpu.dma_semaphore, #tpu.memory_space<semaphore_mem>>
      %dma_start3A_89 = tpu.memref_slice %arg3[%mul3A_2] : memref<32768xi32, #tpu.memory_space<hbm>> -> memref<1024xi32, #tpu.memory_space<hbm>>
      %dma_start3A_90 = tpu.memref_slice %arg3[%mul3A_2] : memref<32768xi32, #tpu.memory_space<hbm>> -> memref<1024xi32, #tpu.memory_space<hbm>>
      tpu.enqueue_dma source(%dma_start3A_90 : memref<1024xi32, #tpu.memory_space<hbm>>) target(%arg6 : memref<1024xi32, #tpu.memory_space<vmem>>) target_semaphore(%run_scoped3A : memref<!tpu.dma_semaphore, #tpu.memory_space<semaphore_mem>>)
      %dma_wait3A_91 = tpu.memref_slice %arg3[%mul3A_2] : memref<32768xi32, #tpu.memory_space<hbm>> -> memref<1024xi32, #tpu.memory_space<hbm>>
      %dma_wait3A_92 = tpu.memref_slice %arg3[%mul3A_2] : memref<32768xi32, #tpu.memory_space<hbm>> -> memref<1024xi32, #tpu.memory_space<hbm>>
      tpu.wait_dma2 semaphore(%run_scoped3A : memref<!tpu.dma_semaphore, #tpu.memory_space<semaphore_mem>>) src(%dma_wait3A_92 : memref<1024xi32, #tpu.memory_space<hbm>>) dst(%arg6 : memref<1024xi32, #tpu.memory_space<vmem>>)
      tpu.yield
    }) : () -> ()
    %dma_start3A = arith.constant 0 : i32
    %dma_start3A_3 = tpu.memref_slice %arg6[%dma_start3A] : memref<1024xi32, #tpu.memory_space<vmem>> -> memref<32xi32, #tpu.memory_space<vmem>>
    %dma_start3A_4 = arith.constant 0 : i32
    %dma_start3A_5 = arith.constant 0 : i32
    %dma_start3A_6 = tpu.memref_slice %arg4[%dma_start3A_4, %dma_start3A_5] : memref<8192x768xf32, #tpu.memory_space<hbm>> -> memref<8192x768xf32, #tpu.memory_space<hbm>>
    tpu.enqueue_indirect_dma source(%dma_start3A_6 : memref<8192x768xf32, #tpu.memory_space<hbm>>) target(%arg7 : memref<32x768xf32, #tpu.memory_space<vmem>>) offsets(%dma_start3A_3 : memref<32xi32, #tpu.memory_space<vmem>>) semaphore(%arg11 : memref<!tpu.dma_semaphore, #tpu.memory_space<semaphore_mem>>)
    %add3A_7 = arith.constant 0 : i32
    %add3A_8 = arith.addi %mul3A_2, %add3A_7 : i32
    %dma_start3A_9 = arith.constant 0 : i32
    %dma_start3A_10 = tpu.memref_slice %arg2[%add3A_8, %dma_start3A_9] : memref<32768x768xf32, #tpu.memory_space<hbm>> -> memref<32x768xf32, #tpu.memory_space<hbm>>
    %dma_start3A_11 = arith.constant 0 : i32
    %dma_start3A_12 = tpu.memref_slice %arg2[%add3A_8, %dma_start3A_11] : memref<32768x768xf32, #tpu.memory_space<hbm>> -> memref<32x768xf32, #tpu.memory_space<hbm>>
    tpu.enqueue_dma source(%dma_start3A_12 : memref<32x768xf32, #tpu.memory_space<hbm>>) target(%arg9 : memref<32x768xf32, #tpu.memory_space<vmem>>) target_semaphore(%arg13 : memref<!tpu.dma_semaphore, #tpu.memory_space<semaphore_mem>>)
    %dma_start3A_13 = arith.constant 32 : i32
    %dma_start3A_14 = tpu.memref_slice %arg6[%dma_start3A_13] : memref<1024xi32, #tpu.memory_space<vmem>> -> memref<32xi32, #tpu.memory_space<vmem>>
    %dma_start3A_15 = arith.constant 0 : i32
    %dma_start3A_16 = arith.constant 0 : i32
    %dma_start3A_17 = tpu.memref_slice %arg4[%dma_start3A_15, %dma_start3A_16] : memref<8192x768xf32, #tpu.memory_space<hbm>> -> memref<8192x768xf32, #tpu.memory_space<hbm>>
    tpu.enqueue_indirect_dma source(%dma_start3A_17 : memref<8192x768xf32, #tpu.memory_space<hbm>>) target(%arg8 : memref<32x768xf32, #tpu.memory_space<vmem>>) offsets(%dma_start3A_14 : memref<32xi32, #tpu.memory_space<vmem>>) semaphore(%arg12 : memref<!tpu.dma_semaphore, #tpu.memory_space<semaphore_mem>>)
    %add3A_18 = arith.constant 32 : i32
    %add3A_19 = arith.addi %mul3A_2, %add3A_18 : i32
    %dma_start3A_20 = arith.constant 0 : i32
    %dma_start3A_21 = tpu.memref_slice %arg2[%add3A_19, %dma_start3A_20] : memref<32768x768xf32, #tpu.memory_space<hbm>> -> memref<32x768xf32, #tpu.memory_space<hbm>>
    %dma_start3A_22 = arith.constant 0 : i32
    %dma_start3A_23 = tpu.memref_slice %arg2[%add3A_19, %dma_start3A_22] : memref<32768x768xf32, #tpu.memory_space<hbm>> -> memref<32x768xf32, #tpu.memory_space<hbm>>
    tpu.enqueue_dma source(%dma_start3A_23 : memref<32x768xf32, #tpu.memory_space<hbm>>) target(%arg10 : memref<32x768xf32, #tpu.memory_space<vmem>>) target_semaphore(%arg14 : memref<!tpu.dma_semaphore, #tpu.memory_space<semaphore_mem>>)
    %scan3A = arith.constant 0 : i32
    %scan3A_24 = arith.constant 0 : i32
    %scan3A_25 = arith.constant 15 : i32
    %scan3A_26 = arith.addi %scan3A_24, %scan3A_25 : i32
    %scan3A_27 = arith.constant 1 : i32
    %scan3A_28 = scf.for %scan3A_89 = %scan3A_24 to %scan3A_26 step %scan3A_27 iter_args(%scan3A_90 = %scan3A) -> (i32)  : i32 {
      %mul3A_91 = arith.constant 2 : i32
      %mul3A_92 = arith.muli %scan3A_89, %mul3A_91 : i32
      %add3A_93 = arith.constant 0 : i32
      %add3A_94 = arith.addi %mul3A_92, %add3A_93 : i32
      %mul3A_95 = arith.constant 32 : i32
      %mul3A_96 = arith.muli %add3A_94, %mul3A_95 : i32
      %dma_wait3A_97 = tpu.memref_slice %arg6[%mul3A_96] : memref<1024xi32, #tpu.memory_space<vmem>> -> memref<32xi32, #tpu.memory_space<vmem>>
      %dma_wait3A_98 = arith.constant 0 : i32
      %dma_wait3A_99 = arith.constant 0 : i32
      %dma_wait3A_100 = tpu.memref_slice %arg4[%dma_wait3A_98, %dma_wait3A_99] : memref<8192x768xf32, #tpu.memory_space<hbm>> -> memref<8192x768xf32, #tpu.memory_space<hbm>>
      tpu.wait_indirect_dma semaphore(%arg11 : memref<!tpu.dma_semaphore, #tpu.memory_space<semaphore_mem>>) src(%dma_wait3A_100 : memref<8192x768xf32, #tpu.memory_space<hbm>>) dst(%arg7 : memref<32x768xf32, #tpu.memory_space<vmem>>)
      %mul3A_101 = arith.constant 32 : i32
      %mul3A_102 = arith.muli %add3A_94, %mul3A_101 : i32
      %add3A_103 = arith.addi %mul3A_2, %mul3A_102 : i32
      %dma_wait3A_104 = arith.constant 0 : i32
      %dma_wait3A_105 = tpu.memref_slice %arg2[%add3A_103, %dma_wait3A_104] : memref<32768x768xf32, #tpu.memory_space<hbm>> -> memref<32x768xf32, #tpu.memory_space<hbm>>
      %dma_wait3A_106 = arith.constant 0 : i32
      %dma_wait3A_107 = tpu.memref_slice %arg2[%add3A_103, %dma_wait3A_106] : memref<32768x768xf32, #tpu.memory_space<hbm>> -> memref<32x768xf32, #tpu.memory_space<hbm>>
      tpu.wait_dma2 semaphore(%arg13 : memref<!tpu.dma_semaphore, #tpu.memory_space<semaphore_mem>>) src(%dma_wait3A_107 : memref<32x768xf32, #tpu.memory_space<hbm>>) dst(%arg9 : memref<32x768xf32, #tpu.memory_space<vmem>>)
      %scan3A_108 = arith.constant 0 : i32
      %scan3A_109 = arith.constant 0 : i32
      %scan3A_110 = arith.constant 32 : i32
      %scan3A_111 = arith.addi %scan3A_109, %scan3A_110 : i32
      %scan3A_112 = arith.constant 1 : i32
      %scan3A_113 = scf.for %scan3A_216 = %scan3A_109 to %scan3A_111 step %scan3A_112 iter_args(%scan3A_217 = %scan3A_108) -> (i32)  : i32 {
        %get3A = arith.index_cast %scan3A_216 : i32 to index
        %get3A_218 = arith.constant 0 : index
        %get3A_219 = tpu.vector_load %arg7[%get3A, %get3A_218] {strides = array<i32>} : memref<32x768xf32, #tpu.memory_space<vmem>>, vector<1x16xf32>,
        %get3A_220 = vector.shape_cast %get3A_219 : vector<1x16xf32> to vector<16xf32>
        %swap3A = arith.index_cast %scan3A_216 : i32 to index
        %swap3A_221 = arith.constant 0 : index
        %swap3A_222 = tpu.vector_load %arg9[%swap3A, %swap3A_221] {strides = array<i32>} : memref<32x768xf32, #tpu.memory_space<vmem>>, vector<1x16xf32>,
        %swap3A_223 = vector.shape_cast %swap3A_222 : vector<1x16xf32> to vector<16xf32>
        %swap3A_224 = vector.shape_cast %get3A_220 : vector<16xf32> to vector<1x16xf32>
        tpu.vector_store %arg9[%swap3A, %swap3A_221], %swap3A_224 {add = true, strides = array<i32>} : memref<32x768xf32, #tpu.memory_space<vmem>>, vector<1x16xf32>,
        %get3A_225 = arith.index_cast %scan3A_216 : i32 to index
        %get3A_226 = arith.constant 16 : index
        %get3A_227 = tpu.vector_load %arg7[%get3A_225, %get3A_226] {strides = array<i32>} : memref<32x768xf32, #tpu.memory_space<vmem>>, vector<1x16xf32>,
        %get3A_228 = vector.shape_cast %get3A_227 : vector<1x16xf32> to vector<16xf32>
        %swap3A_229 = arith.index_cast %scan3A_216 : i32 to index
        %swap3A_230 = arith.constant 16 : index
        %swap3A_231 = tpu.vector_load %arg9[%swap3A_229, %swap3A_230] {strides = array<i32>} : memref<32x768xf32, #tpu.memory_space<vmem>>, vector<1x16xf32>,
        %swap3A_232 = vector.shape_cast %swap3A_231 : vector<1x16xf32> to vector<16xf32>
        %swap3A_233 = vector.shape_cast %get3A_228 : vector<16xf32> to vector<1x16xf32>
        tpu.vector_store %arg9[%swap3A_229, %swap3A_230], %swap3A_233 {add = true, strides = array<i32>} : memref<32x768xf32, #tpu.memory_space<vmem>>, vector<1x16xf32>,
        %get3A_234 = arith.index_cast %scan3A_216 : i32 to index
        %get3A_235 = arith.constant 32 : index
        %get3A_236 = tpu.vector_load %arg7[%get3A_234, %get3A_235] {strides = array<i32>} : memref<32x768xf32, #tpu.memory_space<vmem>>, vector<1x16xf32>,
        %get3A_237 = vector.shape_cast %get3A_236 : vector<1x16xf32> to vector<16xf32>
        %swap3A_238 = arith.index_cast %scan3A_216 : i32 to index
        %swap3A_239 = arith.constant 32 : index
        %swap3A_240 = tpu.vector_load %arg9[%swap3A_238, %swap3A_239] {strides = array<i32>} : memref<32x768xf32, #tpu.memory_space<vmem>>, vector<1x16xf32>,
        %swap3A_241 = vector.shape_cast %swap3A_240 : vector<1x16xf32> to vector<16xf32>
        %swap3A_242 = vector.shape_cast %get3A_237 : vector<16xf32> to vector<1x16xf32>
        tpu.vector_store %arg9[%swap3A_238, %swap3A_239], %swap3A_242 {add = true, strides = array<i32>} : memref<32x768xf32, #tpu.memory_space<vmem>>, vector<1x16xf32>,
        %get3A_243 = arith.index_cast %scan3A_216 : i32 to index
        %get3A_244 = arith.constant 48 : index
        %get3A_245 = tpu.vector_load %arg7[%get3A_243, %get3A_244] {strides = array<i32>} : memref<32x768xf32, #tpu.memory_space<vmem>>, vector<1x16xf32>,
        %get3A_246 = vector.shape_cast %get3A_245 : vector<1x16xf32> to vector<16xf32>
        %swap3A_247 = arith.index_cast %scan3A_216 : i32 to index
        %swap3A_248 = arith.constant 48 : index
        %swap3A_249 = tpu.vector_load %arg9[%swap3A_247, %swap3A_248] {strides = array<i32>} : memref<32x768xf32, #tpu.memory_space<vmem>>, vector<1x16xf32>,
        %swap3A_250 = vector.shape_cast %swap3A_249 : vector<1x16xf32> to vector<16xf32>
        %swap3A_251 = vector.shape_cast %get3A_246 : vector<16xf32> to vector<1x16xf32>
        tpu.vector_store %arg9[%swap3A_247, %swap3A_248], %swap3A_251 {add = true, strides = array<i32>} : memref<32x768xf32, #tpu.memory_space<vmem>>, vector<1x16xf32>,
        %get3A_252 = arith.index_cast %scan3A_216 : i32 to index
        %get3A_253 = arith.constant 64 : index
        %get3A_254 = tpu.vector_load %arg7[%get3A_252, %get3A_253] {strides = array<i32>} : memref<32x768xf32, #tpu.memory_space<vmem>>, vector<1x16xf32>,
        %get3A_255 = vector.shape_cast %get3A_254 : vector<1x16xf32> to vector<16xf32>
        %swap3A_256 = arith.index_cast %scan3A_216 : i32 to index
        %swap3A_257 = arith.constant 64 : index
        %swap3A_258 = tpu.vector_load %arg9[%swap3A_256, %swap3A_257] {strides = array<i32>} : memref<32x768xf32, #tpu.memory_space<vmem>>, vector<1x16xf32>,
        %swap3A_259 = vector.shape_cast %swap3A_258 : vector<1x16xf32> to vector<16xf32>
        %swap3A_260 = vector.shape_cast %get3A_255 : vector<16xf32> to vector<1x16xf32>
        tpu.vector_store %arg9[%swap3A_256, %swap3A_257], %swap3A_260 {add = true, strides = array<i32>} : memref<32x768xf32, #tpu.memory_space<vmem>>, vector<1x16xf32>,
        %get3A_261 = arith.index_cast %scan3A_216 : i32 to index
        %get3A_262 = arith.constant 80 : index
        %get3A_263 = tpu.vector_load %arg7[%get3A_261, %get3A_262] {strides = array<i32>} : memref<32x768xf32, #tpu.memory_space<vmem>>, vector<1x16xf32>,
        %get3A_264 = vector.shape_cast %get3A_263 : vector<1x16xf32> to vector<16xf32>
        %swap3A_265 = arith.index_cast %scan3A_216 : i32 to index
        %swap3A_266 = arith.constant 80 : index
        %swap3A_267 = tpu.vector_load %arg9[%swap3A_265, %swap3A_266] {strides = array<i32>} : memref<32x768xf32, #tpu.memory_space<vmem>>, vector<1x16xf32>,
        %swap3A_268 = vector.shape_cast %swap3A_267 : vector<1x16xf32> to vector<16xf32>
        %swap3A_269 = vector.shape_cast %get3A_264 : vector<16xf32> to vector<1x16xf32>
        tpu.vector_store %arg9[%swap3A_265, %swap3A_266], %swap3A_269 {add = true, strides = array<i32>} : memref<32x768xf32, #tpu.memory_space<vmem>>, vector<1x16xf32>,
        %get3A_270 = arith.index_cast %scan3A_216 : i32 to index
        %get3A_271 = arith.constant 96 : index
        %get3A_272 = tpu.vector_load %arg7[%get3A_270, %get3A_271] {strides = array<i32>} : memref<32x768xf32, #tpu.memory_space<vmem>>, vector<1x16xf32>,
        %get3A_273 = vector.shape_cast %get3A_272 : vector<1x16xf32> to vector<16xf32>
        %swap3A_274 = arith.index_cast %scan3A_216 : i32 to index
        %swap3A_275 = arith.constant 96 : index
        %swap3A_276 = tpu.vector_load %arg9[%swap3A_274, %swap3A_275] {strides = array<i32>} : memref<32x768xf32, #tpu.memory_space<vmem>>, vector<1x16xf32>,
        %swap3A_277 = vector.shape_cast %swap3A_276 : vector<1x16xf32> to vector<16xf32>
        %swap3A_278 = vector.shape_cast %get3A_273 : vector<16xf32> to vector<1x16xf32>
        tpu.vector_store %arg9[%swap3A_274, %swap3A_275], %swap3A_278 {add = true, strides = array<i32>} : memref<32x768xf32, #tpu.memory_space<vmem>>, vector<1x16xf32>,
        %get3A_279 = arith.index_cast %scan3A_216 : i32 to index
        %get3A_280 = arith.constant 112 : index
        %get3A_281 = tpu.vector_load %arg7[%get3A_279, %get3A_280] {strides = array<i32>} : memref<32x768xf32, #tpu.memory_space<vmem>>, vector<1x16xf32>,
        %get3A_282 = vector.shape_cast %get3A_281 : vector<1x16xf32> to vector<16xf32>
        %swap3A_283 = arith.index_cast %scan3A_216 : i32 to index
        %swap3A_284 = arith.constant 112 : index
        %swap3A_285 = tpu.vector_load %arg9[%swap3A_283, %swap3A_284] {strides = array<i32>} : memref<32x768xf32, #tpu.memory_space<vmem>>, vector<1x16xf32>,
        %swap3A_286 = vector.shape_cast %swap3A_285 : vector<1x16xf32> to vector<16xf32>
        %swap3A_287 = vector.shape_cast %get3A_282 : vector<16xf32> to vector<1x16xf32>
        tpu.vector_store %arg9[%swap3A_283, %swap3A_284], %swap3A_287 {add = true, strides = array<i32>} : memref<32x768xf32, #tpu.memory_space<vmem>>, vector<1x16xf32>,
        %get3A_288 = arith.index_cast %scan3A_216 : i32 to index
        %get3A_289 = arith.constant 128 : index
        %get3A_290 = tpu.vector_load %arg7[%get3A_288, %get3A_289] {strides = array<i32>} : memref<32x768xf32, #tpu.memory_space<vmem>>, vector<1x16xf32>,
        %get3A_291 = vector.shape_cast %get3A_290 : vector<1x16xf32> to vector<16xf32>
        %swap3A_292 = arith.index_cast %scan3A_216 : i32 to index
        %swap3A_293 = arith.constant 128 : index
        %swap3A_294 = tpu.vector_load %arg9[%swap3A_292, %swap3A_293] {strides = array<i32>} : memref<32x768xf32, #tpu.memory_space<vmem>>, vector<1x16xf32>,
        %swap3A_295 = vector.shape_cast %swap3A_294 : vector<1x16xf32> to vector<16xf32>
        %swap3A_296 = vector.shape_cast %get3A_291 : vector<16xf32> to vector<1x16xf32>
        tpu.vector_store %arg9[%swap3A_292, %swap3A_293], %swap3A_296 {add = true, strides = array<i32>} : memref<32x768xf32, #tpu.memory_space<vmem>>, vector<1x16xf32>,
        %get3A_297 = arith.index_cast %scan3A_216 : i32 to index
        %get3A_298 = arith.constant 144 : index
        %get3A_299 = tpu.vector_load %arg7[%get3A_297, %get3A_298] {strides = array<i32>} : memref<32x768xf32, #tpu.memory_space<vmem>>, vector<1x16xf32>,
        %get3A_300 = vector.shape_cast %get3A_299 : vector<1x16xf32> to vector<16xf32>
        %swap3A_301 = arith.index_cast %scan3A_216 : i32 to index
        %swap3A_302 = arith.constant 144 : index
        %swap3A_303 = tpu.vector_load %arg9[%swap3A_301, %swap3A_302] {strides = array<i32>} : memref<32x768xf32, #tpu.memory_space<vmem>>, vector<1x16xf32>,
        %swap3A_304 = vector.shape_cast %swap3A_303 : vector<1x16xf32> to vector<16xf32>
        %swap3A_305 = vector.shape_cast %get3A_300 : vector<16xf32> to vector<1x16xf32>
        tpu.vector_store %arg9[%swap3A_301, %swap3A_302], %swap3A_305 {add = true, strides = array<i32>} : memref<32x768xf32, #tpu.memory_space<vmem>>, vector<1x16xf32>,
        %get3A_306 = arith.index_cast %scan3A_216 : i32 to index
        %get3A_307 = arith.constant 160 : index
        %get3A_308 = tpu.vector_load %arg7[%get3A_306, %get3A_307] {strides = array<i32>} : memref<32x768xf32, #tpu.memory_space<vmem>>, vector<1x16xf32>,
        %get3A_309 = vector.shape_cast %get3A_308 : vector<1x16xf32> to vector<16xf32>
        %swap3A_310 = arith.index_cast %scan3A_216 : i32 to index
        %swap3A_311 = arith.constant 160 : index
        %swap3A_312 = tpu.vector_load %arg9[%swap3A_310, %swap3A_311] {strides = array<i32>} : memref<32x768xf32, #tpu.memory_space<vmem>>, vector<1x16xf32>,
        %swap3A_313 = vector.shape_cast %swap3A_312 : vector<1x16xf32> to vector<16xf32>
        %swap3A_314 = vector.shape_cast %get3A_309 : vector<16xf32> to vector<1x16xf32>
        tpu.vector_store %arg9[%swap3A_310, %swap3A_311], %swap3A_314 {add = true, strides = array<i32>} : memref<32x768xf32, #tpu.memory_space<vmem>>, vector<1x16xf32>,
        %get3A_315 = arith.index_cast %scan3A_216 : i32 to index
        %get3A_316 = arith.constant 176 : index
        %get3A_317 = tpu.vector_load %arg7[%get3A_315, %get3A_316] {strides = array<i32>} : memref<32x768xf32, #tpu.memory_space<vmem>>, vector<1x16xf32>,
        %get3A_318 = vector.shape_cast %get3A_317 : vector<1x16xf32> to vector<16xf32>
        %swap3A_319 = arith.index_cast %scan3A_216 : i32 to index
        %swap3A_320 = arith.constant 176 : index
        %swap3A_321 = tpu.vector_load %arg9[%swap3A_319, %swap3A_320] {strides = array<i32>} : memref<32x768xf32, #tpu.memory_space<vmem>>, vector<1x16xf32>,
        %swap3A_322 = vector.shape_cast %swap3A_321 : vector<1x16xf32> to vector<16xf32>
        %swap3A_323 = vector.shape_cast %get3A_318 : vector<16xf32> to vector<1x16xf32>
        tpu.vector_store %arg9[%swap3A_319, %swap3A_320], %swap3A_323 {add = true, strides = array<i32>} : memref<32x768xf32, #tpu.memory_space<vmem>>, vector<1x16xf32>,
        %get3A_324 = arith.index_cast %scan3A_216 : i32 to index
        %get3A_325 = arith.constant 192 : index
        %get3A_326 = tpu.vector_load %arg7[%get3A_324, %get3A_325] {strides = array<i32>} : memref<32x768xf32, #tpu.memory_space<vmem>>, vector<1x16xf32>,
        %get3A_327 = vector.shape_cast %get3A_326 : vector<1x16xf32> to vector<16xf32>
        %swap3A_328 = arith.index_cast %scan3A_216 : i32 to index
        %swap3A_329 = arith.constant 192 : index
        %swap3A_330 = tpu.vector_load %arg9[%swap3A_328, %swap3A_329] {strides = array<i32>} : memref<32x768xf32, #tpu.memory_space<vmem>>, vector<1x16xf32>,
        %swap3A_331 = vector.shape_cast %swap3A_330 : vector<1x16xf32> to vector<16xf32>
        %swap3A_332 = vector.shape_cast %get3A_327 : vector<16xf32> to vector<1x16xf32>
        tpu.vector_store %arg9[%swap3A_328, %swap3A_329], %swap3A_332 {add = true, strides = array<i32>} : memref<32x768xf32, #tpu.memory_space<vmem>>, vector<1x16xf32>,
        %get3A_333 = arith.index_cast %scan3A_216 : i32 to index
        %get3A_334 = arith.constant 208 : index
        %get3A_335 = tpu.vector_load %arg7[%get3A_333, %get3A_334] {strides = array<i32>} : memref<32x768xf32, #tpu.memory_space<vmem>>, vector<1x16xf32>,
        %get3A_336 = vector.shape_cast %get3A_335 : vector<1x16xf32> to vector<16xf32>
        %swap3A_337 = arith.index_cast %scan3A_216 : i32 to index
        %swap3A_338 = arith.constant 208 : index
        %swap3A_339 = tpu.vector_load %arg9[%swap3A_337, %swap3A_338] {strides = array<i32>} : memref<32x768xf32, #tpu.memory_space<vmem>>, vector<1x16xf32>,
        %swap3A_340 = vector.shape_cast %swap3A_339 : vector<1x16xf32> to vector<16xf32>
        %swap3A_341 = vector.shape_cast %get3A_336 : vector<16xf32> to vector<1x16xf32>
        tpu.vector_store %arg9[%swap3A_337, %swap3A_338], %swap3A_341 {add = true, strides = array<i32>} : memref<32x768xf32, #tpu.memory_space<vmem>>, vector<1x16xf32>,
        %get3A_342 = arith.index_cast %scan3A_216 : i32 to index
        %get3A_343 = arith.constant 224 : index
        %get3A_344 = tpu.vector_load %arg7[%get3A_342, %get3A_343] {strides = array<i32>} : memref<32x768xf32, #tpu.memory_space<vmem>>, vector<1x16xf32>,
        %get3A_345 = vector.shape_cast %get3A_344 : vector<1x16xf32> to vector<16xf32>
        %swap3A_346 = arith.index_cast %scan3A_216 : i32 to index
        %swap3A_347 = arith.constant 224 : index
        %swap3A_348 = tpu.vector_load %arg9[%swap3A_346, %swap3A_347] {strides = array<i32>} : memref<32x768xf32, #tpu.memory_space<vmem>>, vector<1x16xf32>,
        %swap3A_349 = vector.shape_cast %swap3A_348 : vector<1x16xf32> to vector<16xf32>
        %swap3A_350 = vector.shape_cast %get3A_345 : vector<16xf32> to vector<1x16xf32>
        tpu.vector_store %arg9[%swap3A_346, %swap3A_347], %swap3A_350 {add = true, strides = array<i32>} : memref<32x768xf32, #tpu.memory_space<vmem>>, vector<1x16xf32>,
        %get3A_351 = arith.index_cast %scan3A_216 : i32 to index
        %get3A_352 = arith.constant 240 : index
        %get3A_353 = tpu.vector_load %arg7[%get3A_351, %get3A_352] {strides = array<i32>} : memref<32x768xf32, #tpu.memory_space<vmem>>, vector<1x16xf32>,
        %get3A_354 = vector.shape_cast %get3A_353 : vector<1x16xf32> to vector<16xf32>
        %swap3A_355 = arith.index_cast %scan3A_216 : i32 to index
        %swap3A_356 = arith.constant 240 : index
        %swap3A_357 = tpu.vector_load %arg9[%swap3A_355, %swap3A_356] {strides = array<i32>} : memref<32x768xf32, #tpu.memory_space<vmem>>, vector<1x16xf32>,
        %swap3A_358 = vector.shape_cast %swap3A_357 : vector<1x16xf32> to vector<16xf32>
        %swap3A_359 = vector.shape_cast %get3A_354 : vector<16xf32> to vector<1x16xf32>
        tpu.vector_store %arg9[%swap3A_355, %swap3A_356], %swap3A_359 {add = true, strides = array<i32>} : memref<32x768xf32, #tpu.memory_space<vmem>>, vector<1x16xf32>,
        %get3A_360 = arith.index_cast %scan3A_216 : i32 to index
        %get3A_361 = arith.constant 256 : index
        %get3A_362 = tpu.vector_load %arg7[%get3A_360, %get3A_361] {strides = array<i32>} : memref<32x768xf32, #tpu.memory_space<vmem>>, vector<1x16xf32>,
        %get3A_363 = vector.shape_cast %get3A_362 : vector<1x16xf32> to vector<16xf32>
        %swap3A_364 = arith.index_cast %scan3A_216 : i32 to index
        %swap3A_365 = arith.constant 256 : index
        %swap3A_366 = tpu.vector_load %arg9[%swap3A_364, %swap3A_365] {strides = array<i32>} : memref<32x768xf32, #tpu.memory_space<vmem>>, vector<1x16xf32>,
        %swap3A_367 = vector.shape_cast %swap3A_366 : vector<1x16xf32> to vector<16xf32>
        %swap3A_368 = vector.shape_cast %get3A_363 : vector<16xf32> to vector<1x16xf32>
        tpu.vector_store %arg9[%swap3A_364, %swap3A_365], %swap3A_368 {add = true, strides = array<i32>} : memref<32x768xf32, #tpu.memory_space<vmem>>, vector<1x16xf32>,
        %get3A_369 = arith.index_cast %scan3A_216 : i32 to index
        %get3A_370 = arith.constant 272 : index
        %get3A_371 = tpu.vector_load %arg7[%get3A_369, %get3A_370] {strides = array<i32>} : memref<32x768xf32, #tpu.memory_space<vmem>>, vector<1x16xf32>,
        %get3A_372 = vector.shape_cast %get3A_371 : vector<1x16xf32> to vector<16xf32>
        %swap3A_373 = arith.index_cast %scan3A_216 : i32 to index
        %swap3A_374 = arith.constant 272 : index
        %swap3A_375 = tpu.vector_load %arg9[%swap3A_373, %swap3A_374] {strides = array<i32>} : memref<32x768xf32, #tpu.memory_space<vmem>>, vector<1x16xf32>,
        %swap3A_376 = vector.shape_cast %swap3A_375 : vector<1x16xf32> to vector<16xf32>
        %swap3A_377 = vector.shape_cast %get3A_372 : vector<16xf32> to vector<1x16xf32>
        tpu.vector_store %arg9[%swap3A_373, %swap3A_374], %swap3A_377 {add = true, strides = array<i32>} : memref<32x768xf32, #tpu.memory_space<vmem>>, vector<1x16xf32>,
        %get3A_378 = arith.index_cast %scan3A_216 : i32 to index
        %get3A_379 = arith.constant 288 : index
        %get3A_380 = tpu.vector_load %arg7[%get3A_378, %get3A_379] {strides = array<i32>} : memref<32x768xf32, #tpu.memory_space<vmem>>, vector<1x16xf32>,
        %get3A_381 = vector.shape_cast %get3A_380 : vector<1x16xf32> to vector<16xf32>
        %swap3A_382 = arith.index_cast %scan3A_216 : i32 to index
        %swap3A_383 = arith.constant 288 : index
        %swap3A_384 = tpu.vector_load %arg9[%swap3A_382, %swap3A_383] {strides = array<i32>} : memref<32x768xf32, #tpu.memory_space<vmem>>, vector<1x16xf32>,
        %swap3A_385 = vector.shape_cast %swap3A_384 : vector<1x16xf32> to vector<16xf32>
        %swap3A_386 = vector.shape_cast %get3A_381 : vector<16xf32> to vector<1x16xf32>
        tpu.vector_store %arg9[%swap3A_382, %swap3A_383], %swap3A_386 {add = true, strides = array<i32>} : memref<32x768xf32, #tpu.memory_space<vmem>>, vector<1x16xf32>,
        %get3A_387 = arith.index_cast %scan3A_216 : i32 to index
        %get3A_388 = arith.constant 304 : index
        %get3A_389 = tpu.vector_load %arg7[%get3A_387, %get3A_388] {strides = array<i32>} : memref<32x768xf32, #tpu.memory_space<vmem>>, vector<1x16xf32>,
        %get3A_390 = vector.shape_cast %get3A_389 : vector<1x16xf32> to vector<16xf32>
        %swap3A_391 = arith.index_cast %scan3A_216 : i32 to index
        %swap3A_392 = arith.constant 304 : index
        %swap3A_393 = tpu.vector_load %arg9[%swap3A_391, %swap3A_392] {strides = array<i32>} : memref<32x768xf32, #tpu.memory_space<vmem>>, vector<1x16xf32>,
        %swap3A_394 = vector.shape_cast %swap3A_393 : vector<1x16xf32> to vector<16xf32>
        %swap3A_395 = vector.shape_cast %get3A_390 : vector<16xf32> to vector<1x16xf32>
        tpu.vector_store %arg9[%swap3A_391, %swap3A_392], %swap3A_395 {add = true, strides = array<i32>} : memref<32x768xf32, #tpu.memory_space<vmem>>, vector<1x16xf32>,
        %get3A_396 = arith.index_cast %scan3A_216 : i32 to index
        %get3A_397 = arith.constant 320 : index
        %get3A_398 = tpu.vector_load %arg7[%get3A_396, %get3A_397] {strides = array<i32>} : memref<32x768xf32, #tpu.memory_space<vmem>>, vector<1x16xf32>,
        %get3A_399 = vector.shape_cast %get3A_398 : vector<1x16xf32> to vector<16xf32>
        %swap3A_400 = arith.index_cast %scan3A_216 : i32 to index
        %swap3A_401 = arith.constant 320 : index
        %swap3A_402 = tpu.vector_load %arg9[%swap3A_400, %swap3A_401] {strides = array<i32>} : memref<32x768xf32, #tpu.memory_space<vmem>>, vector<1x16xf32>,
        %swap3A_403 = vector.shape_cast %swap3A_402 : vector<1x16xf32> to vector<16xf32>
        %swap3A_404 = vector.shape_cast %get3A_399 : vector<16xf32> to vector<1x16xf32>
        tpu.vector_store %arg9[%swap3A_400, %swap3A_401], %swap3A_404 {add = true, strides = array<i32>} : memref<32x768xf32, #tpu.memory_space<vmem>>, vector<1x16xf32>,
        %get3A_405 = arith.index_cast %scan3A_216 : i32 to index
        %get3A_406 = arith.constant 336 : index
        %get3A_407 = tpu.vector_load %arg7[%get3A_405, %get3A_406] {strides = array<i32>} : memref<32x768xf32, #tpu.memory_space<vmem>>, vector<1x16xf32>,
        %get3A_408 = vector.shape_cast %get3A_407 : vector<1x16xf32> to vector<16xf32>
        %swap3A_409 = arith.index_cast %scan3A_216 : i32 to index
        %swap3A_410 = arith.constant 336 : index
        %swap3A_411 = tpu.vector_load %arg9[%swap3A_409, %swap3A_410] {strides = array<i32>} : memref<32x768xf32, #tpu.memory_space<vmem>>, vector<1x16xf32>,
        %swap3A_412 = vector.shape_cast %swap3A_411 : vector<1x16xf32> to vector<16xf32>
        %swap3A_413 = vector.shape_cast %get3A_408 : vector<16xf32> to vector<1x16xf32>
        tpu.vector_store %arg9[%swap3A_409, %swap3A_410], %swap3A_413 {add = true, strides = array<i32>} : memref<32x768xf32, #tpu.memory_space<vmem>>, vector<1x16xf32>,
        %get3A_414 = arith.index_cast %scan3A_216 : i32 to index
        %get3A_415 = arith.constant 352 : index
        %get3A_416 = tpu.vector_load %arg7[%get3A_414, %get3A_415] {strides = array<i32>} : memref<32x768xf32, #tpu.memory_space<vmem>>, vector<1x16xf32>,
        %get3A_417 = vector.shape_cast %get3A_416 : vector<1x16xf32> to vector<16xf32>
        %swap3A_418 = arith.index_cast %scan3A_216 : i32 to index
        %swap3A_419 = arith.constant 352 : index
        %swap3A_420 = tpu.vector_load %arg9[%swap3A_418, %swap3A_419] {strides = array<i32>} : memref<32x768xf32, #tpu.memory_space<vmem>>, vector<1x16xf32>,
        %swap3A_421 = vector.shape_cast %swap3A_420 : vector<1x16xf32> to vector<16xf32>
        %swap3A_422 = vector.shape_cast %get3A_417 : vector<16xf32> to vector<1x16xf32>
        tpu.vector_store %arg9[%swap3A_418, %swap3A_419], %swap3A_422 {add = true, strides = array<i32>} : memref<32x768xf32, #tpu.memory_space<vmem>>, vector<1x16xf32>,
        %get3A_423 = arith.index_cast %scan3A_216 : i32 to index
        %get3A_424 = arith.constant 368 : index
        %get3A_425 = tpu.vector_load %arg7[%get3A_423, %get3A_424] {strides = array<i32>} : memref<32x768xf32, #tpu.memory_space<vmem>>, vector<1x16xf32>,
        %get3A_426 = vector.shape_cast %get3A_425 : vector<1x16xf32> to vector<16xf32>
        %swap3A_427 = arith.index_cast %scan3A_216 : i32 to index
        %swap3A_428 = arith.constant 368 : index
        %swap3A_429 = tpu.vector_load %arg9[%swap3A_427, %swap3A_428] {strides = array<i32>} : memref<32x768xf32, #tpu.memory_space<vmem>>, vector<1x16xf32>,
        %swap3A_430 = vector.shape_cast %swap3A_429 : vector<1x16xf32> to vector<16xf32>
        %swap3A_431 = vector.shape_cast %get3A_426 : vector<16xf32> to vector<1x16xf32>
        tpu.vector_store %arg9[%swap3A_427, %swap3A_428], %swap3A_431 {add = true, strides = array<i32>} : memref<32x768xf32, #tpu.memory_space<vmem>>, vector<1x16xf32>,
        %get3A_432 = arith.index_cast %scan3A_216 : i32 to index
        %get3A_433 = arith.constant 384 : index
        %get3A_434 = tpu.vector_load %arg7[%get3A_432, %get3A_433] {strides = array<i32>} : memref<32x768xf32, #tpu.memory_space<vmem>>, vector<1x16xf32>,
        %get3A_435 = vector.shape_cast %get3A_434 : vector<1x16xf32> to vector<16xf32>
        %swap3A_436 = arith.index_cast %scan3A_216 : i32 to index
        %swap3A_437 = arith.constant 384 : index
        %swap3A_438 = tpu.vector_load %arg9[%swap3A_436, %swap3A_437] {strides = array<i32>} : memref<32x768xf32, #tpu.memory_space<vmem>>, vector<1x16xf32>,
        %swap3A_439 = vector.shape_cast %swap3A_438 : vector<1x16xf32> to vector<16xf32>
        %swap3A_440 = vector.shape_cast %get3A_435 : vector<16xf32> to vector<1x16xf32>
        tpu.vector_store %arg9[%swap3A_436, %swap3A_437], %swap3A_440 {add = true, strides = array<i32>} : memref<32x768xf32, #tpu.memory_space<vmem>>, vector<1x16xf32>,
        %get3A_441 = arith.index_cast %scan3A_216 : i32 to index
        %get3A_442 = arith.constant 400 : index
        %get3A_443 = tpu.vector_load %arg7[%get3A_441, %get3A_442] {strides = array<i32>} : memref<32x768xf32, #tpu.memory_space<vmem>>, vector<1x16xf32>,
        %get3A_444 = vector.shape_cast %get3A_443 : vector<1x16xf32> to vector<16xf32>
        %swap3A_445 = arith.index_cast %scan3A_216 : i32 to index
        %swap3A_446 = arith.constant 400 : index
        %swap3A_447 = tpu.vector_load %arg9[%swap3A_445, %swap3A_446] {strides = array<i32>} : memref<32x768xf32, #tpu.memory_space<vmem>>, vector<1x16xf32>,
        %swap3A_448 = vector.shape_cast %swap3A_447 : vector<1x16xf32> to vector<16xf32>
        %swap3A_449 = vector.shape_cast %get3A_444 : vector<16xf32> to vector<1x16xf32>
        tpu.vector_store %arg9[%swap3A_445, %swap3A_446], %swap3A_449 {add = true, strides = array<i32>} : memref<32x768xf32, #tpu.memory_space<vmem>>, vector<1x16xf32>,
        %get3A_450 = arith.index_cast %scan3A_216 : i32 to index
        %get3A_451 = arith.constant 416 : index
        %get3A_452 = tpu.vector_load %arg7[%get3A_450, %get3A_451] {strides = array<i32>} : memref<32x768xf32, #tpu.memory_space<vmem>>, vector<1x16xf32>,
        %get3A_453 = vector.shape_cast %get3A_452 : vector<1x16xf32> to vector<16xf32>
        %swap3A_454 = arith.index_cast %scan3A_216 : i32 to index
        %swap3A_455 = arith.constant 416 : index
        %swap3A_456 = tpu.vector_load %arg9[%swap3A_454, %swap3A_455] {strides = array<i32>} : memref<32x768xf32, #tpu.memory_space<vmem>>, vector<1x16xf32>,
        %swap3A_457 = vector.shape_cast %swap3A_456 : vector<1x16xf32> to vector<16xf32>
        %swap3A_458 = vector.shape_cast %get3A_453 : vector<16xf32> to vector<1x16xf32>
        tpu.vector_store %arg9[%swap3A_454, %swap3A_455], %swap3A_458 {add = true, strides = array<i32>} : memref<32x768xf32, #tpu.memory_space<vmem>>, vector<1x16xf32>,
        %get3A_459 = arith.index_cast %scan3A_216 : i32 to index
        %get3A_460 = arith.constant 432 : index
        %get3A_461 = tpu.vector_load %arg7[%get3A_459, %get3A_460] {strides = array<i32>} : memref<32x768xf32, #tpu.memory_space<vmem>>, vector<1x16xf32>,
        %get3A_462 = vector.shape_cast %get3A_461 : vector<1x16xf32> to vector<16xf32>
        %swap3A_463 = arith.index_cast %scan3A_216 : i32 to index
        %swap3A_464 = arith.constant 432 : index
        %swap3A_465 = tpu.vector_load %arg9[%swap3A_463, %swap3A_464] {strides = array<i32>} : memref<32x768xf32, #tpu.memory_space<vmem>>, vector<1x16xf32>,
        %swap3A_466 = vector.shape_cast %swap3A_465 : vector<1x16xf32> to vector<16xf32>
        %swap3A_467 = vector.shape_cast %get3A_462 : vector<16xf32> to vector<1x16xf32>
        tpu.vector_store %arg9[%swap3A_463, %swap3A_464], %swap3A_467 {add = true, strides = array<i32>} : memref<32x768xf32, #tpu.memory_space<vmem>>, vector<1x16xf32>,
        %get3A_468 = arith.index_cast %scan3A_216 : i32 to index
        %get3A_469 = arith.constant 448 : index
        %get3A_470 = tpu.vector_load %arg7[%get3A_468, %get3A_469] {strides = array<i32>} : memref<32x768xf32, #tpu.memory_space<vmem>>, vector<1x16xf32>,
        %get3A_471 = vector.shape_cast %get3A_470 : vector<1x16xf32> to vector<16xf32>
        %swap3A_472 = arith.index_cast %scan3A_216 : i32 to index
        %swap3A_473 = arith.constant 448 : index
        %swap3A_474 = tpu.vector_load %arg9[%swap3A_472, %swap3A_473] {strides = array<i32>} : memref<32x768xf32, #tpu.memory_space<vmem>>, vector<1x16xf32>,
        %swap3A_475 = vector.shape_cast %swap3A_474 : vector<1x16xf32> to vector<16xf32>
        %swap3A_476 = vector.shape_cast %get3A_471 : vector<16xf32> to vector<1x16xf32>
        tpu.vector_store %arg9[%swap3A_472, %swap3A_473], %swap3A_476 {add = true, strides = array<i32>} : memref<32x768xf32, #tpu.memory_space<vmem>>, vector<1x16xf32>,
        %get3A_477 = arith.index_cast %scan3A_216 : i32 to index
        %get3A_478 = arith.constant 464 : index
        %get3A_479 = tpu.vector_load %arg7[%get3A_477, %get3A_478] {strides = array<i32>} : memref<32x768xf32, #tpu.memory_space<vmem>>, vector<1x16xf32>,
        %get3A_480 = vector.shape_cast %get3A_479 : vector<1x16xf32> to vector<16xf32>
        %swap3A_481 = arith.index_cast %scan3A_216 : i32 to index
        %swap3A_482 = arith.constant 464 : index
        %swap3A_483 = tpu.vector_load %arg9[%swap3A_481, %swap3A_482] {strides = array<i32>} : memref<32x768xf32, #tpu.memory_space<vmem>>, vector<1x16xf32>,
        %swap3A_484 = vector.shape_cast %swap3A_483 : vector<1x16xf32> to vector<16xf32>
        %swap3A_485 = vector.shape_cast %get3A_480 : vector<16xf32> to vector<1x16xf32>
        tpu.vector_store %arg9[%swap3A_481, %swap3A_482], %swap3A_485 {add = true, strides = array<i32>} : memref<32x768xf32, #tpu.memory_space<vmem>>, vector<1x16xf32>,
        %get3A_486 = arith.index_cast %scan3A_216 : i32 to index
        %get3A_487 = arith.constant 480 : index
        %get3A_488 = tpu.vector_load %arg7[%get3A_486, %get3A_487] {strides = array<i32>} : memref<32x768xf32, #tpu.memory_space<vmem>>, vector<1x16xf32>,
        %get3A_489 = vector.shape_cast %get3A_488 : vector<1x16xf32> to vector<16xf32>
        %swap3A_490 = arith.index_cast %scan3A_216 : i32 to index
        %swap3A_491 = arith.constant 480 : index
        %swap3A_492 = tpu.vector_load %arg9[%swap3A_490, %swap3A_491] {strides = array<i32>} : memref<32x768xf32, #tpu.memory_space<vmem>>, vector<1x16xf32>,
        %swap3A_493 = vector.shape_cast %swap3A_492 : vector<1x16xf32> to vector<16xf32>
        %swap3A_494 = vector.shape_cast %get3A_489 : vector<16xf32> to vector<1x16xf32>
        tpu.vector_store %arg9[%swap3A_490, %swap3A_491], %swap3A_494 {add = true, strides = array<i32>} : memref<32x768xf32, #tpu.memory_space<vmem>>, vector<1x16xf32>,
        %get3A_495 = arith.index_cast %scan3A_216 : i32 to index
        %get3A_496 = arith.constant 496 : index
        %get3A_497 = tpu.vector_load %arg7[%get3A_495, %get3A_496] {strides = array<i32>} : memref<32x768xf32, #tpu.memory_space<vmem>>, vector<1x16xf32>,
        %get3A_498 = vector.shape_cast %get3A_497 : vector<1x16xf32> to vector<16xf32>
        %swap3A_499 = arith.index_cast %scan3A_216 : i32 to index
        %swap3A_500 = arith.constant 496 : index
        %swap3A_501 = tpu.vector_load %arg9[%swap3A_499, %swap3A_500] {strides = array<i32>} : memref<32x768xf32, #tpu.memory_space<vmem>>, vector<1x16xf32>,
        %swap3A_502 = vector.shape_cast %swap3A_501 : vector<1x16xf32> to vector<16xf32>
        %swap3A_503 = vector.shape_cast %get3A_498 : vector<16xf32> to vector<1x16xf32>
        tpu.vector_store %arg9[%swap3A_499, %swap3A_500], %swap3A_503 {add = true, strides = array<i32>} : memref<32x768xf32, #tpu.memory_space<vmem>>, vector<1x16xf32>,
        %get3A_504 = arith.index_cast %scan3A_216 : i32 to index
        %get3A_505 = arith.constant 512 : index
        %get3A_506 = tpu.vector_load %arg7[%get3A_504, %get3A_505] {strides = array<i32>} : memref<32x768xf32, #tpu.memory_space<vmem>>, vector<1x16xf32>,
        %get3A_507 = vector.shape_cast %get3A_506 : vector<1x16xf32> to vector<16xf32>
        %swap3A_508 = arith.index_cast %scan3A_216 : i32 to index
        %swap3A_509 = arith.constant 512 : index
        %swap3A_510 = tpu.vector_load %arg9[%swap3A_508, %swap3A_509] {strides = array<i32>} : memref<32x768xf32, #tpu.memory_space<vmem>>, vector<1x16xf32>,
        %swap3A_511 = vector.shape_cast %swap3A_510 : vector<1x16xf32> to vector<16xf32>
        %swap3A_512 = vector.shape_cast %get3A_507 : vector<16xf32> to vector<1x16xf32>
        tpu.vector_store %arg9[%swap3A_508, %swap3A_509], %swap3A_512 {add = true, strides = array<i32>} : memref<32x768xf32, #tpu.memory_space<vmem>>, vector<1x16xf32>,
        %get3A_513 = arith.index_cast %scan3A_216 : i32 to index
        %get3A_514 = arith.constant 528 : index
        %get3A_515 = tpu.vector_load %arg7[%get3A_513, %get3A_514] {strides = array<i32>} : memref<32x768xf32, #tpu.memory_space<vmem>>, vector<1x16xf32>,
        %get3A_516 = vector.shape_cast %get3A_515 : vector<1x16xf32> to vector<16xf32>
        %swap3A_517 = arith.index_cast %scan3A_216 : i32 to index
        %swap3A_518 = arith.constant 528 : index
        %swap3A_519 = tpu.vector_load %arg9[%swap3A_517, %swap3A_518] {strides = array<i32>} : memref<32x768xf32, #tpu.memory_space<vmem>>, vector<1x16xf32>,
        %swap3A_520 = vector.shape_cast %swap3A_519 : vector<1x16xf32> to vector<16xf32>
        %swap3A_521 = vector.shape_cast %get3A_516 : vector<16xf32> to vector<1x16xf32>
        tpu.vector_store %arg9[%swap3A_517, %swap3A_518], %swap3A_521 {add = true, strides = array<i32>} : memref<32x768xf32, #tpu.memory_space<vmem>>, vector<1x16xf32>,
        %get3A_522 = arith.index_cast %scan3A_216 : i32 to index
        %get3A_523 = arith.constant 544 : index
        %get3A_524 = tpu.vector_load %arg7[%get3A_522, %get3A_523] {strides = array<i32>} : memref<32x768xf32, #tpu.memory_space<vmem>>, vector<1x16xf32>,
        %get3A_525 = vector.shape_cast %get3A_524 : vector<1x16xf32> to vector<16xf32>
        %swap3A_526 = arith.index_cast %scan3A_216 : i32 to index
        %swap3A_527 = arith.constant 544 : index
        %swap3A_528 = tpu.vector_load %arg9[%swap3A_526, %swap3A_527] {strides = array<i32>} : memref<32x768xf32, #tpu.memory_space<vmem>>, vector<1x16xf32>,
        %swap3A_529 = vector.shape_cast %swap3A_528 : vector<1x16xf32> to vector<16xf32>
        %swap3A_530 = vector.shape_cast %get3A_525 : vector<16xf32> to vector<1x16xf32>
        tpu.vector_store %arg9[%swap3A_526, %swap3A_527], %swap3A_530 {add = true, strides = array<i32>} : memref<32x768xf32, #tpu.memory_space<vmem>>, vector<1x16xf32>,
        %get3A_531 = arith.index_cast %scan3A_216 : i32 to index
        %get3A_532 = arith.constant 560 : index
        %get3A_533 = tpu.vector_load %arg7[%get3A_531, %get3A_532] {strides = array<i32>} : memref<32x768xf32, #tpu.memory_space<vmem>>, vector<1x16xf32>,
        %get3A_534 = vector.shape_cast %get3A_533 : vector<1x16xf32> to vector<16xf32>
        %swap3A_535 = arith.index_cast %scan3A_216 : i32 to index
        %swap3A_536 = arith.constant 560 : index
        %swap3A_537 = tpu.vector_load %arg9[%swap3A_535, %swap3A_536] {strides = array<i32>} : memref<32x768xf32, #tpu.memory_space<vmem>>, vector<1x16xf32>,
        %swap3A_538 = vector.shape_cast %swap3A_537 : vector<1x16xf32> to vector<16xf32>
        %swap3A_539 = vector.shape_cast %get3A_534 : vector<16xf32> to vector<1x16xf32>
        tpu.vector_store %arg9[%swap3A_535, %swap3A_536], %swap3A_539 {add = true, strides = array<i32>} : memref<32x768xf32, #tpu.memory_space<vmem>>, vector<1x16xf32>,
        %get3A_540 = arith.index_cast %scan3A_216 : i32 to index
        %get3A_541 = arith.constant 576 : index
        %get3A_542 = tpu.vector_load %arg7[%get3A_540, %get3A_541] {strides = array<i32>} : memref<32x768xf32, #tpu.memory_space<vmem>>, vector<1x16xf32>,
        %get3A_543 = vector.shape_cast %get3A_542 : vector<1x16xf32> to vector<16xf32>
        %swap3A_544 = arith.index_cast %scan3A_216 : i32 to index
        %swap3A_545 = arith.constant 576 : index
        %swap3A_546 = tpu.vector_load %arg9[%swap3A_544, %swap3A_545] {strides = array<i32>} : memref<32x768xf32, #tpu.memory_space<vmem>>, vector<1x16xf32>,
        %swap3A_547 = vector.shape_cast %swap3A_546 : vector<1x16xf32> to vector<16xf32>
        %swap3A_548 = vector.shape_cast %get3A_543 : vector<16xf32> to vector<1x16xf32>
        tpu.vector_store %arg9[%swap3A_544, %swap3A_545], %swap3A_548 {add = true, strides = array<i32>} : memref<32x768xf32, #tpu.memory_space<vmem>>, vector<1x16xf32>,
        %get3A_549 = arith.index_cast %scan3A_216 : i32 to index
        %get3A_550 = arith.constant 592 : index
        %get3A_551 = tpu.vector_load %arg7[%get3A_549, %get3A_550] {strides = array<i32>} : memref<32x768xf32, #tpu.memory_space<vmem>>, vector<1x16xf32>,
        %get3A_552 = vector.shape_cast %get3A_551 : vector<1x16xf32> to vector<16xf32>
        %swap3A_553 = arith.index_cast %scan3A_216 : i32 to index
        %swap3A_554 = arith.constant 592 : index
        %swap3A_555 = tpu.vector_load %arg9[%swap3A_553, %swap3A_554] {strides = array<i32>} : memref<32x768xf32, #tpu.memory_space<vmem>>, vector<1x16xf32>,
        %swap3A_556 = vector.shape_cast %swap3A_555 : vector<1x16xf32> to vector<16xf32>
        %swap3A_557 = vector.shape_cast %get3A_552 : vector<16xf32> to vector<1x16xf32>
        tpu.vector_store %arg9[%swap3A_553, %swap3A_554], %swap3A_557 {add = true, strides = array<i32>} : memref<32x768xf32, #tpu.memory_space<vmem>>, vector<1x16xf32>,
        %get3A_558 = arith.index_cast %scan3A_216 : i32 to index
        %get3A_559 = arith.constant 608 : index
        %get3A_560 = tpu.vector_load %arg7[%get3A_558, %get3A_559] {strides = array<i32>} : memref<32x768xf32, #tpu.memory_space<vmem>>, vector<1x16xf32>,
        %get3A_561 = vector.shape_cast %get3A_560 : vector<1x16xf32> to vector<16xf32>
        %swap3A_562 = arith.index_cast %scan3A_216 : i32 to index
        %swap3A_563 = arith.constant 608 : index
        %swap3A_564 = tpu.vector_load %arg9[%swap3A_562, %swap3A_563] {strides = array<i32>} : memref<32x768xf32, #tpu.memory_space<vmem>>, vector<1x16xf32>,
        %swap3A_565 = vector.shape_cast %swap3A_564 : vector<1x16xf32> to vector<16xf32>
        %swap3A_566 = vector.shape_cast %get3A_561 : vector<16xf32> to vector<1x16xf32>
        tpu.vector_store %arg9[%swap3A_562, %swap3A_563], %swap3A_566 {add = true, strides = array<i32>} : memref<32x768xf32, #tpu.memory_space<vmem>>, vector<1x16xf32>,
        %get3A_567 = arith.index_cast %scan3A_216 : i32 to index
        %get3A_568 = arith.constant 624 : index
        %get3A_569 = tpu.vector_load %arg7[%get3A_567, %get3A_568] {strides = array<i32>} : memref<32x768xf32, #tpu.memory_space<vmem>>, vector<1x16xf32>,
        %get3A_570 = vector.shape_cast %get3A_569 : vector<1x16xf32> to vector<16xf32>
        %swap3A_571 = arith.index_cast %scan3A_216 : i32 to index
        %swap3A_572 = arith.constant 624 : index
        %swap3A_573 = tpu.vector_load %arg9[%swap3A_571, %swap3A_572] {strides = array<i32>} : memref<32x768xf32, #tpu.memory_space<vmem>>, vector<1x16xf32>,
        %swap3A_574 = vector.shape_cast %swap3A_573 : vector<1x16xf32> to vector<16xf32>
        %swap3A_575 = vector.shape_cast %get3A_570 : vector<16xf32> to vector<1x16xf32>
        tpu.vector_store %arg9[%swap3A_571, %swap3A_572], %swap3A_575 {add = true, strides = array<i32>} : memref<32x768xf32, #tpu.memory_space<vmem>>, vector<1x16xf32>,
        %get3A_576 = arith.index_cast %scan3A_216 : i32 to index
        %get3A_577 = arith.constant 640 : index
        %get3A_578 = tpu.vector_load %arg7[%get3A_576, %get3A_577] {strides = array<i32>} : memref<32x768xf32, #tpu.memory_space<vmem>>, vector<1x16xf32>,
        %get3A_579 = vector.shape_cast %get3A_578 : vector<1x16xf32> to vector<16xf32>
        %swap3A_580 = arith.index_cast %scan3A_216 : i32 to index
        %swap3A_581 = arith.constant 640 : index
        %swap3A_582 = tpu.vector_load %arg9[%swap3A_580, %swap3A_581] {strides = array<i32>} : memref<32x768xf32, #tpu.memory_space<vmem>>, vector<1x16xf32>,
        %swap3A_583 = vector.shape_cast %swap3A_582 : vector<1x16xf32> to vector<16xf32>
        %swap3A_584 = vector.shape_cast %get3A_579 : vector<16xf32> to vector<1x16xf32>
        tpu.vector_store %arg9[%swap3A_580, %swap3A_581], %swap3A_584 {add = true, strides = array<i32>} : memref<32x768xf32, #tpu.memory_space<vmem>>, vector<1x16xf32>,
        %get3A_585 = arith.index_cast %scan3A_216 : i32 to index
        %get3A_586 = arith.constant 656 : index
        %get3A_587 = tpu.vector_load %arg7[%get3A_585, %get3A_586] {strides = array<i32>} : memref<32x768xf32, #tpu.memory_space<vmem>>, vector<1x16xf32>,
        %get3A_588 = vector.shape_cast %get3A_587 : vector<1x16xf32> to vector<16xf32>
        %swap3A_589 = arith.index_cast %scan3A_216 : i32 to index
        %swap3A_590 = arith.constant 656 : index
        %swap3A_591 = tpu.vector_load %arg9[%swap3A_589, %swap3A_590] {strides = array<i32>} : memref<32x768xf32, #tpu.memory_space<vmem>>, vector<1x16xf32>,
        %swap3A_592 = vector.shape_cast %swap3A_591 : vector<1x16xf32> to vector<16xf32>
        %swap3A_593 = vector.shape_cast %get3A_588 : vector<16xf32> to vector<1x16xf32>
        tpu.vector_store %arg9[%swap3A_589, %swap3A_590], %swap3A_593 {add = true, strides = array<i32>} : memref<32x768xf32, #tpu.memory_space<vmem>>, vector<1x16xf32>,
        %get3A_594 = arith.index_cast %scan3A_216 : i32 to index
        %get3A_595 = arith.constant 672 : index
        %get3A_596 = tpu.vector_load %arg7[%get3A_594, %get3A_595] {strides = array<i32>} : memref<32x768xf32, #tpu.memory_space<vmem>>, vector<1x16xf32>,
        %get3A_597 = vector.shape_cast %get3A_596 : vector<1x16xf32> to vector<16xf32>
        %swap3A_598 = arith.index_cast %scan3A_216 : i32 to index
        %swap3A_599 = arith.constant 672 : index
        %swap3A_600 = tpu.vector_load %arg9[%swap3A_598, %swap3A_599] {strides = array<i32>} : memref<32x768xf32, #tpu.memory_space<vmem>>, vector<1x16xf32>,
        %swap3A_601 = vector.shape_cast %swap3A_600 : vector<1x16xf32> to vector<16xf32>
        %swap3A_602 = vector.shape_cast %get3A_597 : vector<16xf32> to vector<1x16xf32>
        tpu.vector_store %arg9[%swap3A_598, %swap3A_599], %swap3A_602 {add = true, strides = array<i32>} : memref<32x768xf32, #tpu.memory_space<vmem>>, vector<1x16xf32>,
        %get3A_603 = arith.index_cast %scan3A_216 : i32 to index
        %get3A_604 = arith.constant 688 : index
        %get3A_605 = tpu.vector_load %arg7[%get3A_603, %get3A_604] {strides = array<i32>} : memref<32x768xf32, #tpu.memory_space<vmem>>, vector<1x16xf32>,
        %get3A_606 = vector.shape_cast %get3A_605 : vector<1x16xf32> to vector<16xf32>
        %swap3A_607 = arith.index_cast %scan3A_216 : i32 to index
        %swap3A_608 = arith.constant 688 : index
        %swap3A_609 = tpu.vector_load %arg9[%swap3A_607, %swap3A_608] {strides = array<i32>} : memref<32x768xf32, #tpu.memory_space<vmem>>, vector<1x16xf32>,
        %swap3A_610 = vector.shape_cast %swap3A_609 : vector<1x16xf32> to vector<16xf32>
        %swap3A_611 = vector.shape_cast %get3A_606 : vector<16xf32> to vector<1x16xf32>
        tpu.vector_store %arg9[%swap3A_607, %swap3A_608], %swap3A_611 {add = true, strides = array<i32>} : memref<32x768xf32, #tpu.memory_space<vmem>>, vector<1x16xf32>,
        %get3A_612 = arith.index_cast %scan3A_216 : i32 to index
        %get3A_613 = arith.constant 704 : index
        %get3A_614 = tpu.vector_load %arg7[%get3A_612, %get3A_613] {strides = array<i32>} : memref<32x768xf32, #tpu.memory_space<vmem>>, vector<1x16xf32>,
        %get3A_615 = vector.shape_cast %get3A_614 : vector<1x16xf32> to vector<16xf32>
        %swap3A_616 = arith.index_cast %scan3A_216 : i32 to index
        %swap3A_617 = arith.constant 704 : index
        %swap3A_618 = tpu.vector_load %arg9[%swap3A_616, %swap3A_617] {strides = array<i32>} : memref<32x768xf32, #tpu.memory_space<vmem>>, vector<1x16xf32>,
        %swap3A_619 = vector.shape_cast %swap3A_618 : vector<1x16xf32> to vector<16xf32>
        %swap3A_620 = vector.shape_cast %get3A_615 : vector<16xf32> to vector<1x16xf32>
        tpu.vector_store %arg9[%swap3A_616, %swap3A_617], %swap3A_620 {add = true, strides = array<i32>} : memref<32x768xf32, #tpu.memory_space<vmem>>, vector<1x16xf32>,
        %get3A_621 = arith.index_cast %scan3A_216 : i32 to index
        %get3A_622 = arith.constant 720 : index
        %get3A_623 = tpu.vector_load %arg7[%get3A_621, %get3A_622] {strides = array<i32>} : memref<32x768xf32, #tpu.memory_space<vmem>>, vector<1x16xf32>,
        %get3A_624 = vector.shape_cast %get3A_623 : vector<1x16xf32> to vector<16xf32>
        %swap3A_625 = arith.index_cast %scan3A_216 : i32 to index
        %swap3A_626 = arith.constant 720 : index
        %swap3A_627 = tpu.vector_load %arg9[%swap3A_625, %swap3A_626] {strides = array<i32>} : memref<32x768xf32, #tpu.memory_space<vmem>>, vector<1x16xf32>,
        %swap3A_628 = vector.shape_cast %swap3A_627 : vector<1x16xf32> to vector<16xf32>
        %swap3A_629 = vector.shape_cast %get3A_624 : vector<16xf32> to vector<1x16xf32>
        tpu.vector_store %arg9[%swap3A_625, %swap3A_626], %swap3A_629 {add = true, strides = array<i32>} : memref<32x768xf32, #tpu.memory_space<vmem>>, vector<1x16xf32>,
        %get3A_630 = arith.index_cast %scan3A_216 : i32 to index
        %get3A_631 = arith.constant 736 : index
        %get3A_632 = tpu.vector_load %arg7[%get3A_630, %get3A_631] {strides = array<i32>} : memref<32x768xf32, #tpu.memory_space<vmem>>, vector<1x16xf32>,
        %get3A_633 = vector.shape_cast %get3A_632 : vector<1x16xf32> to vector<16xf32>
        %swap3A_634 = arith.index_cast %scan3A_216 : i32 to index
        %swap3A_635 = arith.constant 736 : index
        %swap3A_636 = tpu.vector_load %arg9[%swap3A_634, %swap3A_635] {strides = array<i32>} : memref<32x768xf32, #tpu.memory_space<vmem>>, vector<1x16xf32>,
        %swap3A_637 = vector.shape_cast %swap3A_636 : vector<1x16xf32> to vector<16xf32>
        %swap3A_638 = vector.shape_cast %get3A_633 : vector<16xf32> to vector<1x16xf32>
        tpu.vector_store %arg9[%swap3A_634, %swap3A_635], %swap3A_638 {add = true, strides = array<i32>} : memref<32x768xf32, #tpu.memory_space<vmem>>, vector<1x16xf32>,
        %get3A_639 = arith.index_cast %scan3A_216 : i32 to index
        %get3A_640 = arith.constant 752 : index
        %get3A_641 = tpu.vector_load %arg7[%get3A_639, %get3A_640] {strides = array<i32>} : memref<32x768xf32, #tpu.memory_space<vmem>>, vector<1x16xf32>,
        %get3A_642 = vector.shape_cast %get3A_641 : vector<1x16xf32> to vector<16xf32>
        %swap3A_643 = arith.index_cast %scan3A_216 : i32 to index
        %swap3A_644 = arith.constant 752 : index
        %swap3A_645 = tpu.vector_load %arg9[%swap3A_643, %swap3A_644] {strides = array<i32>} : memref<32x768xf32, #tpu.memory_space<vmem>>, vector<1x16xf32>,
        %swap3A_646 = vector.shape_cast %swap3A_645 : vector<1x16xf32> to vector<16xf32>
        %swap3A_647 = vector.shape_cast %get3A_642 : vector<16xf32> to vector<1x16xf32>
        tpu.vector_store %arg9[%swap3A_643, %swap3A_644], %swap3A_647 {add = true, strides = array<i32>} : memref<32x768xf32, #tpu.memory_space<vmem>>, vector<1x16xf32>,
        %scan3A_648 = arith.constant 0 : i32
        scf.yield %scan3A_648 : i32
      }
      %scan3A_114 = arith.constant 32 : i32
      %add3A_115 = arith.constant 2 : i32
      %add3A_116 = arith.addi %mul3A_92, %add3A_115 : i32
      %add3A_117 = arith.constant 0 : i32
      %add3A_118 = arith.addi %add3A_116, %add3A_117 : i32
      %mul3A_119 = arith.constant 32 : i32
      %mul3A_120 = arith.muli %add3A_118, %mul3A_119 : i32
      %dma_start3A_121 = tpu.memref_slice %arg6[%mul3A_120] : memref<1024xi32, #tpu.memory_space<vmem>> -> memref<32xi32, #tpu.memory_space<vmem>>
      %dma_start3A_122 = arith.constant 0 : i32
      %dma_start3A_123 = arith.constant 0 : i32
      %dma_start3A_124 = tpu.memref_slice %arg4[%dma_start3A_122, %dma_start3A_123] : memref<8192x768xf32, #tpu.memory_space<hbm>> -> memref<8192x768xf32, #tpu.memory_space<hbm>>
      tpu.enqueue_indirect_dma source(%dma_start3A_124 : memref<8192x768xf32, #tpu.memory_space<hbm>>) target(%arg7 : memref<32x768xf32, #tpu.memory_space<vmem>>) offsets(%dma_start3A_121 : memref<32xi32, #tpu.memory_space<vmem>>) semaphore(%arg11 : memref<!tpu.dma_semaphore, #tpu.memory_space<semaphore_mem>>)
      %add3A_125 = arith.constant 0 : i32
      %add3A_126 = arith.addi %mul3A_92, %add3A_125 : i32
      %mul3A_127 = arith.constant 32 : i32
      %mul3A_128 = arith.muli %add3A_126, %mul3A_127 : i32
      %add3A_129 = arith.addi %mul3A_2, %mul3A_128 : i32
      %dma_start3A_130 = arith.constant 0 : i32
      %dma_start3A_131 = tpu.memref_slice %arg5[%add3A_129, %dma_start3A_130] : memref<32768x768xf32, #tpu.memory_space<hbm>> -> memref<32x768xf32, #tpu.memory_space<hbm>>
      %dma_start3A_132 = arith.constant 0 : i32
      %dma_start3A_133 = tpu.memref_slice %arg5[%add3A_129, %dma_start3A_132] : memref<32768x768xf32, #tpu.memory_space<hbm>> -> memref<32x768xf32, #tpu.memory_space<hbm>>
      tpu.enqueue_dma source(%arg9 : memref<32x768xf32, #tpu.memory_space<vmem>>) target(%dma_start3A_133 : memref<32x768xf32, #tpu.memory_space<hbm>>) target_semaphore(%arg15 : memref<!tpu.dma_semaphore, #tpu.memory_space<semaphore_mem>>)
      %add3A_134 = arith.constant 1 : i32
      %add3A_135 = arith.addi %mul3A_92, %add3A_134 : i32
      %mul3A_136 = arith.constant 32 : i32
      %mul3A_137 = arith.muli %add3A_135, %mul3A_136 : i32
      %dma_wait3A_138 = tpu.memref_slice %arg6[%mul3A_137] : memref<1024xi32, #tpu.memory_space<vmem>> -> memref<32xi32, #tpu.memory_space<vmem>>
      %dma_wait3A_139 = arith.constant 0 : i32
      %dma_wait3A_140 = arith.constant 0 : i32
      %dma_wait3A_141 = tpu.memref_slice %arg4[%dma_wait3A_139, %dma_wait3A_140] : memref<8192x768xf32, #tpu.memory_space<hbm>> -> memref<8192x768xf32, #tpu.memory_space<hbm>>
      tpu.wait_indirect_dma semaphore(%arg12 : memref<!tpu.dma_semaphore, #tpu.memory_space<semaphore_mem>>) src(%dma_wait3A_141 : memref<8192x768xf32, #tpu.memory_space<hbm>>) dst(%arg8 : memref<32x768xf32, #tpu.memory_space<vmem>>)
      %mul3A_142 = arith.constant 32 : i32
      %mul3A_143 = arith.muli %add3A_135, %mul3A_142 : i32
      %add3A_144 = arith.addi %mul3A_2, %mul3A_143 : i32
      %dma_wait3A_145 = arith.constant 0 : i32
      %dma_wait3A_146 = tpu.memref_slice %arg2[%add3A_144, %dma_wait3A_145] : memref<32768x768xf32, #tpu.memory_space<hbm>> -> memref<32x768xf32, #tpu.memory_space<hbm>>
      %dma_wait3A_147 = arith.constant 0 : i32
      %dma_wait3A_148 = tpu.memref_slice %arg2[%add3A_144, %dma_wait3A_147] : memref<32768x768xf32, #tpu.memory_space<hbm>> -> memref<32x768xf32, #tpu.memory_space<hbm>>
      tpu.wait_dma2 semaphore(%arg14 : memref<!tpu.dma_semaphore, #tpu.memory_space<semaphore_mem>>) src(%dma_wait3A_148 : memref<32x768xf32, #tpu.memory_space<hbm>>) dst(%arg10 : memref<32x768xf32, #tpu.memory_space<vmem>>)
      %scan3A_149 = arith.constant 0 : i32
      %scan3A_150 = arith.constant 0 : i32
      %scan3A_151 = arith.constant 32 : i32
      %scan3A_152 = arith.addi %scan3A_150, %scan3A_151 : i32
      %scan3A_153 = arith.constant 1 : i32
      %scan3A_154 = scf.for %scan3A_216 = %scan3A_150 to %scan3A_152 step %scan3A_153 iter_args(%scan3A_217 = %scan3A_149) -> (i32)  : i32 {
        %get3A = arith.index_cast %scan3A_216 : i32 to index
        %get3A_218 = arith.constant 0 : index
        %get3A_219 = tpu.vector_load %arg8[%get3A, %get3A_218] {strides = array<i32>} : memref<32x768xf32, #tpu.memory_space<vmem>>, vector<1x16xf32>,
        %get3A_220 = vector.shape_cast %get3A_219 : vector<1x16xf32> to vector<16xf32>
        %swap3A = arith.index_cast %scan3A_216 : i32 to index
        %swap3A_221 = arith.constant 0 : index
        %swap3A_222 = tpu.vector_load %arg10[%swap3A, %swap3A_221] {strides = array<i32>} : memref<32x768xf32, #tpu.memory_space<vmem>>, vector<1x16xf32>,
        %swap3A_223 = vector.shape_cast %swap3A_222 : vector<1x16xf32> to vector<16xf32>
        %swap3A_224 = vector.shape_cast %get3A_220 : vector<16xf32> to vector<1x16xf32>
        tpu.vector_store %arg10[%swap3A, %swap3A_221], %swap3A_224 {add = true, strides = array<i32>} : memref<32x768xf32, #tpu.memory_space<vmem>>, vector<1x16xf32>,
        %get3A_225 = arith.index_cast %scan3A_216 : i32 to index
        %get3A_226 = arith.constant 16 : index
        %get3A_227 = tpu.vector_load %arg8[%get3A_225, %get3A_226] {strides = array<i32>} : memref<32x768xf32, #tpu.memory_space<vmem>>, vector<1x16xf32>,
        %get3A_228 = vector.shape_cast %get3A_227 : vector<1x16xf32> to vector<16xf32>
        %swap3A_229 = arith.index_cast %scan3A_216 : i32 to index
        %swap3A_230 = arith.constant 16 : index
        %swap3A_231 = tpu.vector_load %arg10[%swap3A_229, %swap3A_230] {strides = array<i32>} : memref<32x768xf32, #tpu.memory_space<vmem>>, vector<1x16xf32>,
        %swap3A_232 = vector.shape_cast %swap3A_231 : vector<1x16xf32> to vector<16xf32>
        %swap3A_233 = vector.shape_cast %get3A_228 : vector<16xf32> to vector<1x16xf32>
        tpu.vector_store %arg10[%swap3A_229, %swap3A_230], %swap3A_233 {add = true, strides = array<i32>} : memref<32x768xf32, #tpu.memory_space<vmem>>, vector<1x16xf32>,
        %get3A_234 = arith.index_cast %scan3A_216 : i32 to index
        %get3A_235 = arith.constant 32 : index
        %get3A_236 = tpu.vector_load %arg8[%get3A_234, %get3A_235] {strides = array<i32>} : memref<32x768xf32, #tpu.memory_space<vmem>>, vector<1x16xf32>,
        %get3A_237 = vector.shape_cast %get3A_236 : vector<1x16xf32> to vector<16xf32>
        %swap3A_238 = arith.index_cast %scan3A_216 : i32 to index
        %swap3A_239 = arith.constant 32 : index
        %swap3A_240 = tpu.vector_load %arg10[%swap3A_238, %swap3A_239] {strides = array<i32>} : memref<32x768xf32, #tpu.memory_space<vmem>>, vector<1x16xf32>,
        %swap3A_241 = vector.shape_cast %swap3A_240 : vector<1x16xf32> to vector<16xf32>
        %swap3A_242 = vector.shape_cast %get3A_237 : vector<16xf32> to vector<1x16xf32>
        tpu.vector_store %arg10[%swap3A_238, %swap3A_239], %swap3A_242 {add = true, strides = array<i32>} : memref<32x768xf32, #tpu.memory_space<vmem>>, vector<1x16xf32>,
        %get3A_243 = arith.index_cast %scan3A_216 : i32 to index
        %get3A_244 = arith.constant 48 : index
        %get3A_245 = tpu.vector_load %arg8[%get3A_243, %get3A_244] {strides = array<i32>} : memref<32x768xf32, #tpu.memory_space<vmem>>, vector<1x16xf32>,
        %get3A_246 = vector.shape_cast %get3A_245 : vector<1x16xf32> to vector<16xf32>
        %swap3A_247 = arith.index_cast %scan3A_216 : i32 to index
        %swap3A_248 = arith.constant 48 : index
        %swap3A_249 = tpu.vector_load %arg10[%swap3A_247, %swap3A_248] {strides = array<i32>} : memref<32x768xf32, #tpu.memory_space<vmem>>, vector<1x16xf32>,
        %swap3A_250 = vector.shape_cast %swap3A_249 : vector<1x16xf32> to vector<16xf32>
        %swap3A_251 = vector.shape_cast %get3A_246 : vector<16xf32> to vector<1x16xf32>
        tpu.vector_store %arg10[%swap3A_247, %swap3A_248], %swap3A_251 {add = true, strides = array<i32>} : memref<32x768xf32, #tpu.memory_space<vmem>>, vector<1x16xf32>,
        %get3A_252 = arith.index_cast %scan3A_216 : i32 to index
        %get3A_253 = arith.constant 64 : index
        %get3A_254 = tpu.vector_load %arg8[%get3A_252, %get3A_253] {strides = array<i32>} : memref<32x768xf32, #tpu.memory_space<vmem>>, vector<1x16xf32>,
        %get3A_255 = vector.shape_cast %get3A_254 : vector<1x16xf32> to vector<16xf32>
        %swap3A_256 = arith.index_cast %scan3A_216 : i32 to index
        %swap3A_257 = arith.constant 64 : index
        %swap3A_258 = tpu.vector_load %arg10[%swap3A_256, %swap3A_257] {strides = array<i32>} : memref<32x768xf32, #tpu.memory_space<vmem>>, vector<1x16xf32>,
        %swap3A_259 = vector.shape_cast %swap3A_258 : vector<1x16xf32> to vector<16xf32>
        %swap3A_260 = vector.shape_cast %get3A_255 : vector<16xf32> to vector<1x16xf32>
        tpu.vector_store %arg10[%swap3A_256, %swap3A_257], %swap3A_260 {add = true, strides = array<i32>} : memref<32x768xf32, #tpu.memory_space<vmem>>, vector<1x16xf32>,
        %get3A_261 = arith.index_cast %scan3A_216 : i32 to index
        %get3A_262 = arith.constant 80 : index
        %get3A_263 = tpu.vector_load %arg8[%get3A_261, %get3A_262] {strides = array<i32>} : memref<32x768xf32, #tpu.memory_space<vmem>>, vector<1x16xf32>,
        %get3A_264 = vector.shape_cast %get3A_263 : vector<1x16xf32> to vector<16xf32>
        %swap3A_265 = arith.index_cast %scan3A_216 : i32 to index
        %swap3A_266 = arith.constant 80 : index
        %swap3A_267 = tpu.vector_load %arg10[%swap3A_265, %swap3A_266] {strides = array<i32>} : memref<32x768xf32, #tpu.memory_space<vmem>>, vector<1x16xf32>,
        %swap3A_268 = vector.shape_cast %swap3A_267 : vector<1x16xf32> to vector<16xf32>
        %swap3A_269 = vector.shape_cast %get3A_264 : vector<16xf32> to vector<1x16xf32>
        tpu.vector_store %arg10[%swap3A_265, %swap3A_266], %swap3A_269 {add = true, strides = array<i32>} : memref<32x768xf32, #tpu.memory_space<vmem>>, vector<1x16xf32>,
        %get3A_270 = arith.index_cast %scan3A_216 : i32 to index
        %get3A_271 = arith.constant 96 : index
        %get3A_272 = tpu.vector_load %arg8[%get3A_270, %get3A_271] {strides = array<i32>} : memref<32x768xf32, #tpu.memory_space<vmem>>, vector<1x16xf32>,
        %get3A_273 = vector.shape_cast %get3A_272 : vector<1x16xf32> to vector<16xf32>
        %swap3A_274 = arith.index_cast %scan3A_216 : i32 to index
        %swap3A_275 = arith.constant 96 : index
        %swap3A_276 = tpu.vector_load %arg10[%swap3A_274, %swap3A_275] {strides = array<i32>} : memref<32x768xf32, #tpu.memory_space<vmem>>, vector<1x16xf32>,
        %swap3A_277 = vector.shape_cast %swap3A_276 : vector<1x16xf32> to vector<16xf32>
        %swap3A_278 = vector.shape_cast %get3A_273 : vector<16xf32> to vector<1x16xf32>
        tpu.vector_store %arg10[%swap3A_274, %swap3A_275], %swap3A_278 {add = true, strides = array<i32>} : memref<32x768xf32, #tpu.memory_space<vmem>>, vector<1x16xf32>,
        %get3A_279 = arith.index_cast %scan3A_216 : i32 to index
        %get3A_280 = arith.constant 112 : index
        %get3A_281 = tpu.vector_load %arg8[%get3A_279, %get3A_280] {strides = array<i32>} : memref<32x768xf32, #tpu.memory_space<vmem>>, vector<1x16xf32>,
        %get3A_282 = vector.shape_cast %get3A_281 : vector<1x16xf32> to vector<16xf32>
        %swap3A_283 = arith.index_cast %scan3A_216 : i32 to index
        %swap3A_284 = arith.constant 112 : index
        %swap3A_285 = tpu.vector_load %arg10[%swap3A_283, %swap3A_284] {strides = array<i32>} : memref<32x768xf32, #tpu.memory_space<vmem>>, vector<1x16xf32>,
        %swap3A_286 = vector.shape_cast %swap3A_285 : vector<1x16xf32> to vector<16xf32>
        %swap3A_287 = vector.shape_cast %get3A_282 : vector<16xf32> to vector<1x16xf32>
        tpu.vector_store %arg10[%swap3A_283, %swap3A_284], %swap3A_287 {add = true, strides = array<i32>} : memref<32x768xf32, #tpu.memory_space<vmem>>, vector<1x16xf32>,
        %get3A_288 = arith.index_cast %scan3A_216 : i32 to index
        %get3A_289 = arith.constant 128 : index
        %get3A_290 = tpu.vector_load %arg8[%get3A_288, %get3A_289] {strides = array<i32>} : memref<32x768xf32, #tpu.memory_space<vmem>>, vector<1x16xf32>,
        %get3A_291 = vector.shape_cast %get3A_290 : vector<1x16xf32> to vector<16xf32>
        %swap3A_292 = arith.index_cast %scan3A_216 : i32 to index
        %swap3A_293 = arith.constant 128 : index
        %swap3A_294 = tpu.vector_load %arg10[%swap3A_292, %swap3A_293] {strides = array<i32>} : memref<32x768xf32, #tpu.memory_space<vmem>>, vector<1x16xf32>,
        %swap3A_295 = vector.shape_cast %swap3A_294 : vector<1x16xf32> to vector<16xf32>
        %swap3A_296 = vector.shape_cast %get3A_291 : vector<16xf32> to vector<1x16xf32>
        tpu.vector_store %arg10[%swap3A_292, %swap3A_293], %swap3A_296 {add = true, strides = array<i32>} : memref<32x768xf32, #tpu.memory_space<vmem>>, vector<1x16xf32>,
        %get3A_297 = arith.index_cast %scan3A_216 : i32 to index
        %get3A_298 = arith.constant 144 : index
        %get3A_299 = tpu.vector_load %arg8[%get3A_297, %get3A_298] {strides = array<i32>} : memref<32x768xf32, #tpu.memory_space<vmem>>, vector<1x16xf32>,
        %get3A_300 = vector.shape_cast %get3A_299 : vector<1x16xf32> to vector<16xf32>
        %swap3A_301 = arith.index_cast %scan3A_216 : i32 to index
        %swap3A_302 = arith.constant 144 : index
        %swap3A_303 = tpu.vector_load %arg10[%swap3A_301, %swap3A_302] {strides = array<i32>} : memref<32x768xf32, #tpu.memory_space<vmem>>, vector<1x16xf32>,
        %swap3A_304 = vector.shape_cast %swap3A_303 : vector<1x16xf32> to vector<16xf32>
        %swap3A_305 = vector.shape_cast %get3A_300 : vector<16xf32> to vector<1x16xf32>
        tpu.vector_store %arg10[%swap3A_301, %swap3A_302], %swap3A_305 {add = true, strides = array<i32>} : memref<32x768xf32, #tpu.memory_space<vmem>>, vector<1x16xf32>,
        %get3A_306 = arith.index_cast %scan3A_216 : i32 to index
        %get3A_307 = arith.constant 160 : index
        %get3A_308 = tpu.vector_load %arg8[%get3A_306, %get3A_307] {strides = array<i32>} : memref<32x768xf32, #tpu.memory_space<vmem>>, vector<1x16xf32>,
        %get3A_309 = vector.shape_cast %get3A_308 : vector<1x16xf32> to vector<16xf32>
        %swap3A_310 = arith.index_cast %scan3A_216 : i32 to index
        %swap3A_311 = arith.constant 160 : index
        %swap3A_312 = tpu.vector_load %arg10[%swap3A_310, %swap3A_311] {strides = array<i32>} : memref<32x768xf32, #tpu.memory_space<vmem>>, vector<1x16xf32>,
        %swap3A_313 = vector.shape_cast %swap3A_312 : vector<1x16xf32> to vector<16xf32>
        %swap3A_314 = vector.shape_cast %get3A_309 : vector<16xf32> to vector<1x16xf32>
        tpu.vector_store %arg10[%swap3A_310, %swap3A_311], %swap3A_314 {add = true, strides = array<i32>} : memref<32x768xf32, #tpu.memory_space<vmem>>, vector<1x16xf32>,
        %get3A_315 = arith.index_cast %scan3A_216 : i32 to index
        %get3A_316 = arith.constant 176 : index
        %get3A_317 = tpu.vector_load %arg8[%get3A_315, %get3A_316] {strides = array<i32>} : memref<32x768xf32, #tpu.memory_space<vmem>>, vector<1x16xf32>,
        %get3A_318 = vector.shape_cast %get3A_317 : vector<1x16xf32> to vector<16xf32>
        %swap3A_319 = arith.index_cast %scan3A_216 : i32 to index
        %swap3A_320 = arith.constant 176 : index
        %swap3A_321 = tpu.vector_load %arg10[%swap3A_319, %swap3A_320] {strides = array<i32>} : memref<32x768xf32, #tpu.memory_space<vmem>>, vector<1x16xf32>,
        %swap3A_322 = vector.shape_cast %swap3A_321 : vector<1x16xf32> to vector<16xf32>
        %swap3A_323 = vector.shape_cast %get3A_318 : vector<16xf32> to vector<1x16xf32>
        tpu.vector_store %arg10[%swap3A_319, %swap3A_320], %swap3A_323 {add = true, strides = array<i32>} : memref<32x768xf32, #tpu.memory_space<vmem>>, vector<1x16xf32>,
        %get3A_324 = arith.index_cast %scan3A_216 : i32 to index
        %get3A_325 = arith.constant 192 : index
        %get3A_326 = tpu.vector_load %arg8[%get3A_324, %get3A_325] {strides = array<i32>} : memref<32x768xf32, #tpu.memory_space<vmem>>, vector<1x16xf32>,
        %get3A_327 = vector.shape_cast %get3A_326 : vector<1x16xf32> to vector<16xf32>
        %swap3A_328 = arith.index_cast %scan3A_216 : i32 to index
        %swap3A_329 = arith.constant 192 : index
        %swap3A_330 = tpu.vector_load %arg10[%swap3A_328, %swap3A_329] {strides = array<i32>} : memref<32x768xf32, #tpu.memory_space<vmem>>, vector<1x16xf32>,
        %swap3A_331 = vector.shape_cast %swap3A_330 : vector<1x16xf32> to vector<16xf32>
        %swap3A_332 = vector.shape_cast %get3A_327 : vector<16xf32> to vector<1x16xf32>
        tpu.vector_store %arg10[%swap3A_328, %swap3A_329], %swap3A_332 {add = true, strides = array<i32>} : memref<32x768xf32, #tpu.memory_space<vmem>>, vector<1x16xf32>,
        %get3A_333 = arith.index_cast %scan3A_216 : i32 to index
        %get3A_334 = arith.constant 208 : index
        %get3A_335 = tpu.vector_load %arg8[%get3A_333, %get3A_334] {strides = array<i32>} : memref<32x768xf32, #tpu.memory_space<vmem>>, vector<1x16xf32>,
        %get3A_336 = vector.shape_cast %get3A_335 : vector<1x16xf32> to vector<16xf32>
        %swap3A_337 = arith.index_cast %scan3A_216 : i32 to index
        %swap3A_338 = arith.constant 208 : index
        %swap3A_339 = tpu.vector_load %arg10[%swap3A_337, %swap3A_338] {strides = array<i32>} : memref<32x768xf32, #tpu.memory_space<vmem>>, vector<1x16xf32>,
        %swap3A_340 = vector.shape_cast %swap3A_339 : vector<1x16xf32> to vector<16xf32>
        %swap3A_341 = vector.shape_cast %get3A_336 : vector<16xf32> to vector<1x16xf32>
        tpu.vector_store %arg10[%swap3A_337, %swap3A_338], %swap3A_341 {add = true, strides = array<i32>} : memref<32x768xf32, #tpu.memory_space<vmem>>, vector<1x16xf32>,
        %get3A_342 = arith.index_cast %scan3A_216 : i32 to index
        %get3A_343 = arith.constant 224 : index
        %get3A_344 = tpu.vector_load %arg8[%get3A_342, %get3A_343] {strides = array<i32>} : memref<32x768xf32, #tpu.memory_space<vmem>>, vector<1x16xf32>,
        %get3A_345 = vector.shape_cast %get3A_344 : vector<1x16xf32> to vector<16xf32>
        %swap3A_346 = arith.index_cast %scan3A_216 : i32 to index
        %swap3A_347 = arith.constant 224 : index
        %swap3A_348 = tpu.vector_load %arg10[%swap3A_346, %swap3A_347] {strides = array<i32>} : memref<32x768xf32, #tpu.memory_space<vmem>>, vector<1x16xf32>,
        %swap3A_349 = vector.shape_cast %swap3A_348 : vector<1x16xf32> to vector<16xf32>
        %swap3A_350 = vector.shape_cast %get3A_345 : vector<16xf32> to vector<1x16xf32>
        tpu.vector_store %arg10[%swap3A_346, %swap3A_347], %swap3A_350 {add = true, strides = array<i32>} : memref<32x768xf32, #tpu.memory_space<vmem>>, vector<1x16xf32>,
        %get3A_351 = arith.index_cast %scan3A_216 : i32 to index
        %get3A_352 = arith.constant 240 : index
        %get3A_353 = tpu.vector_load %arg8[%get3A_351, %get3A_352] {strides = array<i32>} : memref<32x768xf32, #tpu.memory_space<vmem>>, vector<1x16xf32>,
        %get3A_354 = vector.shape_cast %get3A_353 : vector<1x16xf32> to vector<16xf32>
        %swap3A_355 = arith.index_cast %scan3A_216 : i32 to index
        %swap3A_356 = arith.constant 240 : index
        %swap3A_357 = tpu.vector_load %arg10[%swap3A_355, %swap3A_356] {strides = array<i32>} : memref<32x768xf32, #tpu.memory_space<vmem>>, vector<1x16xf32>,
        %swap3A_358 = vector.shape_cast %swap3A_357 : vector<1x16xf32> to vector<16xf32>
        %swap3A_359 = vector.shape_cast %get3A_354 : vector<16xf32> to vector<1x16xf32>
        tpu.vector_store %arg10[%swap3A_355, %swap3A_356], %swap3A_359 {add = true, strides = array<i32>} : memref<32x768xf32, #tpu.memory_space<vmem>>, vector<1x16xf32>,
        %get3A_360 = arith.index_cast %scan3A_216 : i32 to index
        %get3A_361 = arith.constant 256 : index
        %get3A_362 = tpu.vector_load %arg8[%get3A_360, %get3A_361] {strides = array<i32>} : memref<32x768xf32, #tpu.memory_space<vmem>>, vector<1x16xf32>,
        %get3A_363 = vector.shape_cast %get3A_362 : vector<1x16xf32> to vector<16xf32>
        %swap3A_364 = arith.index_cast %scan3A_216 : i32 to index
        %swap3A_365 = arith.constant 256 : index
        %swap3A_366 = tpu.vector_load %arg10[%swap3A_364, %swap3A_365] {strides = array<i32>} : memref<32x768xf32, #tpu.memory_space<vmem>>, vector<1x16xf32>,
        %swap3A_367 = vector.shape_cast %swap3A_366 : vector<1x16xf32> to vector<16xf32>
        %swap3A_368 = vector.shape_cast %get3A_363 : vector<16xf32> to vector<1x16xf32>
        tpu.vector_store %arg10[%swap3A_364, %swap3A_365], %swap3A_368 {add = true, strides = array<i32>} : memref<32x768xf32, #tpu.memory_space<vmem>>, vector<1x16xf32>,
        %get3A_369 = arith.index_cast %scan3A_216 : i32 to index
        %get3A_370 = arith.constant 272 : index
        %get3A_371 = tpu.vector_load %arg8[%get3A_369, %get3A_370] {strides = array<i32>} : memref<32x768xf32, #tpu.memory_space<vmem>>, vector<1x16xf32>,
        %get3A_372 = vector.shape_cast %get3A_371 : vector<1x16xf32> to vector<16xf32>
        %swap3A_373 = arith.index_cast %scan3A_216 : i32 to index
        %swap3A_374 = arith.constant 272 : index
        %swap3A_375 = tpu.vector_load %arg10[%swap3A_373, %swap3A_374] {strides = array<i32>} : memref<32x768xf32, #tpu.memory_space<vmem>>, vector<1x16xf32>,
        %swap3A_376 = vector.shape_cast %swap3A_375 : vector<1x16xf32> to vector<16xf32>
        %swap3A_377 = vector.shape_cast %get3A_372 : vector<16xf32> to vector<1x16xf32>
        tpu.vector_store %arg10[%swap3A_373, %swap3A_374], %swap3A_377 {add = true, strides = array<i32>} : memref<32x768xf32, #tpu.memory_space<vmem>>, vector<1x16xf32>,
        %get3A_378 = arith.index_cast %scan3A_216 : i32 to index
        %get3A_379 = arith.constant 288 : index
        %get3A_380 = tpu.vector_load %arg8[%get3A_378, %get3A_379] {strides = array<i32>} : memref<32x768xf32, #tpu.memory_space<vmem>>, vector<1x16xf32>,
        %get3A_381 = vector.shape_cast %get3A_380 : vector<1x16xf32> to vector<16xf32>
        %swap3A_382 = arith.index_cast %scan3A_216 : i32 to index
        %swap3A_383 = arith.constant 288 : index
        %swap3A_384 = tpu.vector_load %arg10[%swap3A_382, %swap3A_383] {strides = array<i32>} : memref<32x768xf32, #tpu.memory_space<vmem>>, vector<1x16xf32>,
        %swap3A_385 = vector.shape_cast %swap3A_384 : vector<1x16xf32> to vector<16xf32>
        %swap3A_386 = vector.shape_cast %get3A_381 : vector<16xf32> to vector<1x16xf32>
        tpu.vector_store %arg10[%swap3A_382, %swap3A_383], %swap3A_386 {add = true, strides = array<i32>} : memref<32x768xf32, #tpu.memory_space<vmem>>, vector<1x16xf32>,
        %get3A_387 = arith.index_cast %scan3A_216 : i32 to index
        %get3A_388 = arith.constant 304 : index
        %get3A_389 = tpu.vector_load %arg8[%get3A_387, %get3A_388] {strides = array<i32>} : memref<32x768xf32, #tpu.memory_space<vmem>>, vector<1x16xf32>,
        %get3A_390 = vector.shape_cast %get3A_389 : vector<1x16xf32> to vector<16xf32>
        %swap3A_391 = arith.index_cast %scan3A_216 : i32 to index
        %swap3A_392 = arith.constant 304 : index
        %swap3A_393 = tpu.vector_load %arg10[%swap3A_391, %swap3A_392] {strides = array<i32>} : memref<32x768xf32, #tpu.memory_space<vmem>>, vector<1x16xf32>,
        %swap3A_394 = vector.shape_cast %swap3A_393 : vector<1x16xf32> to vector<16xf32>
        %swap3A_395 = vector.shape_cast %get3A_390 : vector<16xf32> to vector<1x16xf32>
        tpu.vector_store %arg10[%swap3A_391, %swap3A_392], %swap3A_395 {add = true, strides = array<i32>} : memref<32x768xf32, #tpu.memory_space<vmem>>, vector<1x16xf32>,
        %get3A_396 = arith.index_cast %scan3A_216 : i32 to index
        %get3A_397 = arith.constant 320 : index
        %get3A_398 = tpu.vector_load %arg8[%get3A_396, %get3A_397] {strides = array<i32>} : memref<32x768xf32, #tpu.memory_space<vmem>>, vector<1x16xf32>,
        %get3A_399 = vector.shape_cast %get3A_398 : vector<1x16xf32> to vector<16xf32>
        %swap3A_400 = arith.index_cast %scan3A_216 : i32 to index
        %swap3A_401 = arith.constant 320 : index
        %swap3A_402 = tpu.vector_load %arg10[%swap3A_400, %swap3A_401] {strides = array<i32>} : memref<32x768xf32, #tpu.memory_space<vmem>>, vector<1x16xf32>,
        %swap3A_403 = vector.shape_cast %swap3A_402 : vector<1x16xf32> to vector<16xf32>
        %swap3A_404 = vector.shape_cast %get3A_399 : vector<16xf32> to vector<1x16xf32>
        tpu.vector_store %arg10[%swap3A_400, %swap3A_401], %swap3A_404 {add = true, strides = array<i32>} : memref<32x768xf32, #tpu.memory_space<vmem>>, vector<1x16xf32>,
        %get3A_405 = arith.index_cast %scan3A_216 : i32 to index
        %get3A_406 = arith.constant 336 : index
        %get3A_407 = tpu.vector_load %arg8[%get3A_405, %get3A_406] {strides = array<i32>} : memref<32x768xf32, #tpu.memory_space<vmem>>, vector<1x16xf32>,
        %get3A_408 = vector.shape_cast %get3A_407 : vector<1x16xf32> to vector<16xf32>
        %swap3A_409 = arith.index_cast %scan3A_216 : i32 to index
        %swap3A_410 = arith.constant 336 : index
        %swap3A_411 = tpu.vector_load %arg10[%swap3A_409, %swap3A_410] {strides = array<i32>} : memref<32x768xf32, #tpu.memory_space<vmem>>, vector<1x16xf32>,
        %swap3A_412 = vector.shape_cast %swap3A_411 : vector<1x16xf32> to vector<16xf32>
        %swap3A_413 = vector.shape_cast %get3A_408 : vector<16xf32> to vector<1x16xf32>
        tpu.vector_store %arg10[%swap3A_409, %swap3A_410], %swap3A_413 {add = true, strides = array<i32>} : memref<32x768xf32, #tpu.memory_space<vmem>>, vector<1x16xf32>,
        %get3A_414 = arith.index_cast %scan3A_216 : i32 to index
        %get3A_415 = arith.constant 352 : index
        %get3A_416 = tpu.vector_load %arg8[%get3A_414, %get3A_415] {strides = array<i32>} : memref<32x768xf32, #tpu.memory_space<vmem>>, vector<1x16xf32>,
        %get3A_417 = vector.shape_cast %get3A_416 : vector<1x16xf32> to vector<16xf32>
        %swap3A_418 = arith.index_cast %scan3A_216 : i32 to index
        %swap3A_419 = arith.constant 352 : index
        %swap3A_420 = tpu.vector_load %arg10[%swap3A_418, %swap3A_419] {strides = array<i32>} : memref<32x768xf32, #tpu.memory_space<vmem>>, vector<1x16xf32>,
        %swap3A_421 = vector.shape_cast %swap3A_420 : vector<1x16xf32> to vector<16xf32>
        %swap3A_422 = vector.shape_cast %get3A_417 : vector<16xf32> to vector<1x16xf32>
        tpu.vector_store %arg10[%swap3A_418, %swap3A_419], %swap3A_422 {add = true, strides = array<i32>} : memref<32x768xf32, #tpu.memory_space<vmem>>, vector<1x16xf32>,
        %get3A_423 = arith.index_cast %scan3A_216 : i32 to index
        %get3A_424 = arith.constant 368 : index
        %get3A_425 = tpu.vector_load %arg8[%get3A_423, %get3A_424] {strides = array<i32>} : memref<32x768xf32, #tpu.memory_space<vmem>>, vector<1x16xf32>,
        %get3A_426 = vector.shape_cast %get3A_425 : vector<1x16xf32> to vector<16xf32>
        %swap3A_427 = arith.index_cast %scan3A_216 : i32 to index
        %swap3A_428 = arith.constant 368 : index
        %swap3A_429 = tpu.vector_load %arg10[%swap3A_427, %swap3A_428] {strides = array<i32>} : memref<32x768xf32, #tpu.memory_space<vmem>>, vector<1x16xf32>,
        %swap3A_430 = vector.shape_cast %swap3A_429 : vector<1x16xf32> to vector<16xf32>
        %swap3A_431 = vector.shape_cast %get3A_426 : vector<16xf32> to vector<1x16xf32>
        tpu.vector_store %arg10[%swap3A_427, %swap3A_428], %swap3A_431 {add = true, strides = array<i32>} : memref<32x768xf32, #tpu.memory_space<vmem>>, vector<1x16xf32>,
        %get3A_432 = arith.index_cast %scan3A_216 : i32 to index
        %get3A_433 = arith.constant 384 : index
        %get3A_434 = tpu.vector_load %arg8[%get3A_432, %get3A_433] {strides = array<i32>} : memref<32x768xf32, #tpu.memory_space<vmem>>, vector<1x16xf32>,
        %get3A_435 = vector.shape_cast %get3A_434 : vector<1x16xf32> to vector<16xf32>
        %swap3A_436 = arith.index_cast %scan3A_216 : i32 to index
        %swap3A_437 = arith.constant 384 : index
        %swap3A_438 = tpu.vector_load %arg10[%swap3A_436, %swap3A_437] {strides = array<i32>} : memref<32x768xf32, #tpu.memory_space<vmem>>, vector<1x16xf32>,
        %swap3A_439 = vector.shape_cast %swap3A_438 : vector<1x16xf32> to vector<16xf32>
        %swap3A_440 = vector.shape_cast %get3A_435 : vector<16xf32> to vector<1x16xf32>
        tpu.vector_store %arg10[%swap3A_436, %swap3A_437], %swap3A_440 {add = true, strides = array<i32>} : memref<32x768xf32, #tpu.memory_space<vmem>>, vector<1x16xf32>,
        %get3A_441 = arith.index_cast %scan3A_216 : i32 to index
        %get3A_442 = arith.constant 400 : index
        %get3A_443 = tpu.vector_load %arg8[%get3A_441, %get3A_442] {strides = array<i32>} : memref<32x768xf32, #tpu.memory_space<vmem>>, vector<1x16xf32>,
        %get3A_444 = vector.shape_cast %get3A_443 : vector<1x16xf32> to vector<16xf32>
        %swap3A_445 = arith.index_cast %scan3A_216 : i32 to index
        %swap3A_446 = arith.constant 400 : index
        %swap3A_447 = tpu.vector_load %arg10[%swap3A_445, %swap3A_446] {strides = array<i32>} : memref<32x768xf32, #tpu.memory_space<vmem>>, vector<1x16xf32>,
        %swap3A_448 = vector.shape_cast %swap3A_447 : vector<1x16xf32> to vector<16xf32>
        %swap3A_449 = vector.shape_cast %get3A_444 : vector<16xf32> to vector<1x16xf32>
        tpu.vector_store %arg10[%swap3A_445, %swap3A_446], %swap3A_449 {add = true, strides = array<i32>} : memref<32x768xf32, #tpu.memory_space<vmem>>, vector<1x16xf32>,
        %get3A_450 = arith.index_cast %scan3A_216 : i32 to index
        %get3A_451 = arith.constant 416 : index
        %get3A_452 = tpu.vector_load %arg8[%get3A_450, %get3A_451] {strides = array<i32>} : memref<32x768xf32, #tpu.memory_space<vmem>>, vector<1x16xf32>,
        %get3A_453 = vector.shape_cast %get3A_452 : vector<1x16xf32> to vector<16xf32>
        %swap3A_454 = arith.index_cast %scan3A_216 : i32 to index
        %swap3A_455 = arith.constant 416 : index
        %swap3A_456 = tpu.vector_load %arg10[%swap3A_454, %swap3A_455] {strides = array<i32>} : memref<32x768xf32, #tpu.memory_space<vmem>>, vector<1x16xf32>,
        %swap3A_457 = vector.shape_cast %swap3A_456 : vector<1x16xf32> to vector<16xf32>
        %swap3A_458 = vector.shape_cast %get3A_453 : vector<16xf32> to vector<1x16xf32>
        tpu.vector_store %arg10[%swap3A_454, %swap3A_455], %swap3A_458 {add = true, strides = array<i32>} : memref<32x768xf32, #tpu.memory_space<vmem>>, vector<1x16xf32>,
        %get3A_459 = arith.index_cast %scan3A_216 : i32 to index
        %get3A_460 = arith.constant 432 : index
        %get3A_461 = tpu.vector_load %arg8[%get3A_459, %get3A_460] {strides = array<i32>} : memref<32x768xf32, #tpu.memory_space<vmem>>, vector<1x16xf32>,
        %get3A_462 = vector.shape_cast %get3A_461 : vector<1x16xf32> to vector<16xf32>
        %swap3A_463 = arith.index_cast %scan3A_216 : i32 to index
        %swap3A_464 = arith.constant 432 : index
        %swap3A_465 = tpu.vector_load %arg10[%swap3A_463, %swap3A_464] {strides = array<i32>} : memref<32x768xf32, #tpu.memory_space<vmem>>, vector<1x16xf32>,
        %swap3A_466 = vector.shape_cast %swap3A_465 : vector<1x16xf32> to vector<16xf32>
        %swap3A_467 = vector.shape_cast %get3A_462 : vector<16xf32> to vector<1x16xf32>
        tpu.vector_store %arg10[%swap3A_463, %swap3A_464], %swap3A_467 {add = true, strides = array<i32>} : memref<32x768xf32, #tpu.memory_space<vmem>>, vector<1x16xf32>,
        %get3A_468 = arith.index_cast %scan3A_216 : i32 to index
        %get3A_469 = arith.constant 448 : index
        %get3A_470 = tpu.vector_load %arg8[%get3A_468, %get3A_469] {strides = array<i32>} : memref<32x768xf32, #tpu.memory_space<vmem>>, vector<1x16xf32>,
        %get3A_471 = vector.shape_cast %get3A_470 : vector<1x16xf32> to vector<16xf32>
        %swap3A_472 = arith.index_cast %scan3A_216 : i32 to index
        %swap3A_473 = arith.constant 448 : index
        %swap3A_474 = tpu.vector_load %arg10[%swap3A_472, %swap3A_473] {strides = array<i32>} : memref<32x768xf32, #tpu.memory_space<vmem>>, vector<1x16xf32>,
        %swap3A_475 = vector.shape_cast %swap3A_474 : vector<1x16xf32> to vector<16xf32>
        %swap3A_476 = vector.shape_cast %get3A_471 : vector<16xf32> to vector<1x16xf32>
        tpu.vector_store %arg10[%swap3A_472, %swap3A_473], %swap3A_476 {add = true, strides = array<i32>} : memref<32x768xf32, #tpu.memory_space<vmem>>, vector<1x16xf32>,
        %get3A_477 = arith.index_cast %scan3A_216 : i32 to index
        %get3A_478 = arith.constant 464 : index
        %get3A_479 = tpu.vector_load %arg8[%get3A_477, %get3A_478] {strides = array<i32>} : memref<32x768xf32, #tpu.memory_space<vmem>>, vector<1x16xf32>,
        %get3A_480 = vector.shape_cast %get3A_479 : vector<1x16xf32> to vector<16xf32>
        %swap3A_481 = arith.index_cast %scan3A_216 : i32 to index
        %swap3A_482 = arith.constant 464 : index
        %swap3A_483 = tpu.vector_load %arg10[%swap3A_481, %swap3A_482] {strides = array<i32>} : memref<32x768xf32, #tpu.memory_space<vmem>>, vector<1x16xf32>,
        %swap3A_484 = vector.shape_cast %swap3A_483 : vector<1x16xf32> to vector<16xf32>
        %swap3A_485 = vector.shape_cast %get3A_480 : vector<16xf32> to vector<1x16xf32>
        tpu.vector_store %arg10[%swap3A_481, %swap3A_482], %swap3A_485 {add = true, strides = array<i32>} : memref<32x768xf32, #tpu.memory_space<vmem>>, vector<1x16xf32>,
        %get3A_486 = arith.index_cast %scan3A_216 : i32 to index
        %get3A_487 = arith.constant 480 : index
        %get3A_488 = tpu.vector_load %arg8[%get3A_486, %get3A_487] {strides = array<i32>} : memref<32x768xf32, #tpu.memory_space<vmem>>, vector<1x16xf32>,
        %get3A_489 = vector.shape_cast %get3A_488 : vector<1x16xf32> to vector<16xf32>
        %swap3A_490 = arith.index_cast %scan3A_216 : i32 to index
        %swap3A_491 = arith.constant 480 : index
        %swap3A_492 = tpu.vector_load %arg10[%swap3A_490, %swap3A_491] {strides = array<i32>} : memref<32x768xf32, #tpu.memory_space<vmem>>, vector<1x16xf32>,
        %swap3A_493 = vector.shape_cast %swap3A_492 : vector<1x16xf32> to vector<16xf32>
        %swap3A_494 = vector.shape_cast %get3A_489 : vector<16xf32> to vector<1x16xf32>
        tpu.vector_store %arg10[%swap3A_490, %swap3A_491], %swap3A_494 {add = true, strides = array<i32>} : memref<32x768xf32, #tpu.memory_space<vmem>>, vector<1x16xf32>,
        %get3A_495 = arith.index_cast %scan3A_216 : i32 to index
        %get3A_496 = arith.constant 496 : index
        %get3A_497 = tpu.vector_load %arg8[%get3A_495, %get3A_496] {strides = array<i32>} : memref<32x768xf32, #tpu.memory_space<vmem>>, vector<1x16xf32>,
        %get3A_498 = vector.shape_cast %get3A_497 : vector<1x16xf32> to vector<16xf32>
        %swap3A_499 = arith.index_cast %scan3A_216 : i32 to index
        %swap3A_500 = arith.constant 496 : index
        %swap3A_501 = tpu.vector_load %arg10[%swap3A_499, %swap3A_500] {strides = array<i32>} : memref<32x768xf32, #tpu.memory_space<vmem>>, vector<1x16xf32>,
        %swap3A_502 = vector.shape_cast %swap3A_501 : vector<1x16xf32> to vector<16xf32>
        %swap3A_503 = vector.shape_cast %get3A_498 : vector<16xf32> to vector<1x16xf32>
        tpu.vector_store %arg10[%swap3A_499, %swap3A_500], %swap3A_503 {add = true, strides = array<i32>} : memref<32x768xf32, #tpu.memory_space<vmem>>, vector<1x16xf32>,
        %get3A_504 = arith.index_cast %scan3A_216 : i32 to index
        %get3A_505 = arith.constant 512 : index
        %get3A_506 = tpu.vector_load %arg8[%get3A_504, %get3A_505] {strides = array<i32>} : memref<32x768xf32, #tpu.memory_space<vmem>>, vector<1x16xf32>,
        %get3A_507 = vector.shape_cast %get3A_506 : vector<1x16xf32> to vector<16xf32>
        %swap3A_508 = arith.index_cast %scan3A_216 : i32 to index
        %swap3A_509 = arith.constant 512 : index
        %swap3A_510 = tpu.vector_load %arg10[%swap3A_508, %swap3A_509] {strides = array<i32>} : memref<32x768xf32, #tpu.memory_space<vmem>>, vector<1x16xf32>,
        %swap3A_511 = vector.shape_cast %swap3A_510 : vector<1x16xf32> to vector<16xf32>
        %swap3A_512 = vector.shape_cast %get3A_507 : vector<16xf32> to vector<1x16xf32>
        tpu.vector_store %arg10[%swap3A_508, %swap3A_509], %swap3A_512 {add = true, strides = array<i32>} : memref<32x768xf32, #tpu.memory_space<vmem>>, vector<1x16xf32>,
        %get3A_513 = arith.index_cast %scan3A_216 : i32 to index
        %get3A_514 = arith.constant 528 : index
        %get3A_515 = tpu.vector_load %arg8[%get3A_513, %get3A_514] {strides = array<i32>} : memref<32x768xf32, #tpu.memory_space<vmem>>, vector<1x16xf32>,
        %get3A_516 = vector.shape_cast %get3A_515 : vector<1x16xf32> to vector<16xf32>
        %swap3A_517 = arith.index_cast %scan3A_216 : i32 to index
        %swap3A_518 = arith.constant 528 : index
        %swap3A_519 = tpu.vector_load %arg10[%swap3A_517, %swap3A_518] {strides = array<i32>} : memref<32x768xf32, #tpu.memory_space<vmem>>, vector<1x16xf32>,
        %swap3A_520 = vector.shape_cast %swap3A_519 : vector<1x16xf32> to vector<16xf32>
        %swap3A_521 = vector.shape_cast %get3A_516 : vector<16xf32> to vector<1x16xf32>
        tpu.vector_store %arg10[%swap3A_517, %swap3A_518], %swap3A_521 {add = true, strides = array<i32>} : memref<32x768xf32, #tpu.memory_space<vmem>>, vector<1x16xf32>,
        %get3A_522 = arith.index_cast %scan3A_216 : i32 to index
        %get3A_523 = arith.constant 544 : index
        %get3A_524 = tpu.vector_load %arg8[%get3A_522, %get3A_523] {strides = array<i32>} : memref<32x768xf32, #tpu.memory_space<vmem>>, vector<1x16xf32>,
        %get3A_525 = vector.shape_cast %get3A_524 : vector<1x16xf32> to vector<16xf32>
        %swap3A_526 = arith.index_cast %scan3A_216 : i32 to index
        %swap3A_527 = arith.constant 544 : index
        %swap3A_528 = tpu.vector_load %arg10[%swap3A_526, %swap3A_527] {strides = array<i32>} : memref<32x768xf32, #tpu.memory_space<vmem>>, vector<1x16xf32>,
        %swap3A_529 = vector.shape_cast %swap3A_528 : vector<1x16xf32> to vector<16xf32>
        %swap3A_530 = vector.shape_cast %get3A_525 : vector<16xf32> to vector<1x16xf32>
        tpu.vector_store %arg10[%swap3A_526, %swap3A_527], %swap3A_530 {add = true, strides = array<i32>} : memref<32x768xf32, #tpu.memory_space<vmem>>, vector<1x16xf32>,
        %get3A_531 = arith.index_cast %scan3A_216 : i32 to index
        %get3A_532 = arith.constant 560 : index
        %get3A_533 = tpu.vector_load %arg8[%get3A_531, %get3A_532] {strides = array<i32>} : memref<32x768xf32, #tpu.memory_space<vmem>>, vector<1x16xf32>,
        %get3A_534 = vector.shape_cast %get3A_533 : vector<1x16xf32> to vector<16xf32>
        %swap3A_535 = arith.index_cast %scan3A_216 : i32 to index
        %swap3A_536 = arith.constant 560 : index
        %swap3A_537 = tpu.vector_load %arg10[%swap3A_535, %swap3A_536] {strides = array<i32>} : memref<32x768xf32, #tpu.memory_space<vmem>>, vector<1x16xf32>,
        %swap3A_538 = vector.shape_cast %swap3A_537 : vector<1x16xf32> to vector<16xf32>
        %swap3A_539 = vector.shape_cast %get3A_534 : vector<16xf32> to vector<1x16xf32>
        tpu.vector_store %arg10[%swap3A_535, %swap3A_536], %swap3A_539 {add = true, strides = array<i32>} : memref<32x768xf32, #tpu.memory_space<vmem>>, vector<1x16xf32>,
        %get3A_540 = arith.index_cast %scan3A_216 : i32 to index
        %get3A_541 = arith.constant 576 : index
        %get3A_542 = tpu.vector_load %arg8[%get3A_540, %get3A_541] {strides = array<i32>} : memref<32x768xf32, #tpu.memory_space<vmem>>, vector<1x16xf32>,
        %get3A_543 = vector.shape_cast %get3A_542 : vector<1x16xf32> to vector<16xf32>
        %swap3A_544 = arith.index_cast %scan3A_216 : i32 to index
        %swap3A_545 = arith.constant 576 : index
        %swap3A_546 = tpu.vector_load %arg10[%swap3A_544, %swap3A_545] {strides = array<i32>} : memref<32x768xf32, #tpu.memory_space<vmem>>, vector<1x16xf32>,
        %swap3A_547 = vector.shape_cast %swap3A_546 : vector<1x16xf32> to vector<16xf32>
        %swap3A_548 = vector.shape_cast %get3A_543 : vector<16xf32> to vector<1x16xf32>
        tpu.vector_store %arg10[%swap3A_544, %swap3A_545], %swap3A_548 {add = true, strides = array<i32>} : memref<32x768xf32, #tpu.memory_space<vmem>>, vector<1x16xf32>,
        %get3A_549 = arith.index_cast %scan3A_216 : i32 to index
        %get3A_550 = arith.constant 592 : index
        %get3A_551 = tpu.vector_load %arg8[%get3A_549, %get3A_550] {strides = array<i32>} : memref<32x768xf32, #tpu.memory_space<vmem>>, vector<1x16xf32>,
        %get3A_552 = vector.shape_cast %get3A_551 : vector<1x16xf32> to vector<16xf32>
        %swap3A_553 = arith.index_cast %scan3A_216 : i32 to index
        %swap3A_554 = arith.constant 592 : index
        %swap3A_555 = tpu.vector_load %arg10[%swap3A_553, %swap3A_554] {strides = array<i32>} : memref<32x768xf32, #tpu.memory_space<vmem>>, vector<1x16xf32>,
        %swap3A_556 = vector.shape_cast %swap3A_555 : vector<1x16xf32> to vector<16xf32>
        %swap3A_557 = vector.shape_cast %get3A_552 : vector<16xf32> to vector<1x16xf32>
        tpu.vector_store %arg10[%swap3A_553, %swap3A_554], %swap3A_557 {add = true, strides = array<i32>} : memref<32x768xf32, #tpu.memory_space<vmem>>, vector<1x16xf32>,
        %get3A_558 = arith.index_cast %scan3A_216 : i32 to index
        %get3A_559 = arith.constant 608 : index
        %get3A_560 = tpu.vector_load %arg8[%get3A_558, %get3A_559] {strides = array<i32>} : memref<32x768xf32, #tpu.memory_space<vmem>>, vector<1x16xf32>,
        %get3A_561 = vector.shape_cast %get3A_560 : vector<1x16xf32> to vector<16xf32>
        %swap3A_562 = arith.index_cast %scan3A_216 : i32 to index
        %swap3A_563 = arith.constant 608 : index
        %swap3A_564 = tpu.vector_load %arg10[%swap3A_562, %swap3A_563] {strides = array<i32>} : memref<32x768xf32, #tpu.memory_space<vmem>>, vector<1x16xf32>,
        %swap3A_565 = vector.shape_cast %swap3A_564 : vector<1x16xf32> to vector<16xf32>
        %swap3A_566 = vector.shape_cast %get3A_561 : vector<16xf32> to vector<1x16xf32>
        tpu.vector_store %arg10[%swap3A_562, %swap3A_563], %swap3A_566 {add = true, strides = array<i32>} : memref<32x768xf32, #tpu.memory_space<vmem>>, vector<1x16xf32>,
        %get3A_567 = arith.index_cast %scan3A_216 : i32 to index
        %get3A_568 = arith.constant 624 : index
        %get3A_569 = tpu.vector_load %arg8[%get3A_567, %get3A_568] {strides = array<i32>} : memref<32x768xf32, #tpu.memory_space<vmem>>, vector<1x16xf32>,
        %get3A_570 = vector.shape_cast %get3A_569 : vector<1x16xf32> to vector<16xf32>
        %swap3A_571 = arith.index_cast %scan3A_216 : i32 to index
        %swap3A_572 = arith.constant 624 : index
        %swap3A_573 = tpu.vector_load %arg10[%swap3A_571, %swap3A_572] {strides = array<i32>} : memref<32x768xf32, #tpu.memory_space<vmem>>, vector<1x16xf32>,
        %swap3A_574 = vector.shape_cast %swap3A_573 : vector<1x16xf32> to vector<16xf32>
        %swap3A_575 = vector.shape_cast %get3A_570 : vector<16xf32> to vector<1x16xf32>
        tpu.vector_store %arg10[%swap3A_571, %swap3A_572], %swap3A_575 {add = true, strides = array<i32>} : memref<32x768xf32, #tpu.memory_space<vmem>>, vector<1x16xf32>,
        %get3A_576 = arith.index_cast %scan3A_216 : i32 to index
        %get3A_577 = arith.constant 640 : index
        %get3A_578 = tpu.vector_load %arg8[%get3A_576, %get3A_577] {strides = array<i32>} : memref<32x768xf32, #tpu.memory_space<vmem>>, vector<1x16xf32>,
        %get3A_579 = vector.shape_cast %get3A_578 : vector<1x16xf32> to vector<16xf32>
        %swap3A_580 = arith.index_cast %scan3A_216 : i32 to index
        %swap3A_581 = arith.constant 640 : index
        %swap3A_582 = tpu.vector_load %arg10[%swap3A_580, %swap3A_581] {strides = array<i32>} : memref<32x768xf32, #tpu.memory_space<vmem>>, vector<1x16xf32>,
        %swap3A_583 = vector.shape_cast %swap3A_582 : vector<1x16xf32> to vector<16xf32>
        %swap3A_584 = vector.shape_cast %get3A_579 : vector<16xf32> to vector<1x16xf32>
        tpu.vector_store %arg10[%swap3A_580, %swap3A_581], %swap3A_584 {add = true, strides = array<i32>} : memref<32x768xf32, #tpu.memory_space<vmem>>, vector<1x16xf32>,
        %get3A_585 = arith.index_cast %scan3A_216 : i32 to index
        %get3A_586 = arith.constant 656 : index
        %get3A_587 = tpu.vector_load %arg8[%get3A_585, %get3A_586] {strides = array<i32>} : memref<32x768xf32, #tpu.memory_space<vmem>>, vector<1x16xf32>,
        %get3A_588 = vector.shape_cast %get3A_587 : vector<1x16xf32> to vector<16xf32>
        %swap3A_589 = arith.index_cast %scan3A_216 : i32 to index
        %swap3A_590 = arith.constant 656 : index
        %swap3A_591 = tpu.vector_load %arg10[%swap3A_589, %swap3A_590] {strides = array<i32>} : memref<32x768xf32, #tpu.memory_space<vmem>>, vector<1x16xf32>,
        %swap3A_592 = vector.shape_cast %swap3A_591 : vector<1x16xf32> to vector<16xf32>
        %swap3A_593 = vector.shape_cast %get3A_588 : vector<16xf32> to vector<1x16xf32>
        tpu.vector_store %arg10[%swap3A_589, %swap3A_590], %swap3A_593 {add = true, strides = array<i32>} : memref<32x768xf32, #tpu.memory_space<vmem>>, vector<1x16xf32>,
        %get3A_594 = arith.index_cast %scan3A_216 : i32 to index
        %get3A_595 = arith.constant 672 : index
        %get3A_596 = tpu.vector_load %arg8[%get3A_594, %get3A_595] {strides = array<i32>} : memref<32x768xf32, #tpu.memory_space<vmem>>, vector<1x16xf32>,
        %get3A_597 = vector.shape_cast %get3A_596 : vector<1x16xf32> to vector<16xf32>
        %swap3A_598 = arith.index_cast %scan3A_216 : i32 to index
        %swap3A_599 = arith.constant 672 : index
        %swap3A_600 = tpu.vector_load %arg10[%swap3A_598, %swap3A_599] {strides = array<i32>} : memref<32x768xf32, #tpu.memory_space<vmem>>, vector<1x16xf32>,
        %swap3A_601 = vector.shape_cast %swap3A_600 : vector<1x16xf32> to vector<16xf32>
        %swap3A_602 = vector.shape_cast %get3A_597 : vector<16xf32> to vector<1x16xf32>
        tpu.vector_store %arg10[%swap3A_598, %swap3A_599], %swap3A_602 {add = true, strides = array<i32>} : memref<32x768xf32, #tpu.memory_space<vmem>>, vector<1x16xf32>,
        %get3A_603 = arith.index_cast %scan3A_216 : i32 to index
        %get3A_604 = arith.constant 688 : index
        %get3A_605 = tpu.vector_load %arg8[%get3A_603, %get3A_604] {strides = array<i32>} : memref<32x768xf32, #tpu.memory_space<vmem>>, vector<1x16xf32>,
        %get3A_606 = vector.shape_cast %get3A_605 : vector<1x16xf32> to vector<16xf32>
        %swap3A_607 = arith.index_cast %scan3A_216 : i32 to index
        %swap3A_608 = arith.constant 688 : index
        %swap3A_609 = tpu.vector_load %arg10[%swap3A_607, %swap3A_608] {strides = array<i32>} : memref<32x768xf32, #tpu.memory_space<vmem>>, vector<1x16xf32>,
        %swap3A_610 = vector.shape_cast %swap3A_609 : vector<1x16xf32> to vector<16xf32>
        %swap3A_611 = vector.shape_cast %get3A_606 : vector<16xf32> to vector<1x16xf32>
        tpu.vector_store %arg10[%swap3A_607, %swap3A_608], %swap3A_611 {add = true, strides = array<i32>} : memref<32x768xf32, #tpu.memory_space<vmem>>, vector<1x16xf32>,
        %get3A_612 = arith.index_cast %scan3A_216 : i32 to index
        %get3A_613 = arith.constant 704 : index
        %get3A_614 = tpu.vector_load %arg8[%get3A_612, %get3A_613] {strides = array<i32>} : memref<32x768xf32, #tpu.memory_space<vmem>>, vector<1x16xf32>,
        %get3A_615 = vector.shape_cast %get3A_614 : vector<1x16xf32> to vector<16xf32>
        %swap3A_616 = arith.index_cast %scan3A_216 : i32 to index
        %swap3A_617 = arith.constant 704 : index
        %swap3A_618 = tpu.vector_load %arg10[%swap3A_616, %swap3A_617] {strides = array<i32>} : memref<32x768xf32, #tpu.memory_space<vmem>>, vector<1x16xf32>,
        %swap3A_619 = vector.shape_cast %swap3A_618 : vector<1x16xf32> to vector<16xf32>
        %swap3A_620 = vector.shape_cast %get3A_615 : vector<16xf32> to vector<1x16xf32>
        tpu.vector_store %arg10[%swap3A_616, %swap3A_617], %swap3A_620 {add = true, strides = array<i32>} : memref<32x768xf32, #tpu.memory_space<vmem>>, vector<1x16xf32>,
        %get3A_621 = arith.index_cast %scan3A_216 : i32 to index
        %get3A_622 = arith.constant 720 : index
        %get3A_623 = tpu.vector_load %arg8[%get3A_621, %get3A_622] {strides = array<i32>} : memref<32x768xf32, #tpu.memory_space<vmem>>, vector<1x16xf32>,
        %get3A_624 = vector.shape_cast %get3A_623 : vector<1x16xf32> to vector<16xf32>
        %swap3A_625 = arith.index_cast %scan3A_216 : i32 to index
        %swap3A_626 = arith.constant 720 : index
        %swap3A_627 = tpu.vector_load %arg10[%swap3A_625, %swap3A_626] {strides = array<i32>} : memref<32x768xf32, #tpu.memory_space<vmem>>, vector<1x16xf32>,
        %swap3A_628 = vector.shape_cast %swap3A_627 : vector<1x16xf32> to vector<16xf32>
        %swap3A_629 = vector.shape_cast %get3A_624 : vector<16xf32> to vector<1x16xf32>
        tpu.vector_store %arg10[%swap3A_625, %swap3A_626], %swap3A_629 {add = true, strides = array<i32>} : memref<32x768xf32, #tpu.memory_space<vmem>>, vector<1x16xf32>,
        %get3A_630 = arith.index_cast %scan3A_216 : i32 to index
        %get3A_631 = arith.constant 736 : index
        %get3A_632 = tpu.vector_load %arg8[%get3A_630, %get3A_631] {strides = array<i32>} : memref<32x768xf32, #tpu.memory_space<vmem>>, vector<1x16xf32>,
        %get3A_633 = vector.shape_cast %get3A_632 : vector<1x16xf32> to vector<16xf32>
        %swap3A_634 = arith.index_cast %scan3A_216 : i32 to index
        %swap3A_635 = arith.constant 736 : index
        %swap3A_636 = tpu.vector_load %arg10[%swap3A_634, %swap3A_635] {strides = array<i32>} : memref<32x768xf32, #tpu.memory_space<vmem>>, vector<1x16xf32>,
        %swap3A_637 = vector.shape_cast %swap3A_636 : vector<1x16xf32> to vector<16xf32>
        %swap3A_638 = vector.shape_cast %get3A_633 : vector<16xf32> to vector<1x16xf32>
        tpu.vector_store %arg10[%swap3A_634, %swap3A_635], %swap3A_638 {add = true, strides = array<i32>} : memref<32x768xf32, #tpu.memory_space<vmem>>, vector<1x16xf32>,
        %get3A_639 = arith.index_cast %scan3A_216 : i32 to index
        %get3A_640 = arith.constant 752 : index
        %get3A_641 = tpu.vector_load %arg8[%get3A_639, %get3A_640] {strides = array<i32>} : memref<32x768xf32, #tpu.memory_space<vmem>>, vector<1x16xf32>,
        %get3A_642 = vector.shape_cast %get3A_641 : vector<1x16xf32> to vector<16xf32>
        %swap3A_643 = arith.index_cast %scan3A_216 : i32 to index
        %swap3A_644 = arith.constant 752 : index
        %swap3A_645 = tpu.vector_load %arg10[%swap3A_643, %swap3A_644] {strides = array<i32>} : memref<32x768xf32, #tpu.memory_space<vmem>>, vector<1x16xf32>,
        %swap3A_646 = vector.shape_cast %swap3A_645 : vector<1x16xf32> to vector<16xf32>
        %swap3A_647 = vector.shape_cast %get3A_642 : vector<16xf32> to vector<1x16xf32>
        tpu.vector_store %arg10[%swap3A_643, %swap3A_644], %swap3A_647 {add = true, strides = array<i32>} : memref<32x768xf32, #tpu.memory_space<vmem>>, vector<1x16xf32>,
        %scan3A_648 = arith.constant 0 : i32
        scf.yield %scan3A_648 : i32
      }
      %scan3A_155 = arith.constant 32 : i32
      %add3A_156 = arith.constant 2 : i32
      %add3A_157 = arith.addi %mul3A_92, %add3A_156 : i32
      %add3A_158 = arith.constant 1 : i32
      %add3A_159 = arith.addi %add3A_157, %add3A_158 : i32
      %mul3A_160 = arith.constant 32 : i32
      %mul3A_161 = arith.muli %add3A_159, %mul3A_160 : i32
      %dma_start3A_162 = tpu.memref_slice %arg6[%mul3A_161] : memref<1024xi32, #tpu.memory_space<vmem>> -> memref<32xi32, #tpu.memory_space<vmem>>
      %dma_start3A_163 = arith.constant 0 : i32
      %dma_start3A_164 = arith.constant 0 : i32
      %dma_start3A_165 = tpu.memref_slice %arg4[%dma_start3A_163, %dma_start3A_164] : memref<8192x768xf32, #tpu.memory_space<hbm>> -> memref<8192x768xf32, #tpu.memory_space<hbm>>
      tpu.enqueue_indirect_dma source(%dma_start3A_165 : memref<8192x768xf32, #tpu.memory_space<hbm>>) target(%arg8 : memref<32x768xf32, #tpu.memory_space<vmem>>) offsets(%dma_start3A_162 : memref<32xi32, #tpu.memory_space<vmem>>) semaphore(%arg12 : memref<!tpu.dma_semaphore, #tpu.memory_space<semaphore_mem>>)
      %add3A_166 = arith.constant 1 : i32
      %add3A_167 = arith.addi %mul3A_92, %add3A_166 : i32
      %mul3A_168 = arith.constant 32 : i32
      %mul3A_169 = arith.muli %add3A_167, %mul3A_168 : i32
      %add3A_170 = arith.addi %mul3A_2, %mul3A_169 : i32
      %dma_start3A_171 = arith.constant 0 : i32
      %dma_start3A_172 = tpu.memref_slice %arg5[%add3A_170, %dma_start3A_171] : memref<32768x768xf32, #tpu.memory_space<hbm>> -> memref<32x768xf32, #tpu.memory_space<hbm>>
      %dma_start3A_173 = arith.constant 0 : i32
      %dma_start3A_174 = tpu.memref_slice %arg5[%add3A_170, %dma_start3A_173] : memref<32768x768xf32, #tpu.memory_space<hbm>> -> memref<32x768xf32, #tpu.memory_space<hbm>>
      tpu.enqueue_dma source(%arg10 : memref<32x768xf32, #tpu.memory_space<vmem>>) target(%dma_start3A_174 : memref<32x768xf32, #tpu.memory_space<hbm>>) target_semaphore(%arg16 : memref<!tpu.dma_semaphore, #tpu.memory_space<semaphore_mem>>)
      %add3A_175 = arith.constant 0 : i32
      %add3A_176 = arith.addi %mul3A_92, %add3A_175 : i32
      %mul3A_177 = arith.constant 32 : i32
      %mul3A_178 = arith.muli %add3A_176, %mul3A_177 : i32
      %add3A_179 = arith.addi %mul3A_2, %mul3A_178 : i32
      %dma_wait3A_180 = arith.constant 0 : i32
      %dma_wait3A_181 = tpu.memref_slice %arg5[%add3A_179, %dma_wait3A_180] : memref<32768x768xf32, #tpu.memory_space<hbm>> -> memref<32x768xf32, #tpu.memory_space<hbm>>
      %dma_wait3A_182 = arith.constant 0 : i32
      %dma_wait3A_183 = tpu.memref_slice %arg5[%add3A_179, %dma_wait3A_182] : memref<32768x768xf32, #tpu.memory_space<hbm>> -> memref<32x768xf32, #tpu.memory_space<hbm>>
      tpu.wait_dma2 semaphore(%arg15 : memref<!tpu.dma_semaphore, #tpu.memory_space<semaphore_mem>>) src(%arg9 : memref<32x768xf32, #tpu.memory_space<vmem>>) dst(%dma_wait3A_183 : memref<32x768xf32, #tpu.memory_space<hbm>>)
      %add3A_184 = arith.constant 2 : i32
      %add3A_185 = arith.addi %mul3A_92, %add3A_184 : i32
      %add3A_186 = arith.constant 0 : i32
      %add3A_187 = arith.addi %add3A_185, %add3A_186 : i32
      %mul3A_188 = arith.constant 32 : i32
      %mul3A_189 = arith.muli %add3A_187, %mul3A_188 : i32
      %add3A_190 = arith.addi %mul3A_2, %mul3A_189 : i32
      %dma_start3A_191 = arith.constant 0 : i32
      %dma_start3A_192 = tpu.memref_slice %arg2[%add3A_190, %dma_start3A_191] : memref<32768x768xf32, #tpu.memory_space<hbm>> -> memref<32x768xf32, #tpu.memory_space<hbm>>
      %dma_start3A_193 = arith.constant 0 : i32
      %dma_start3A_194 = tpu.memref_slice %arg2[%add3A_190, %dma_start3A_193] : memref<32768x768xf32, #tpu.memory_space<hbm>> -> memref<32x768xf32, #tpu.memory_space<hbm>>
      tpu.enqueue_dma source(%dma_start3A_194 : memref<32x768xf32, #tpu.memory_space<hbm>>) target(%arg9 : memref<32x768xf32, #tpu.memory_space<vmem>>) target_semaphore(%arg13 : memref<!tpu.dma_semaphore, #tpu.memory_space<semaphore_mem>>)
      %add3A_195 = arith.constant 1 : i32
      %add3A_196 = arith.addi %mul3A_92, %add3A_195 : i32
      %mul3A_197 = arith.constant 32 : i32
      %mul3A_198 = arith.muli %add3A_196, %mul3A_197 : i32
      %add3A_199 = arith.addi %mul3A_2, %mul3A_198 : i32
      %dma_wait3A_200 = arith.constant 0 : i32
      %dma_wait3A_201 = tpu.memref_slice %arg5[%add3A_199, %dma_wait3A_200] : memref<32768x768xf32, #tpu.memory_space<hbm>> -> memref<32x768xf32, #tpu.memory_space<hbm>>
      %dma_wait3A_202 = arith.constant 0 : i32
      %dma_wait3A_203 = tpu.memref_slice %arg5[%add3A_199, %dma_wait3A_202] : memref<32768x768xf32, #tpu.memory_space<hbm>> -> memref<32x768xf32, #tpu.memory_space<hbm>>
      tpu.wait_dma2 semaphore(%arg16 : memref<!tpu.dma_semaphore, #tpu.memory_space<semaphore_mem>>) src(%arg10 : memref<32x768xf32, #tpu.memory_space<vmem>>) dst(%dma_wait3A_203 : memref<32x768xf32, #tpu.memory_space<hbm>>)
      %add3A_204 = arith.constant 2 : i32
      %add3A_205 = arith.addi %mul3A_92, %add3A_204 : i32
      %add3A_206 = arith.constant 1 : i32
      %add3A_207 = arith.addi %add3A_205, %add3A_206 : i32
      %mul3A_208 = arith.constant 32 : i32
      %mul3A_209 = arith.muli %add3A_207, %mul3A_208 : i32
      %add3A_210 = arith.addi %mul3A_2, %mul3A_209 : i32
      %dma_start3A_211 = arith.constant 0 : i32
      %dma_start3A_212 = tpu.memref_slice %arg2[%add3A_210, %dma_start3A_211] : memref<32768x768xf32, #tpu.memory_space<hbm>> -> memref<32x768xf32, #tpu.memory_space<hbm>>
      %dma_start3A_213 = arith.constant 0 : i32
      %dma_start3A_214 = tpu.memref_slice %arg2[%add3A_210, %dma_start3A_213] : memref<32768x768xf32, #tpu.memory_space<hbm>> -> memref<32x768xf32, #tpu.memory_space<hbm>>
      tpu.enqueue_dma source(%dma_start3A_214 : memref<32x768xf32, #tpu.memory_space<hbm>>) target(%arg10 : memref<32x768xf32, #tpu.memory_space<vmem>>) target_semaphore(%arg14 : memref<!tpu.dma_semaphore, #tpu.memory_space<semaphore_mem>>)
      %scan3A_215 = arith.constant 0 : i32
      scf.yield %scan3A_215 : i32
    }
    %scan3A_29 = arith.constant 15 : i32
    %dma_wait3A = arith.constant 960 : i32
    %dma_wait3A_30 = tpu.memref_slice %arg6[%dma_wait3A] : memref<1024xi32, #tpu.memory_space<vmem>> -> memref<32xi32, #tpu.memory_space<vmem>>
    %dma_wait3A_31 = arith.constant 0 : i32
    %dma_wait3A_32 = arith.constant 0 : i32
    %dma_wait3A_33 = tpu.memref_slice %arg4[%dma_wait3A_31, %dma_wait3A_32] : memref<8192x768xf32, #tpu.memory_space<hbm>> -> memref<8192x768xf32, #tpu.memory_space<hbm>>
    tpu.wait_indirect_dma semaphore(%arg11 : memref<!tpu.dma_semaphore, #tpu.memory_space<semaphore_mem>>) src(%dma_wait3A_33 : memref<8192x768xf32, #tpu.memory_space<hbm>>) dst(%arg7 : memref<32x768xf32, #tpu.memory_space<vmem>>)
    %add3A_34 = arith.constant 960 : i32
    %add3A_35 = arith.addi %mul3A_2, %add3A_34 : i32
    %dma_wait3A_36 = arith.constant 0 : i32
    %dma_wait3A_37 = tpu.memref_slice %arg2[%add3A_35, %dma_wait3A_36] : memref<32768x768xf32, #tpu.memory_space<hbm>> -> memref<32x768xf32, #tpu.memory_space<hbm>>
    %dma_wait3A_38 = arith.constant 0 : i32
    %dma_wait3A_39 = tpu.memref_slice %arg2[%add3A_35, %dma_wait3A_38] : memref<32768x768xf32, #tpu.memory_space<hbm>> -> memref<32x768xf32, #tpu.memory_space<hbm>>
    tpu.wait_dma2 semaphore(%arg13 : memref<!tpu.dma_semaphore, #tpu.memory_space<semaphore_mem>>) src(%dma_wait3A_39 : memref<32x768xf32, #tpu.memory_space<hbm>>) dst(%arg9 : memref<32x768xf32, #tpu.memory_space<vmem>>)
    %scan3A_40 = arith.constant 0 : i32
    %scan3A_41 = arith.constant 0 : i32
    %scan3A_42 = arith.constant 32 : i32
    %scan3A_43 = arith.addi %scan3A_41, %scan3A_42 : i32
    %scan3A_44 = arith.constant 1 : i32
    %scan3A_45 = scf.for %scan3A_89 = %scan3A_41 to %scan3A_43 step %scan3A_44 iter_args(%scan3A_90 = %scan3A_40) -> (i32)  : i32 {
      %get3A = arith.index_cast %scan3A_89 : i32 to index
      %get3A_91 = arith.constant 0 : index
      %get3A_92 = tpu.vector_load %arg7[%get3A, %get3A_91] {strides = array<i32>} : memref<32x768xf32, #tpu.memory_space<vmem>>, vector<1x16xf32>,
      %get3A_93 = vector.shape_cast %get3A_92 : vector<1x16xf32> to vector<16xf32>
      %swap3A = arith.index_cast %scan3A_89 : i32 to index
      %swap3A_94 = arith.constant 0 : index
      %swap3A_95 = tpu.vector_load %arg9[%swap3A, %swap3A_94] {strides = array<i32>} : memref<32x768xf32, #tpu.memory_space<vmem>>, vector<1x16xf32>,
      %swap3A_96 = vector.shape_cast %swap3A_95 : vector<1x16xf32> to vector<16xf32>
      %swap3A_97 = vector.shape_cast %get3A_93 : vector<16xf32> to vector<1x16xf32>
      tpu.vector_store %arg9[%swap3A, %swap3A_94], %swap3A_97 {add = true, strides = array<i32>} : memref<32x768xf32, #tpu.memory_space<vmem>>, vector<1x16xf32>,
      %get3A_98 = arith.index_cast %scan3A_89 : i32 to index
      %get3A_99 = arith.constant 16 : index
      %get3A_100 = tpu.vector_load %arg7[%get3A_98, %get3A_99] {strides = array<i32>} : memref<32x768xf32, #tpu.memory_space<vmem>>, vector<1x16xf32>,
      %get3A_101 = vector.shape_cast %get3A_100 : vector<1x16xf32> to vector<16xf32>
      %swap3A_102 = arith.index_cast %scan3A_89 : i32 to index
      %swap3A_103 = arith.constant 16 : index
      %swap3A_104 = tpu.vector_load %arg9[%swap3A_102, %swap3A_103] {strides = array<i32>} : memref<32x768xf32, #tpu.memory_space<vmem>>, vector<1x16xf32>,
      %swap3A_105 = vector.shape_cast %swap3A_104 : vector<1x16xf32> to vector<16xf32>
      %swap3A_106 = vector.shape_cast %get3A_101 : vector<16xf32> to vector<1x16xf32>
      tpu.vector_store %arg9[%swap3A_102, %swap3A_103], %swap3A_106 {add = true, strides = array<i32>} : memref<32x768xf32, #tpu.memory_space<vmem>>, vector<1x16xf32>,
      %get3A_107 = arith.index_cast %scan3A_89 : i32 to index
      %get3A_108 = arith.constant 32 : index
      %get3A_109 = tpu.vector_load %arg7[%get3A_107, %get3A_108] {strides = array<i32>} : memref<32x768xf32, #tpu.memory_space<vmem>>, vector<1x16xf32>,
      %get3A_110 = vector.shape_cast %get3A_109 : vector<1x16xf32> to vector<16xf32>
      %swap3A_111 = arith.index_cast %scan3A_89 : i32 to index
      %swap3A_112 = arith.constant 32 : index
      %swap3A_113 = tpu.vector_load %arg9[%swap3A_111, %swap3A_112] {strides = array<i32>} : memref<32x768xf32, #tpu.memory_space<vmem>>, vector<1x16xf32>,
      %swap3A_114 = vector.shape_cast %swap3A_113 : vector<1x16xf32> to vector<16xf32>
      %swap3A_115 = vector.shape_cast %get3A_110 : vector<16xf32> to vector<1x16xf32>
      tpu.vector_store %arg9[%swap3A_111, %swap3A_112], %swap3A_115 {add = true, strides = array<i32>} : memref<32x768xf32, #tpu.memory_space<vmem>>, vector<1x16xf32>,
      %get3A_116 = arith.index_cast %scan3A_89 : i32 to index
      %get3A_117 = arith.constant 48 : index
      %get3A_118 = tpu.vector_load %arg7[%get3A_116, %get3A_117] {strides = array<i32>} : memref<32x768xf32, #tpu.memory_space<vmem>>, vector<1x16xf32>,
      %get3A_119 = vector.shape_cast %get3A_118 : vector<1x16xf32> to vector<16xf32>
      %swap3A_120 = arith.index_cast %scan3A_89 : i32 to index
      %swap3A_121 = arith.constant 48 : index
      %swap3A_122 = tpu.vector_load %arg9[%swap3A_120, %swap3A_121] {strides = array<i32>} : memref<32x768xf32, #tpu.memory_space<vmem>>, vector<1x16xf32>,
      %swap3A_123 = vector.shape_cast %swap3A_122 : vector<1x16xf32> to vector<16xf32>
      %swap3A_124 = vector.shape_cast %get3A_119 : vector<16xf32> to vector<1x16xf32>
      tpu.vector_store %arg9[%swap3A_120, %swap3A_121], %swap3A_124 {add = true, strides = array<i32>} : memref<32x768xf32, #tpu.memory_space<vmem>>, vector<1x16xf32>,
      %get3A_125 = arith.index_cast %scan3A_89 : i32 to index
      %get3A_126 = arith.constant 64 : index
      %get3A_127 = tpu.vector_load %arg7[%get3A_125, %get3A_126] {strides = array<i32>} : memref<32x768xf32, #tpu.memory_space<vmem>>, vector<1x16xf32>,
      %get3A_128 = vector.shape_cast %get3A_127 : vector<1x16xf32> to vector<16xf32>
      %swap3A_129 = arith.index_cast %scan3A_89 : i32 to index
      %swap3A_130 = arith.constant 64 : index
      %swap3A_131 = tpu.vector_load %arg9[%swap3A_129, %swap3A_130] {strides = array<i32>} : memref<32x768xf32, #tpu.memory_space<vmem>>, vector<1x16xf32>,
      %swap3A_132 = vector.shape_cast %swap3A_131 : vector<1x16xf32> to vector<16xf32>
      %swap3A_133 = vector.shape_cast %get3A_128 : vector<16xf32> to vector<1x16xf32>
      tpu.vector_store %arg9[%swap3A_129, %swap3A_130], %swap3A_133 {add = true, strides = array<i32>} : memref<32x768xf32, #tpu.memory_space<vmem>>, vector<1x16xf32>,
      %get3A_134 = arith.index_cast %scan3A_89 : i32 to index
      %get3A_135 = arith.constant 80 : index
      %get3A_136 = tpu.vector_load %arg7[%get3A_134, %get3A_135] {strides = array<i32>} : memref<32x768xf32, #tpu.memory_space<vmem>>, vector<1x16xf32>,
      %get3A_137 = vector.shape_cast %get3A_136 : vector<1x16xf32> to vector<16xf32>
      %swap3A_138 = arith.index_cast %scan3A_89 : i32 to index
      %swap3A_139 = arith.constant 80 : index
      %swap3A_140 = tpu.vector_load %arg9[%swap3A_138, %swap3A_139] {strides = array<i32>} : memref<32x768xf32, #tpu.memory_space<vmem>>, vector<1x16xf32>,
      %swap3A_141 = vector.shape_cast %swap3A_140 : vector<1x16xf32> to vector<16xf32>
      %swap3A_142 = vector.shape_cast %get3A_137 : vector<16xf32> to vector<1x16xf32>
      tpu.vector_store %arg9[%swap3A_138, %swap3A_139], %swap3A_142 {add = true, strides = array<i32>} : memref<32x768xf32, #tpu.memory_space<vmem>>, vector<1x16xf32>,
      %get3A_143 = arith.index_cast %scan3A_89 : i32 to index
      %get3A_144 = arith.constant 96 : index
      %get3A_145 = tpu.vector_load %arg7[%get3A_143, %get3A_144] {strides = array<i32>} : memref<32x768xf32, #tpu.memory_space<vmem>>, vector<1x16xf32>,
      %get3A_146 = vector.shape_cast %get3A_145 : vector<1x16xf32> to vector<16xf32>
      %swap3A_147 = arith.index_cast %scan3A_89 : i32 to index
      %swap3A_148 = arith.constant 96 : index
      %swap3A_149 = tpu.vector_load %arg9[%swap3A_147, %swap3A_148] {strides = array<i32>} : memref<32x768xf32, #tpu.memory_space<vmem>>, vector<1x16xf32>,
      %swap3A_150 = vector.shape_cast %swap3A_149 : vector<1x16xf32> to vector<16xf32>
      %swap3A_151 = vector.shape_cast %get3A_146 : vector<16xf32> to vector<1x16xf32>
      tpu.vector_store %arg9[%swap3A_147, %swap3A_148], %swap3A_151 {add = true, strides = array<i32>} : memref<32x768xf32, #tpu.memory_space<vmem>>, vector<1x16xf32>,
      %get3A_152 = arith.index_cast %scan3A_89 : i32 to index
      %get3A_153 = arith.constant 112 : index
      %get3A_154 = tpu.vector_load %arg7[%get3A_152, %get3A_153] {strides = array<i32>} : memref<32x768xf32, #tpu.memory_space<vmem>>, vector<1x16xf32>,
      %get3A_155 = vector.shape_cast %get3A_154 : vector<1x16xf32> to vector<16xf32>
      %swap3A_156 = arith.index_cast %scan3A_89 : i32 to index
      %swap3A_157 = arith.constant 112 : index
      %swap3A_158 = tpu.vector_load %arg9[%swap3A_156, %swap3A_157] {strides = array<i32>} : memref<32x768xf32, #tpu.memory_space<vmem>>, vector<1x16xf32>,
      %swap3A_159 = vector.shape_cast %swap3A_158 : vector<1x16xf32> to vector<16xf32>
      %swap3A_160 = vector.shape_cast %get3A_155 : vector<16xf32> to vector<1x16xf32>
      tpu.vector_store %arg9[%swap3A_156, %swap3A_157], %swap3A_160 {add = true, strides = array<i32>} : memref<32x768xf32, #tpu.memory_space<vmem>>, vector<1x16xf32>,
      %get3A_161 = arith.index_cast %scan3A_89 : i32 to index
      %get3A_162 = arith.constant 128 : index
      %get3A_163 = tpu.vector_load %arg7[%get3A_161, %get3A_162] {strides = array<i32>} : memref<32x768xf32, #tpu.memory_space<vmem>>, vector<1x16xf32>,
      %get3A_164 = vector.shape_cast %get3A_163 : vector<1x16xf32> to vector<16xf32>
      %swap3A_165 = arith.index_cast %scan3A_89 : i32 to index
      %swap3A_166 = arith.constant 128 : index
      %swap3A_167 = tpu.vector_load %arg9[%swap3A_165, %swap3A_166] {strides = array<i32>} : memref<32x768xf32, #tpu.memory_space<vmem>>, vector<1x16xf32>,
      %swap3A_168 = vector.shape_cast %swap3A_167 : vector<1x16xf32> to vector<16xf32>
      %swap3A_169 = vector.shape_cast %get3A_164 : vector<16xf32> to vector<1x16xf32>
      tpu.vector_store %arg9[%swap3A_165, %swap3A_166], %swap3A_169 {add = true, strides = array<i32>} : memref<32x768xf32, #tpu.memory_space<vmem>>, vector<1x16xf32>,
      %get3A_170 = arith.index_cast %scan3A_89 : i32 to index
      %get3A_171 = arith.constant 144 : index
      %get3A_172 = tpu.vector_load %arg7[%get3A_170, %get3A_171] {strides = array<i32>} : memref<32x768xf32, #tpu.memory_space<vmem>>, vector<1x16xf32>,
      %get3A_173 = vector.shape_cast %get3A_172 : vector<1x16xf32> to vector<16xf32>
      %swap3A_174 = arith.index_cast %scan3A_89 : i32 to index
      %swap3A_175 = arith.constant 144 : index
      %swap3A_176 = tpu.vector_load %arg9[%swap3A_174, %swap3A_175] {strides = array<i32>} : memref<32x768xf32, #tpu.memory_space<vmem>>, vector<1x16xf32>,
      %swap3A_177 = vector.shape_cast %swap3A_176 : vector<1x16xf32> to vector<16xf32>
      %swap3A_178 = vector.shape_cast %get3A_173 : vector<16xf32> to vector<1x16xf32>
      tpu.vector_store %arg9[%swap3A_174, %swap3A_175], %swap3A_178 {add = true, strides = array<i32>} : memref<32x768xf32, #tpu.memory_space<vmem>>, vector<1x16xf32>,
      %get3A_179 = arith.index_cast %scan3A_89 : i32 to index
      %get3A_180 = arith.constant 160 : index
      %get3A_181 = tpu.vector_load %arg7[%get3A_179, %get3A_180] {strides = array<i32>} : memref<32x768xf32, #tpu.memory_space<vmem>>, vector<1x16xf32>,
      %get3A_182 = vector.shape_cast %get3A_181 : vector<1x16xf32> to vector<16xf32>
      %swap3A_183 = arith.index_cast %scan3A_89 : i32 to index
      %swap3A_184 = arith.constant 160 : index
      %swap3A_185 = tpu.vector_load %arg9[%swap3A_183, %swap3A_184] {strides = array<i32>} : memref<32x768xf32, #tpu.memory_space<vmem>>, vector<1x16xf32>,
      %swap3A_186 = vector.shape_cast %swap3A_185 : vector<1x16xf32> to vector<16xf32>
      %swap3A_187 = vector.shape_cast %get3A_182 : vector<16xf32> to vector<1x16xf32>
      tpu.vector_store %arg9[%swap3A_183, %swap3A_184], %swap3A_187 {add = true, strides = array<i32>} : memref<32x768xf32, #tpu.memory_space<vmem>>, vector<1x16xf32>,
      %get3A_188 = arith.index_cast %scan3A_89 : i32 to index
      %get3A_189 = arith.constant 176 : index
      %get3A_190 = tpu.vector_load %arg7[%get3A_188, %get3A_189] {strides = array<i32>} : memref<32x768xf32, #tpu.memory_space<vmem>>, vector<1x16xf32>,
      %get3A_191 = vector.shape_cast %get3A_190 : vector<1x16xf32> to vector<16xf32>
      %swap3A_192 = arith.index_cast %scan3A_89 : i32 to index
      %swap3A_193 = arith.constant 176 : index
      %swap3A_194 = tpu.vector_load %arg9[%swap3A_192, %swap3A_193] {strides = array<i32>} : memref<32x768xf32, #tpu.memory_space<vmem>>, vector<1x16xf32>,
      %swap3A_195 = vector.shape_cast %swap3A_194 : vector<1x16xf32> to vector<16xf32>
      %swap3A_196 = vector.shape_cast %get3A_191 : vector<16xf32> to vector<1x16xf32>
      tpu.vector_store %arg9[%swap3A_192, %swap3A_193], %swap3A_196 {add = true, strides = array<i32>} : memref<32x768xf32, #tpu.memory_space<vmem>>, vector<1x16xf32>,
      %get3A_197 = arith.index_cast %scan3A_89 : i32 to index
      %get3A_198 = arith.constant 192 : index
      %get3A_199 = tpu.vector_load %arg7[%get3A_197, %get3A_198] {strides = array<i32>} : memref<32x768xf32, #tpu.memory_space<vmem>>, vector<1x16xf32>,
      %get3A_200 = vector.shape_cast %get3A_199 : vector<1x16xf32> to vector<16xf32>
      %swap3A_201 = arith.index_cast %scan3A_89 : i32 to index
      %swap3A_202 = arith.constant 192 : index
      %swap3A_203 = tpu.vector_load %arg9[%swap3A_201, %swap3A_202] {strides = array<i32>} : memref<32x768xf32, #tpu.memory_space<vmem>>, vector<1x16xf32>,
      %swap3A_204 = vector.shape_cast %swap3A_203 : vector<1x16xf32> to vector<16xf32>
      %swap3A_205 = vector.shape_cast %get3A_200 : vector<16xf32> to vector<1x16xf32>
      tpu.vector_store %arg9[%swap3A_201, %swap3A_202], %swap3A_205 {add = true, strides = array<i32>} : memref<32x768xf32, #tpu.memory_space<vmem>>, vector<1x16xf32>,
      %get3A_206 = arith.index_cast %scan3A_89 : i32 to index
      %get3A_207 = arith.constant 208 : index
      %get3A_208 = tpu.vector_load %arg7[%get3A_206, %get3A_207] {strides = array<i32>} : memref<32x768xf32, #tpu.memory_space<vmem>>, vector<1x16xf32>,
      %get3A_209 = vector.shape_cast %get3A_208 : vector<1x16xf32> to vector<16xf32>
      %swap3A_210 = arith.index_cast %scan3A_89 : i32 to index
      %swap3A_211 = arith.constant 208 : index
      %swap3A_212 = tpu.vector_load %arg9[%swap3A_210, %swap3A_211] {strides = array<i32>} : memref<32x768xf32, #tpu.memory_space<vmem>>, vector<1x16xf32>,
      %swap3A_213 = vector.shape_cast %swap3A_212 : vector<1x16xf32> to vector<16xf32>
      %swap3A_214 = vector.shape_cast %get3A_209 : vector<16xf32> to vector<1x16xf32>
      tpu.vector_store %arg9[%swap3A_210, %swap3A_211], %swap3A_214 {add = true, strides = array<i32>} : memref<32x768xf32, #tpu.memory_space<vmem>>, vector<1x16xf32>,
      %get3A_215 = arith.index_cast %scan3A_89 : i32 to index
      %get3A_216 = arith.constant 224 : index
      %get3A_217 = tpu.vector_load %arg7[%get3A_215, %get3A_216] {strides = array<i32>} : memref<32x768xf32, #tpu.memory_space<vmem>>, vector<1x16xf32>,
      %get3A_218 = vector.shape_cast %get3A_217 : vector<1x16xf32> to vector<16xf32>
      %swap3A_219 = arith.index_cast %scan3A_89 : i32 to index
      %swap3A_220 = arith.constant 224 : index
      %swap3A_221 = tpu.vector_load %arg9[%swap3A_219, %swap3A_220] {strides = array<i32>} : memref<32x768xf32, #tpu.memory_space<vmem>>, vector<1x16xf32>,
      %swap3A_222 = vector.shape_cast %swap3A_221 : vector<1x16xf32> to vector<16xf32>
      %swap3A_223 = vector.shape_cast %get3A_218 : vector<16xf32> to vector<1x16xf32>
      tpu.vector_store %arg9[%swap3A_219, %swap3A_220], %swap3A_223 {add = true, strides = array<i32>} : memref<32x768xf32, #tpu.memory_space<vmem>>, vector<1x16xf32>,
      %get3A_224 = arith.index_cast %scan3A_89 : i32 to index
      %get3A_225 = arith.constant 240 : index
      %get3A_226 = tpu.vector_load %arg7[%get3A_224, %get3A_225] {strides = array<i32>} : memref<32x768xf32, #tpu.memory_space<vmem>>, vector<1x16xf32>,
      %get3A_227 = vector.shape_cast %get3A_226 : vector<1x16xf32> to vector<16xf32>
      %swap3A_228 = arith.index_cast %scan3A_89 : i32 to index
      %swap3A_229 = arith.constant 240 : index
      %swap3A_230 = tpu.vector_load %arg9[%swap3A_228, %swap3A_229] {strides = array<i32>} : memref<32x768xf32, #tpu.memory_space<vmem>>, vector<1x16xf32>,
      %swap3A_231 = vector.shape_cast %swap3A_230 : vector<1x16xf32> to vector<16xf32>
      %swap3A_232 = vector.shape_cast %get3A_227 : vector<16xf32> to vector<1x16xf32>
      tpu.vector_store %arg9[%swap3A_228, %swap3A_229], %swap3A_232 {add = true, strides = array<i32>} : memref<32x768xf32, #tpu.memory_space<vmem>>, vector<1x16xf32>,
      %get3A_233 = arith.index_cast %scan3A_89 : i32 to index
      %get3A_234 = arith.constant 256 : index
      %get3A_235 = tpu.vector_load %arg7[%get3A_233, %get3A_234] {strides = array<i32>} : memref<32x768xf32, #tpu.memory_space<vmem>>, vector<1x16xf32>,
      %get3A_236 = vector.shape_cast %get3A_235 : vector<1x16xf32> to vector<16xf32>
      %swap3A_237 = arith.index_cast %scan3A_89 : i32 to index
      %swap3A_238 = arith.constant 256 : index
      %swap3A_239 = tpu.vector_load %arg9[%swap3A_237, %swap3A_238] {strides = array<i32>} : memref<32x768xf32, #tpu.memory_space<vmem>>, vector<1x16xf32>,
      %swap3A_240 = vector.shape_cast %swap3A_239 : vector<1x16xf32> to vector<16xf32>
      %swap3A_241 = vector.shape_cast %get3A_236 : vector<16xf32> to vector<1x16xf32>
      tpu.vector_store %arg9[%swap3A_237, %swap3A_238], %swap3A_241 {add = true, strides = array<i32>} : memref<32x768xf32, #tpu.memory_space<vmem>>, vector<1x16xf32>,
      %get3A_242 = arith.index_cast %scan3A_89 : i32 to index
      %get3A_243 = arith.constant 272 : index
      %get3A_244 = tpu.vector_load %arg7[%get3A_242, %get3A_243] {strides = array<i32>} : memref<32x768xf32, #tpu.memory_space<vmem>>, vector<1x16xf32>,
      %get3A_245 = vector.shape_cast %get3A_244 : vector<1x16xf32> to vector<16xf32>
      %swap3A_246 = arith.index_cast %scan3A_89 : i32 to index
      %swap3A_247 = arith.constant 272 : index
      %swap3A_248 = tpu.vector_load %arg9[%swap3A_246, %swap3A_247] {strides = array<i32>} : memref<32x768xf32, #tpu.memory_space<vmem>>, vector<1x16xf32>,
      %swap3A_249 = vector.shape_cast %swap3A_248 : vector<1x16xf32> to vector<16xf32>
      %swap3A_250 = vector.shape_cast %get3A_245 : vector<16xf32> to vector<1x16xf32>
      tpu.vector_store %arg9[%swap3A_246, %swap3A_247], %swap3A_250 {add = true, strides = array<i32>} : memref<32x768xf32, #tpu.memory_space<vmem>>, vector<1x16xf32>,
      %get3A_251 = arith.index_cast %scan3A_89 : i32 to index
      %get3A_252 = arith.constant 288 : index
      %get3A_253 = tpu.vector_load %arg7[%get3A_251, %get3A_252] {strides = array<i32>} : memref<32x768xf32, #tpu.memory_space<vmem>>, vector<1x16xf32>,
      %get3A_254 = vector.shape_cast %get3A_253 : vector<1x16xf32> to vector<16xf32>
      %swap3A_255 = arith.index_cast %scan3A_89 : i32 to index
      %swap3A_256 = arith.constant 288 : index
      %swap3A_257 = tpu.vector_load %arg9[%swap3A_255, %swap3A_256] {strides = array<i32>} : memref<32x768xf32, #tpu.memory_space<vmem>>, vector<1x16xf32>,
      %swap3A_258 = vector.shape_cast %swap3A_257 : vector<1x16xf32> to vector<16xf32>
      %swap3A_259 = vector.shape_cast %get3A_254 : vector<16xf32> to vector<1x16xf32>
      tpu.vector_store %arg9[%swap3A_255, %swap3A_256], %swap3A_259 {add = true, strides = array<i32>} : memref<32x768xf32, #tpu.memory_space<vmem>>, vector<1x16xf32>,
      %get3A_260 = arith.index_cast %scan3A_89 : i32 to index
      %get3A_261 = arith.constant 304 : index
      %get3A_262 = tpu.vector_load %arg7[%get3A_260, %get3A_261] {strides = array<i32>} : memref<32x768xf32, #tpu.memory_space<vmem>>, vector<1x16xf32>,
      %get3A_263 = vector.shape_cast %get3A_262 : vector<1x16xf32> to vector<16xf32>
      %swap3A_264 = arith.index_cast %scan3A_89 : i32 to index
      %swap3A_265 = arith.constant 304 : index
      %swap3A_266 = tpu.vector_load %arg9[%swap3A_264, %swap3A_265] {strides = array<i32>} : memref<32x768xf32, #tpu.memory_space<vmem>>, vector<1x16xf32>,
      %swap3A_267 = vector.shape_cast %swap3A_266 : vector<1x16xf32> to vector<16xf32>
      %swap3A_268 = vector.shape_cast %get3A_263 : vector<16xf32> to vector<1x16xf32>
      tpu.vector_store %arg9[%swap3A_264, %swap3A_265], %swap3A_268 {add = true, strides = array<i32>} : memref<32x768xf32, #tpu.memory_space<vmem>>, vector<1x16xf32>,
      %get3A_269 = arith.index_cast %scan3A_89 : i32 to index
      %get3A_270 = arith.constant 320 : index
      %get3A_271 = tpu.vector_load %arg7[%get3A_269, %get3A_270] {strides = array<i32>} : memref<32x768xf32, #tpu.memory_space<vmem>>, vector<1x16xf32>,
      %get3A_272 = vector.shape_cast %get3A_271 : vector<1x16xf32> to vector<16xf32>
      %swap3A_273 = arith.index_cast %scan3A_89 : i32 to index
      %swap3A_274 = arith.constant 320 : index
      %swap3A_275 = tpu.vector_load %arg9[%swap3A_273, %swap3A_274] {strides = array<i32>} : memref<32x768xf32, #tpu.memory_space<vmem>>, vector<1x16xf32>,
      %swap3A_276 = vector.shape_cast %swap3A_275 : vector<1x16xf32> to vector<16xf32>
      %swap3A_277 = vector.shape_cast %get3A_272 : vector<16xf32> to vector<1x16xf32>
      tpu.vector_store %arg9[%swap3A_273, %swap3A_274], %swap3A_277 {add = true, strides = array<i32>} : memref<32x768xf32, #tpu.memory_space<vmem>>, vector<1x16xf32>,
      %get3A_278 = arith.index_cast %scan3A_89 : i32 to index
      %get3A_279 = arith.constant 336 : index
      %get3A_280 = tpu.vector_load %arg7[%get3A_278, %get3A_279] {strides = array<i32>} : memref<32x768xf32, #tpu.memory_space<vmem>>, vector<1x16xf32>,
      %get3A_281 = vector.shape_cast %get3A_280 : vector<1x16xf32> to vector<16xf32>
      %swap3A_282 = arith.index_cast %scan3A_89 : i32 to index
      %swap3A_283 = arith.constant 336 : index
      %swap3A_284 = tpu.vector_load %arg9[%swap3A_282, %swap3A_283] {strides = array<i32>} : memref<32x768xf32, #tpu.memory_space<vmem>>, vector<1x16xf32>,
      %swap3A_285 = vector.shape_cast %swap3A_284 : vector<1x16xf32> to vector<16xf32>
      %swap3A_286 = vector.shape_cast %get3A_281 : vector<16xf32> to vector<1x16xf32>
      tpu.vector_store %arg9[%swap3A_282, %swap3A_283], %swap3A_286 {add = true, strides = array<i32>} : memref<32x768xf32, #tpu.memory_space<vmem>>, vector<1x16xf32>,
      %get3A_287 = arith.index_cast %scan3A_89 : i32 to index
      %get3A_288 = arith.constant 352 : index
      %get3A_289 = tpu.vector_load %arg7[%get3A_287, %get3A_288] {strides = array<i32>} : memref<32x768xf32, #tpu.memory_space<vmem>>, vector<1x16xf32>,
      %get3A_290 = vector.shape_cast %get3A_289 : vector<1x16xf32> to vector<16xf32>
      %swap3A_291 = arith.index_cast %scan3A_89 : i32 to index
      %swap3A_292 = arith.constant 352 : index
      %swap3A_293 = tpu.vector_load %arg9[%swap3A_291, %swap3A_292] {strides = array<i32>} : memref<32x768xf32, #tpu.memory_space<vmem>>, vector<1x16xf32>,
      %swap3A_294 = vector.shape_cast %swap3A_293 : vector<1x16xf32> to vector<16xf32>
      %swap3A_295 = vector.shape_cast %get3A_290 : vector<16xf32> to vector<1x16xf32>
      tpu.vector_store %arg9[%swap3A_291, %swap3A_292], %swap3A_295 {add = true, strides = array<i32>} : memref<32x768xf32, #tpu.memory_space<vmem>>, vector<1x16xf32>,
      %get3A_296 = arith.index_cast %scan3A_89 : i32 to index
      %get3A_297 = arith.constant 368 : index
      %get3A_298 = tpu.vector_load %arg7[%get3A_296, %get3A_297] {strides = array<i32>} : memref<32x768xf32, #tpu.memory_space<vmem>>, vector<1x16xf32>,
      %get3A_299 = vector.shape_cast %get3A_298 : vector<1x16xf32> to vector<16xf32>
      %swap3A_300 = arith.index_cast %scan3A_89 : i32 to index
      %swap3A_301 = arith.constant 368 : index
      %swap3A_302 = tpu.vector_load %arg9[%swap3A_300, %swap3A_301] {strides = array<i32>} : memref<32x768xf32, #tpu.memory_space<vmem>>, vector<1x16xf32>,
      %swap3A_303 = vector.shape_cast %swap3A_302 : vector<1x16xf32> to vector<16xf32>
      %swap3A_304 = vector.shape_cast %get3A_299 : vector<16xf32> to vector<1x16xf32>
      tpu.vector_store %arg9[%swap3A_300, %swap3A_301], %swap3A_304 {add = true, strides = array<i32>} : memref<32x768xf32, #tpu.memory_space<vmem>>, vector<1x16xf32>,
      %get3A_305 = arith.index_cast %scan3A_89 : i32 to index
      %get3A_306 = arith.constant 384 : index
      %get3A_307 = tpu.vector_load %arg7[%get3A_305, %get3A_306] {strides = array<i32>} : memref<32x768xf32, #tpu.memory_space<vmem>>, vector<1x16xf32>,
      %get3A_308 = vector.shape_cast %get3A_307 : vector<1x16xf32> to vector<16xf32>
      %swap3A_309 = arith.index_cast %scan3A_89 : i32 to index
      %swap3A_310 = arith.constant 384 : index
      %swap3A_311 = tpu.vector_load %arg9[%swap3A_309, %swap3A_310] {strides = array<i32>} : memref<32x768xf32, #tpu.memory_space<vmem>>, vector<1x16xf32>,
      %swap3A_312 = vector.shape_cast %swap3A_311 : vector<1x16xf32> to vector<16xf32>
      %swap3A_313 = vector.shape_cast %get3A_308 : vector<16xf32> to vector<1x16xf32>
      tpu.vector_store %arg9[%swap3A_309, %swap3A_310], %swap3A_313 {add = true, strides = array<i32>} : memref<32x768xf32, #tpu.memory_space<vmem>>, vector<1x16xf32>,
      %get3A_314 = arith.index_cast %scan3A_89 : i32 to index
      %get3A_315 = arith.constant 400 : index
      %get3A_316 = tpu.vector_load %arg7[%get3A_314, %get3A_315] {strides = array<i32>} : memref<32x768xf32, #tpu.memory_space<vmem>>, vector<1x16xf32>,
      %get3A_317 = vector.shape_cast %get3A_316 : vector<1x16xf32> to vector<16xf32>
      %swap3A_318 = arith.index_cast %scan3A_89 : i32 to index
      %swap3A_319 = arith.constant 400 : index
      %swap3A_320 = tpu.vector_load %arg9[%swap3A_318, %swap3A_319] {strides = array<i32>} : memref<32x768xf32, #tpu.memory_space<vmem>>, vector<1x16xf32>,
      %swap3A_321 = vector.shape_cast %swap3A_320 : vector<1x16xf32> to vector<16xf32>
      %swap3A_322 = vector.shape_cast %get3A_317 : vector<16xf32> to vector<1x16xf32>
      tpu.vector_store %arg9[%swap3A_318, %swap3A_319], %swap3A_322 {add = true, strides = array<i32>} : memref<32x768xf32, #tpu.memory_space<vmem>>, vector<1x16xf32>,
      %get3A_323 = arith.index_cast %scan3A_89 : i32 to index
      %get3A_324 = arith.constant 416 : index
      %get3A_325 = tpu.vector_load %arg7[%get3A_323, %get3A_324] {strides = array<i32>} : memref<32x768xf32, #tpu.memory_space<vmem>>, vector<1x16xf32>,
      %get3A_326 = vector.shape_cast %get3A_325 : vector<1x16xf32> to vector<16xf32>
      %swap3A_327 = arith.index_cast %scan3A_89 : i32 to index
      %swap3A_328 = arith.constant 416 : index
      %swap3A_329 = tpu.vector_load %arg9[%swap3A_327, %swap3A_328] {strides = array<i32>} : memref<32x768xf32, #tpu.memory_space<vmem>>, vector<1x16xf32>,
      %swap3A_330 = vector.shape_cast %swap3A_329 : vector<1x16xf32> to vector<16xf32>
      %swap3A_331 = vector.shape_cast %get3A_326 : vector<16xf32> to vector<1x16xf32>
      tpu.vector_store %arg9[%swap3A_327, %swap3A_328], %swap3A_331 {add = true, strides = array<i32>} : memref<32x768xf32, #tpu.memory_space<vmem>>, vector<1x16xf32>,
      %get3A_332 = arith.index_cast %scan3A_89 : i32 to index
      %get3A_333 = arith.constant 432 : index
      %get3A_334 = tpu.vector_load %arg7[%get3A_332, %get3A_333] {strides = array<i32>} : memref<32x768xf32, #tpu.memory_space<vmem>>, vector<1x16xf32>,
      %get3A_335 = vector.shape_cast %get3A_334 : vector<1x16xf32> to vector<16xf32>
      %swap3A_336 = arith.index_cast %scan3A_89 : i32 to index
      %swap3A_337 = arith.constant 432 : index
      %swap3A_338 = tpu.vector_load %arg9[%swap3A_336, %swap3A_337] {strides = array<i32>} : memref<32x768xf32, #tpu.memory_space<vmem>>, vector<1x16xf32>,
      %swap3A_339 = vector.shape_cast %swap3A_338 : vector<1x16xf32> to vector<16xf32>
      %swap3A_340 = vector.shape_cast %get3A_335 : vector<16xf32> to vector<1x16xf32>
      tpu.vector_store %arg9[%swap3A_336, %swap3A_337], %swap3A_340 {add = true, strides = array<i32>} : memref<32x768xf32, #tpu.memory_space<vmem>>, vector<1x16xf32>,
      %get3A_341 = arith.index_cast %scan3A_89 : i32 to index
      %get3A_342 = arith.constant 448 : index
      %get3A_343 = tpu.vector_load %arg7[%get3A_341, %get3A_342] {strides = array<i32>} : memref<32x768xf32, #tpu.memory_space<vmem>>, vector<1x16xf32>,
      %get3A_344 = vector.shape_cast %get3A_343 : vector<1x16xf32> to vector<16xf32>
      %swap3A_345 = arith.index_cast %scan3A_89 : i32 to index
      %swap3A_346 = arith.constant 448 : index
      %swap3A_347 = tpu.vector_load %arg9[%swap3A_345, %swap3A_346] {strides = array<i32>} : memref<32x768xf32, #tpu.memory_space<vmem>>, vector<1x16xf32>,
      %swap3A_348 = vector.shape_cast %swap3A_347 : vector<1x16xf32> to vector<16xf32>
      %swap3A_349 = vector.shape_cast %get3A_344 : vector<16xf32> to vector<1x16xf32>
      tpu.vector_store %arg9[%swap3A_345, %swap3A_346], %swap3A_349 {add = true, strides = array<i32>} : memref<32x768xf32, #tpu.memory_space<vmem>>, vector<1x16xf32>,
      %get3A_350 = arith.index_cast %scan3A_89 : i32 to index
      %get3A_351 = arith.constant 464 : index
      %get3A_352 = tpu.vector_load %arg7[%get3A_350, %get3A_351] {strides = array<i32>} : memref<32x768xf32, #tpu.memory_space<vmem>>, vector<1x16xf32>,
      %get3A_353 = vector.shape_cast %get3A_352 : vector<1x16xf32> to vector<16xf32>
      %swap3A_354 = arith.index_cast %scan3A_89 : i32 to index
      %swap3A_355 = arith.constant 464 : index
      %swap3A_356 = tpu.vector_load %arg9[%swap3A_354, %swap3A_355] {strides = array<i32>} : memref<32x768xf32, #tpu.memory_space<vmem>>, vector<1x16xf32>,
      %swap3A_357 = vector.shape_cast %swap3A_356 : vector<1x16xf32> to vector<16xf32>
      %swap3A_358 = vector.shape_cast %get3A_353 : vector<16xf32> to vector<1x16xf32>
      tpu.vector_store %arg9[%swap3A_354, %swap3A_355], %swap3A_358 {add = true, strides = array<i32>} : memref<32x768xf32, #tpu.memory_space<vmem>>, vector<1x16xf32>,
      %get3A_359 = arith.index_cast %scan3A_89 : i32 to index
      %get3A_360 = arith.constant 480 : index
      %get3A_361 = tpu.vector_load %arg7[%get3A_359, %get3A_360] {strides = array<i32>} : memref<32x768xf32, #tpu.memory_space<vmem>>, vector<1x16xf32>,
      %get3A_362 = vector.shape_cast %get3A_361 : vector<1x16xf32> to vector<16xf32>
      %swap3A_363 = arith.index_cast %scan3A_89 : i32 to index
      %swap3A_364 = arith.constant 480 : index
      %swap3A_365 = tpu.vector_load %arg9[%swap3A_363, %swap3A_364] {strides = array<i32>} : memref<32x768xf32, #tpu.memory_space<vmem>>, vector<1x16xf32>,
      %swap3A_366 = vector.shape_cast %swap3A_365 : vector<1x16xf32> to vector<16xf32>
      %swap3A_367 = vector.shape_cast %get3A_362 : vector<16xf32> to vector<1x16xf32>
      tpu.vector_store %arg9[%swap3A_363, %swap3A_364], %swap3A_367 {add = true, strides = array<i32>} : memref<32x768xf32, #tpu.memory_space<vmem>>, vector<1x16xf32>,
      %get3A_368 = arith.index_cast %scan3A_89 : i32 to index
      %get3A_369 = arith.constant 496 : index
      %get3A_370 = tpu.vector_load %arg7[%get3A_368, %get3A_369] {strides = array<i32>} : memref<32x768xf32, #tpu.memory_space<vmem>>, vector<1x16xf32>,
      %get3A_371 = vector.shape_cast %get3A_370 : vector<1x16xf32> to vector<16xf32>
      %swap3A_372 = arith.index_cast %scan3A_89 : i32 to index
      %swap3A_373 = arith.constant 496 : index
      %swap3A_374 = tpu.vector_load %arg9[%swap3A_372, %swap3A_373] {strides = array<i32>} : memref<32x768xf32, #tpu.memory_space<vmem>>, vector<1x16xf32>,
      %swap3A_375 = vector.shape_cast %swap3A_374 : vector<1x16xf32> to vector<16xf32>
      %swap3A_376 = vector.shape_cast %get3A_371 : vector<16xf32> to vector<1x16xf32>
      tpu.vector_store %arg9[%swap3A_372, %swap3A_373], %swap3A_376 {add = true, strides = array<i32>} : memref<32x768xf32, #tpu.memory_space<vmem>>, vector<1x16xf32>,
      %get3A_377 = arith.index_cast %scan3A_89 : i32 to index
      %get3A_378 = arith.constant 512 : index
      %get3A_379 = tpu.vector_load %arg7[%get3A_377, %get3A_378] {strides = array<i32>} : memref<32x768xf32, #tpu.memory_space<vmem>>, vector<1x16xf32>,
      %get3A_380 = vector.shape_cast %get3A_379 : vector<1x16xf32> to vector<16xf32>
      %swap3A_381 = arith.index_cast %scan3A_89 : i32 to index
      %swap3A_382 = arith.constant 512 : index
      %swap3A_383 = tpu.vector_load %arg9[%swap3A_381, %swap3A_382] {strides = array<i32>} : memref<32x768xf32, #tpu.memory_space<vmem>>, vector<1x16xf32>,
      %swap3A_384 = vector.shape_cast %swap3A_383 : vector<1x16xf32> to vector<16xf32>
      %swap3A_385 = vector.shape_cast %get3A_380 : vector<16xf32> to vector<1x16xf32>
      tpu.vector_store %arg9[%swap3A_381, %swap3A_382], %swap3A_385 {add = true, strides = array<i32>} : memref<32x768xf32, #tpu.memory_space<vmem>>, vector<1x16xf32>,
      %get3A_386 = arith.index_cast %scan3A_89 : i32 to index
      %get3A_387 = arith.constant 528 : index
      %get3A_388 = tpu.vector_load %arg7[%get3A_386, %get3A_387] {strides = array<i32>} : memref<32x768xf32, #tpu.memory_space<vmem>>, vector<1x16xf32>,
      %get3A_389 = vector.shape_cast %get3A_388 : vector<1x16xf32> to vector<16xf32>
      %swap3A_390 = arith.index_cast %scan3A_89 : i32 to index
      %swap3A_391 = arith.constant 528 : index
      %swap3A_392 = tpu.vector_load %arg9[%swap3A_390, %swap3A_391] {strides = array<i32>} : memref<32x768xf32, #tpu.memory_space<vmem>>, vector<1x16xf32>,
      %swap3A_393 = vector.shape_cast %swap3A_392 : vector<1x16xf32> to vector<16xf32>
      %swap3A_394 = vector.shape_cast %get3A_389 : vector<16xf32> to vector<1x16xf32>
      tpu.vector_store %arg9[%swap3A_390, %swap3A_391], %swap3A_394 {add = true, strides = array<i32>} : memref<32x768xf32, #tpu.memory_space<vmem>>, vector<1x16xf32>,
      %get3A_395 = arith.index_cast %scan3A_89 : i32 to index
      %get3A_396 = arith.constant 544 : index
      %get3A_397 = tpu.vector_load %arg7[%get3A_395, %get3A_396] {strides = array<i32>} : memref<32x768xf32, #tpu.memory_space<vmem>>, vector<1x16xf32>,
      %get3A_398 = vector.shape_cast %get3A_397 : vector<1x16xf32> to vector<16xf32>
      %swap3A_399 = arith.index_cast %scan3A_89 : i32 to index
      %swap3A_400 = arith.constant 544 : index
      %swap3A_401 = tpu.vector_load %arg9[%swap3A_399, %swap3A_400] {strides = array<i32>} : memref<32x768xf32, #tpu.memory_space<vmem>>, vector<1x16xf32>,
      %swap3A_402 = vector.shape_cast %swap3A_401 : vector<1x16xf32> to vector<16xf32>
      %swap3A_403 = vector.shape_cast %get3A_398 : vector<16xf32> to vector<1x16xf32>
      tpu.vector_store %arg9[%swap3A_399, %swap3A_400], %swap3A_403 {add = true, strides = array<i32>} : memref<32x768xf32, #tpu.memory_space<vmem>>, vector<1x16xf32>,
      %get3A_404 = arith.index_cast %scan3A_89 : i32 to index
      %get3A_405 = arith.constant 560 : index
      %get3A_406 = tpu.vector_load %arg7[%get3A_404, %get3A_405] {strides = array<i32>} : memref<32x768xf32, #tpu.memory_space<vmem>>, vector<1x16xf32>,
      %get3A_407 = vector.shape_cast %get3A_406 : vector<1x16xf32> to vector<16xf32>
      %swap3A_408 = arith.index_cast %scan3A_89 : i32 to index
      %swap3A_409 = arith.constant 560 : index
      %swap3A_410 = tpu.vector_load %arg9[%swap3A_408, %swap3A_409] {strides = array<i32>} : memref<32x768xf32, #tpu.memory_space<vmem>>, vector<1x16xf32>,
      %swap3A_411 = vector.shape_cast %swap3A_410 : vector<1x16xf32> to vector<16xf32>
      %swap3A_412 = vector.shape_cast %get3A_407 : vector<16xf32> to vector<1x16xf32>
      tpu.vector_store %arg9[%swap3A_408, %swap3A_409], %swap3A_412 {add = true, strides = array<i32>} : memref<32x768xf32, #tpu.memory_space<vmem>>, vector<1x16xf32>,
      %get3A_413 = arith.index_cast %scan3A_89 : i32 to index
      %get3A_414 = arith.constant 576 : index
      %get3A_415 = tpu.vector_load %arg7[%get3A_413, %get3A_414] {strides = array<i32>} : memref<32x768xf32, #tpu.memory_space<vmem>>, vector<1x16xf32>,
      %get3A_416 = vector.shape_cast %get3A_415 : vector<1x16xf32> to vector<16xf32>
      %swap3A_417 = arith.index_cast %scan3A_89 : i32 to index
      %swap3A_418 = arith.constant 576 : index
      %swap3A_419 = tpu.vector_load %arg9[%swap3A_417, %swap3A_418] {strides = array<i32>} : memref<32x768xf32, #tpu.memory_space<vmem>>, vector<1x16xf32>,
      %swap3A_420 = vector.shape_cast %swap3A_419 : vector<1x16xf32> to vector<16xf32>
      %swap3A_421 = vector.shape_cast %get3A_416 : vector<16xf32> to vector<1x16xf32>
      tpu.vector_store %arg9[%swap3A_417, %swap3A_418], %swap3A_421 {add = true, strides = array<i32>} : memref<32x768xf32, #tpu.memory_space<vmem>>, vector<1x16xf32>,
      %get3A_422 = arith.index_cast %scan3A_89 : i32 to index
      %get3A_423 = arith.constant 592 : index
      %get3A_424 = tpu.vector_load %arg7[%get3A_422, %get3A_423] {strides = array<i32>} : memref<32x768xf32, #tpu.memory_space<vmem>>, vector<1x16xf32>,
      %get3A_425 = vector.shape_cast %get3A_424 : vector<1x16xf32> to vector<16xf32>
      %swap3A_426 = arith.index_cast %scan3A_89 : i32 to index
      %swap3A_427 = arith.constant 592 : index
      %swap3A_428 = tpu.vector_load %arg9[%swap3A_426, %swap3A_427] {strides = array<i32>} : memref<32x768xf32, #tpu.memory_space<vmem>>, vector<1x16xf32>,
      %swap3A_429 = vector.shape_cast %swap3A_428 : vector<1x16xf32> to vector<16xf32>
      %swap3A_430 = vector.shape_cast %get3A_425 : vector<16xf32> to vector<1x16xf32>
      tpu.vector_store %arg9[%swap3A_426, %swap3A_427], %swap3A_430 {add = true, strides = array<i32>} : memref<32x768xf32, #tpu.memory_space<vmem>>, vector<1x16xf32>,
      %get3A_431 = arith.index_cast %scan3A_89 : i32 to index
      %get3A_432 = arith.constant 608 : index
      %get3A_433 = tpu.vector_load %arg7[%get3A_431, %get3A_432] {strides = array<i32>} : memref<32x768xf32, #tpu.memory_space<vmem>>, vector<1x16xf32>,
      %get3A_434 = vector.shape_cast %get3A_433 : vector<1x16xf32> to vector<16xf32>
      %swap3A_435 = arith.index_cast %scan3A_89 : i32 to index
      %swap3A_436 = arith.constant 608 : index
      %swap3A_437 = tpu.vector_load %arg9[%swap3A_435, %swap3A_436] {strides = array<i32>} : memref<32x768xf32, #tpu.memory_space<vmem>>, vector<1x16xf32>,
      %swap3A_438 = vector.shape_cast %swap3A_437 : vector<1x16xf32> to vector<16xf32>
      %swap3A_439 = vector.shape_cast %get3A_434 : vector<16xf32> to vector<1x16xf32>
      tpu.vector_store %arg9[%swap3A_435, %swap3A_436], %swap3A_439 {add = true, strides = array<i32>} : memref<32x768xf32, #tpu.memory_space<vmem>>, vector<1x16xf32>,
      %get3A_440 = arith.index_cast %scan3A_89 : i32 to index
      %get3A_441 = arith.constant 624 : index
      %get3A_442 = tpu.vector_load %arg7[%get3A_440, %get3A_441] {strides = array<i32>} : memref<32x768xf32, #tpu.memory_space<vmem>>, vector<1x16xf32>,
      %get3A_443 = vector.shape_cast %get3A_442 : vector<1x16xf32> to vector<16xf32>
      %swap3A_444 = arith.index_cast %scan3A_89 : i32 to index
      %swap3A_445 = arith.constant 624 : index
      %swap3A_446 = tpu.vector_load %arg9[%swap3A_444, %swap3A_445] {strides = array<i32>} : memref<32x768xf32, #tpu.memory_space<vmem>>, vector<1x16xf32>,
      %swap3A_447 = vector.shape_cast %swap3A_446 : vector<1x16xf32> to vector<16xf32>
      %swap3A_448 = vector.shape_cast %get3A_443 : vector<16xf32> to vector<1x16xf32>
      tpu.vector_store %arg9[%swap3A_444, %swap3A_445], %swap3A_448 {add = true, strides = array<i32>} : memref<32x768xf32, #tpu.memory_space<vmem>>, vector<1x16xf32>,
      %get3A_449 = arith.index_cast %scan3A_89 : i32 to index
      %get3A_450 = arith.constant 640 : index
      %get3A_451 = tpu.vector_load %arg7[%get3A_449, %get3A_450] {strides = array<i32>} : memref<32x768xf32, #tpu.memory_space<vmem>>, vector<1x16xf32>,
      %get3A_452 = vector.shape_cast %get3A_451 : vector<1x16xf32> to vector<16xf32>
      %swap3A_453 = arith.index_cast %scan3A_89 : i32 to index
      %swap3A_454 = arith.constant 640 : index
      %swap3A_455 = tpu.vector_load %arg9[%swap3A_453, %swap3A_454] {strides = array<i32>} : memref<32x768xf32, #tpu.memory_space<vmem>>, vector<1x16xf32>,
      %swap3A_456 = vector.shape_cast %swap3A_455 : vector<1x16xf32> to vector<16xf32>
      %swap3A_457 = vector.shape_cast %get3A_452 : vector<16xf32> to vector<1x16xf32>
      tpu.vector_store %arg9[%swap3A_453, %swap3A_454], %swap3A_457 {add = true, strides = array<i32>} : memref<32x768xf32, #tpu.memory_space<vmem>>, vector<1x16xf32>,
      %get3A_458 = arith.index_cast %scan3A_89 : i32 to index
      %get3A_459 = arith.constant 656 : index
      %get3A_460 = tpu.vector_load %arg7[%get3A_458, %get3A_459] {strides = array<i32>} : memref<32x768xf32, #tpu.memory_space<vmem>>, vector<1x16xf32>,
      %get3A_461 = vector.shape_cast %get3A_460 : vector<1x16xf32> to vector<16xf32>
      %swap3A_462 = arith.index_cast %scan3A_89 : i32 to index
      %swap3A_463 = arith.constant 656 : index
      %swap3A_464 = tpu.vector_load %arg9[%swap3A_462, %swap3A_463] {strides = array<i32>} : memref<32x768xf32, #tpu.memory_space<vmem>>, vector<1x16xf32>,
      %swap3A_465 = vector.shape_cast %swap3A_464 : vector<1x16xf32> to vector<16xf32>
      %swap3A_466 = vector.shape_cast %get3A_461 : vector<16xf32> to vector<1x16xf32>
      tpu.vector_store %arg9[%swap3A_462, %swap3A_463], %swap3A_466 {add = true, strides = array<i32>} : memref<32x768xf32, #tpu.memory_space<vmem>>, vector<1x16xf32>,
      %get3A_467 = arith.index_cast %scan3A_89 : i32 to index
      %get3A_468 = arith.constant 672 : index
      %get3A_469 = tpu.vector_load %arg7[%get3A_467, %get3A_468] {strides = array<i32>} : memref<32x768xf32, #tpu.memory_space<vmem>>, vector<1x16xf32>,
      %get3A_470 = vector.shape_cast %get3A_469 : vector<1x16xf32> to vector<16xf32>
      %swap3A_471 = arith.index_cast %scan3A_89 : i32 to index
      %swap3A_472 = arith.constant 672 : index
      %swap3A_473 = tpu.vector_load %arg9[%swap3A_471, %swap3A_472] {strides = array<i32>} : memref<32x768xf32, #tpu.memory_space<vmem>>, vector<1x16xf32>,
      %swap3A_474 = vector.shape_cast %swap3A_473 : vector<1x16xf32> to vector<16xf32>
      %swap3A_475 = vector.shape_cast %get3A_470 : vector<16xf32> to vector<1x16xf32>
      tpu.vector_store %arg9[%swap3A_471, %swap3A_472], %swap3A_475 {add = true, strides = array<i32>} : memref<32x768xf32, #tpu.memory_space<vmem>>, vector<1x16xf32>,
      %get3A_476 = arith.index_cast %scan3A_89 : i32 to index
      %get3A_477 = arith.constant 688 : index
      %get3A_478 = tpu.vector_load %arg7[%get3A_476, %get3A_477] {strides = array<i32>} : memref<32x768xf32, #tpu.memory_space<vmem>>, vector<1x16xf32>,
      %get3A_479 = vector.shape_cast %get3A_478 : vector<1x16xf32> to vector<16xf32>
      %swap3A_480 = arith.index_cast %scan3A_89 : i32 to index
      %swap3A_481 = arith.constant 688 : index
      %swap3A_482 = tpu.vector_load %arg9[%swap3A_480, %swap3A_481] {strides = array<i32>} : memref<32x768xf32, #tpu.memory_space<vmem>>, vector<1x16xf32>,
      %swap3A_483 = vector.shape_cast %swap3A_482 : vector<1x16xf32> to vector<16xf32>
      %swap3A_484 = vector.shape_cast %get3A_479 : vector<16xf32> to vector<1x16xf32>
      tpu.vector_store %arg9[%swap3A_480, %swap3A_481], %swap3A_484 {add = true, strides = array<i32>} : memref<32x768xf32, #tpu.memory_space<vmem>>, vector<1x16xf32>,
      %get3A_485 = arith.index_cast %scan3A_89 : i32 to index
      %get3A_486 = arith.constant 704 : index
      %get3A_487 = tpu.vector_load %arg7[%get3A_485, %get3A_486] {strides = array<i32>} : memref<32x768xf32, #tpu.memory_space<vmem>>, vector<1x16xf32>,
      %get3A_488 = vector.shape_cast %get3A_487 : vector<1x16xf32> to vector<16xf32>
      %swap3A_489 = arith.index_cast %scan3A_89 : i32 to index
      %swap3A_490 = arith.constant 704 : index
      %swap3A_491 = tpu.vector_load %arg9[%swap3A_489, %swap3A_490] {strides = array<i32>} : memref<32x768xf32, #tpu.memory_space<vmem>>, vector<1x16xf32>,
      %swap3A_492 = vector.shape_cast %swap3A_491 : vector<1x16xf32> to vector<16xf32>
      %swap3A_493 = vector.shape_cast %get3A_488 : vector<16xf32> to vector<1x16xf32>
      tpu.vector_store %arg9[%swap3A_489, %swap3A_490], %swap3A_493 {add = true, strides = array<i32>} : memref<32x768xf32, #tpu.memory_space<vmem>>, vector<1x16xf32>,
      %get3A_494 = arith.index_cast %scan3A_89 : i32 to index
      %get3A_495 = arith.constant 720 : index
      %get3A_496 = tpu.vector_load %arg7[%get3A_494, %get3A_495] {strides = array<i32>} : memref<32x768xf32, #tpu.memory_space<vmem>>, vector<1x16xf32>,
      %get3A_497 = vector.shape_cast %get3A_496 : vector<1x16xf32> to vector<16xf32>
      %swap3A_498 = arith.index_cast %scan3A_89 : i32 to index
      %swap3A_499 = arith.constant 720 : index
      %swap3A_500 = tpu.vector_load %arg9[%swap3A_498, %swap3A_499] {strides = array<i32>} : memref<32x768xf32, #tpu.memory_space<vmem>>, vector<1x16xf32>,
      %swap3A_501 = vector.shape_cast %swap3A_500 : vector<1x16xf32> to vector<16xf32>
      %swap3A_502 = vector.shape_cast %get3A_497 : vector<16xf32> to vector<1x16xf32>
      tpu.vector_store %arg9[%swap3A_498, %swap3A_499], %swap3A_502 {add = true, strides = array<i32>} : memref<32x768xf32, #tpu.memory_space<vmem>>, vector<1x16xf32>,
      %get3A_503 = arith.index_cast %scan3A_89 : i32 to index
      %get3A_504 = arith.constant 736 : index
      %get3A_505 = tpu.vector_load %arg7[%get3A_503, %get3A_504] {strides = array<i32>} : memref<32x768xf32, #tpu.memory_space<vmem>>, vector<1x16xf32>,
      %get3A_506 = vector.shape_cast %get3A_505 : vector<1x16xf32> to vector<16xf32>
      %swap3A_507 = arith.index_cast %scan3A_89 : i32 to index
      %swap3A_508 = arith.constant 736 : index
      %swap3A_509 = tpu.vector_load %arg9[%swap3A_507, %swap3A_508] {strides = array<i32>} : memref<32x768xf32, #tpu.memory_space<vmem>>, vector<1x16xf32>,
      %swap3A_510 = vector.shape_cast %swap3A_509 : vector<1x16xf32> to vector<16xf32>
      %swap3A_511 = vector.shape_cast %get3A_506 : vector<16xf32> to vector<1x16xf32>
      tpu.vector_store %arg9[%swap3A_507, %swap3A_508], %swap3A_511 {add = true, strides = array<i32>} : memref<32x768xf32, #tpu.memory_space<vmem>>, vector<1x16xf32>,
      %get3A_512 = arith.index_cast %scan3A_89 : i32 to index
      %get3A_513 = arith.constant 752 : index
      %get3A_514 = tpu.vector_load %arg7[%get3A_512, %get3A_513] {strides = array<i32>} : memref<32x768xf32, #tpu.memory_space<vmem>>, vector<1x16xf32>,
      %get3A_515 = vector.shape_cast %get3A_514 : vector<1x16xf32> to vector<16xf32>
      %swap3A_516 = arith.index_cast %scan3A_89 : i32 to index
      %swap3A_517 = arith.constant 752 : index
      %swap3A_518 = tpu.vector_load %arg9[%swap3A_516, %swap3A_517] {strides = array<i32>} : memref<32x768xf32, #tpu.memory_space<vmem>>, vector<1x16xf32>,
      %swap3A_519 = vector.shape_cast %swap3A_518 : vector<1x16xf32> to vector<16xf32>
      %swap3A_520 = vector.shape_cast %get3A_515 : vector<16xf32> to vector<1x16xf32>
      tpu.vector_store %arg9[%swap3A_516, %swap3A_517], %swap3A_520 {add = true, strides = array<i32>} : memref<32x768xf32, #tpu.memory_space<vmem>>, vector<1x16xf32>,
      %scan3A_521 = arith.constant 0 : i32
      scf.yield %scan3A_521 : i32
    }
    %scan3A_46 = arith.constant 32 : i32
    %add3A_47 = arith.constant 960 : i32
    %add3A_48 = arith.addi %mul3A_2, %add3A_47 : i32
    %dma_start3A_49 = arith.constant 0 : i32
    %dma_start3A_50 = tpu.memref_slice %arg5[%add3A_48, %dma_start3A_49] : memref<32768x768xf32, #tpu.memory_space<hbm>> -> memref<32x768xf32, #tpu.memory_space<hbm>>
    %dma_start3A_51 = arith.constant 0 : i32
    %dma_start3A_52 = tpu.memref_slice %arg5[%add3A_48, %dma_start3A_51] : memref<32768x768xf32, #tpu.memory_space<hbm>> -> memref<32x768xf32, #tpu.memory_space<hbm>>
    tpu.enqueue_dma source(%arg9 : memref<32x768xf32, #tpu.memory_space<vmem>>) target(%dma_start3A_52 : memref<32x768xf32, #tpu.memory_space<hbm>>) target_semaphore(%arg15 : memref<!tpu.dma_semaphore, #tpu.memory_space<semaphore_mem>>)
    %dma_wait3A_53 = arith.constant 992 : i32
    %dma_wait3A_54 = tpu.memref_slice %arg6[%dma_wait3A_53] : memref<1024xi32, #tpu.memory_space<vmem>> -> memref<32xi32, #tpu.memory_space<vmem>>
    %dma_wait3A_55 = arith.constant 0 : i32
    %dma_wait3A_56 = arith.constant 0 : i32
    %dma_wait3A_57 = tpu.memref_slice %arg4[%dma_wait3A_55, %dma_wait3A_56] : memref<8192x768xf32, #tpu.memory_space<hbm>> -> memref<8192x768xf32, #tpu.memory_space<hbm>>
    tpu.wait_indirect_dma semaphore(%arg12 : memref<!tpu.dma_semaphore, #tpu.memory_space<semaphore_mem>>) src(%dma_wait3A_57 : memref<8192x768xf32, #tpu.memory_space<hbm>>) dst(%arg8 : memref<32x768xf32, #tpu.memory_space<vmem>>)
    %add3A_58 = arith.constant 992 : i32
    %add3A_59 = arith.addi %mul3A_2, %add3A_58 : i32
    %dma_wait3A_60 = arith.constant 0 : i32
    %dma_wait3A_61 = tpu.memref_slice %arg2[%add3A_59, %dma_wait3A_60] : memref<32768x768xf32, #tpu.memory_space<hbm>> -> memref<32x768xf32, #tpu.memory_space<hbm>>
    %dma_wait3A_62 = arith.constant 0 : i32
    %dma_wait3A_63 = tpu.memref_slice %arg2[%add3A_59, %dma_wait3A_62] : memref<32768x768xf32, #tpu.memory_space<hbm>> -> memref<32x768xf32, #tpu.memory_space<hbm>>
    tpu.wait_dma2 semaphore(%arg14 : memref<!tpu.dma_semaphore, #tpu.memory_space<semaphore_mem>>) src(%dma_wait3A_63 : memref<32x768xf32, #tpu.memory_space<hbm>>) dst(%arg10 : memref<32x768xf32, #tpu.memory_space<vmem>>)
    %scan3A_64 = arith.constant 0 : i32
    %scan3A_65 = arith.constant 0 : i32
    %scan3A_66 = arith.constant 32 : i32
    %scan3A_67 = arith.addi %scan3A_65, %scan3A_66 : i32
    %scan3A_68 = arith.constant 1 : i32
    %scan3A_69 = scf.for %scan3A_89 = %scan3A_65 to %scan3A_67 step %scan3A_68 iter_args(%scan3A_90 = %scan3A_64) -> (i32)  : i32 {
      %get3A = arith.index_cast %scan3A_89 : i32 to index
      %get3A_91 = arith.constant 0 : index
      %get3A_92 = tpu.vector_load %arg8[%get3A, %get3A_91] {strides = array<i32>} : memref<32x768xf32, #tpu.memory_space<vmem>>, vector<1x16xf32>,
      %get3A_93 = vector.shape_cast %get3A_92 : vector<1x16xf32> to vector<16xf32>
      %swap3A = arith.index_cast %scan3A_89 : i32 to index
      %swap3A_94 = arith.constant 0 : index
      %swap3A_95 = tpu.vector_load %arg10[%swap3A, %swap3A_94] {strides = array<i32>} : memref<32x768xf32, #tpu.memory_space<vmem>>, vector<1x16xf32>,
      %swap3A_96 = vector.shape_cast %swap3A_95 : vector<1x16xf32> to vector<16xf32>
      %swap3A_97 = vector.shape_cast %get3A_93 : vector<16xf32> to vector<1x16xf32>
      tpu.vector_store %arg10[%swap3A, %swap3A_94], %swap3A_97 {add = true, strides = array<i32>} : memref<32x768xf32, #tpu.memory_space<vmem>>, vector<1x16xf32>,
      %get3A_98 = arith.index_cast %scan3A_89 : i32 to index
      %get3A_99 = arith.constant 16 : index
      %get3A_100 = tpu.vector_load %arg8[%get3A_98, %get3A_99] {strides = array<i32>} : memref<32x768xf32, #tpu.memory_space<vmem>>, vector<1x16xf32>,
      %get3A_101 = vector.shape_cast %get3A_100 : vector<1x16xf32> to vector<16xf32>
      %swap3A_102 = arith.index_cast %scan3A_89 : i32 to index
      %swap3A_103 = arith.constant 16 : index
      %swap3A_104 = tpu.vector_load %arg10[%swap3A_102, %swap3A_103] {strides = array<i32>} : memref<32x768xf32, #tpu.memory_space<vmem>>, vector<1x16xf32>,
      %swap3A_105 = vector.shape_cast %swap3A_104 : vector<1x16xf32> to vector<16xf32>
      %swap3A_106 = vector.shape_cast %get3A_101 : vector<16xf32> to vector<1x16xf32>
      tpu.vector_store %arg10[%swap3A_102, %swap3A_103], %swap3A_106 {add = true, strides = array<i32>} : memref<32x768xf32, #tpu.memory_space<vmem>>, vector<1x16xf32>,
      %get3A_107 = arith.index_cast %scan3A_89 : i32 to index
      %get3A_108 = arith.constant 32 : index
      %get3A_109 = tpu.vector_load %arg8[%get3A_107, %get3A_108] {strides = array<i32>} : memref<32x768xf32, #tpu.memory_space<vmem>>, vector<1x16xf32>,
      %get3A_110 = vector.shape_cast %get3A_109 : vector<1x16xf32> to vector<16xf32>
      %swap3A_111 = arith.index_cast %scan3A_89 : i32 to index
      %swap3A_112 = arith.constant 32 : index
      %swap3A_113 = tpu.vector_load %arg10[%swap3A_111, %swap3A_112] {strides = array<i32>} : memref<32x768xf32, #tpu.memory_space<vmem>>, vector<1x16xf32>,
      %swap3A_114 = vector.shape_cast %swap3A_113 : vector<1x16xf32> to vector<16xf32>
      %swap3A_115 = vector.shape_cast %get3A_110 : vector<16xf32> to vector<1x16xf32>
      tpu.vector_store %arg10[%swap3A_111, %swap3A_112], %swap3A_115 {add = true, strides = array<i32>} : memref<32x768xf32, #tpu.memory_space<vmem>>, vector<1x16xf32>,
      %get3A_116 = arith.index_cast %scan3A_89 : i32 to index
      %get3A_117 = arith.constant 48 : index
      %get3A_118 = tpu.vector_load %arg8[%get3A_116, %get3A_117] {strides = array<i32>} : memref<32x768xf32, #tpu.memory_space<vmem>>, vector<1x16xf32>,
      %get3A_119 = vector.shape_cast %get3A_118 : vector<1x16xf32> to vector<16xf32>
      %swap3A_120 = arith.index_cast %scan3A_89 : i32 to index
      %swap3A_121 = arith.constant 48 : index
      %swap3A_122 = tpu.vector_load %arg10[%swap3A_120, %swap3A_121] {strides = array<i32>} : memref<32x768xf32, #tpu.memory_space<vmem>>, vector<1x16xf32>,
      %swap3A_123 = vector.shape_cast %swap3A_122 : vector<1x16xf32> to vector<16xf32>
      %swap3A_124 = vector.shape_cast %get3A_119 : vector<16xf32> to vector<1x16xf32>
      tpu.vector_store %arg10[%swap3A_120, %swap3A_121], %swap3A_124 {add = true, strides = array<i32>} : memref<32x768xf32, #tpu.memory_space<vmem>>, vector<1x16xf32>,
      %get3A_125 = arith.index_cast %scan3A_89 : i32 to index
      %get3A_126 = arith.constant 64 : index
      %get3A_127 = tpu.vector_load %arg8[%get3A_125, %get3A_126] {strides = array<i32>} : memref<32x768xf32, #tpu.memory_space<vmem>>, vector<1x16xf32>,
      %get3A_128 = vector.shape_cast %get3A_127 : vector<1x16xf32> to vector<16xf32>
      %swap3A_129 = arith.index_cast %scan3A_89 : i32 to index
      %swap3A_130 = arith.constant 64 : index
      %swap3A_131 = tpu.vector_load %arg10[%swap3A_129, %swap3A_130] {strides = array<i32>} : memref<32x768xf32, #tpu.memory_space<vmem>>, vector<1x16xf32>,
      %swap3A_132 = vector.shape_cast %swap3A_131 : vector<1x16xf32> to vector<16xf32>
      %swap3A_133 = vector.shape_cast %get3A_128 : vector<16xf32> to vector<1x16xf32>
      tpu.vector_store %arg10[%swap3A_129, %swap3A_130], %swap3A_133 {add = true, strides = array<i32>} : memref<32x768xf32, #tpu.memory_space<vmem>>, vector<1x16xf32>,
      %get3A_134 = arith.index_cast %scan3A_89 : i32 to index
      %get3A_135 = arith.constant 80 : index
      %get3A_136 = tpu.vector_load %arg8[%get3A_134, %get3A_135] {strides = array<i32>} : memref<32x768xf32, #tpu.memory_space<vmem>>, vector<1x16xf32>,
      %get3A_137 = vector.shape_cast %get3A_136 : vector<1x16xf32> to vector<16xf32>
      %swap3A_138 = arith.index_cast %scan3A_89 : i32 to index
      %swap3A_139 = arith.constant 80 : index
      %swap3A_140 = tpu.vector_load %arg10[%swap3A_138, %swap3A_139] {strides = array<i32>} : memref<32x768xf32, #tpu.memory_space<vmem>>, vector<1x16xf32>,
      %swap3A_141 = vector.shape_cast %swap3A_140 : vector<1x16xf32> to vector<16xf32>
      %swap3A_142 = vector.shape_cast %get3A_137 : vector<16xf32> to vector<1x16xf32>
      tpu.vector_store %arg10[%swap3A_138, %swap3A_139], %swap3A_142 {add = true, strides = array<i32>} : memref<32x768xf32, #tpu.memory_space<vmem>>, vector<1x16xf32>,
      %get3A_143 = arith.index_cast %scan3A_89 : i32 to index
      %get3A_144 = arith.constant 96 : index
      %get3A_145 = tpu.vector_load %arg8[%get3A_143, %get3A_144] {strides = array<i32>} : memref<32x768xf32, #tpu.memory_space<vmem>>, vector<1x16xf32>,
      %get3A_146 = vector.shape_cast %get3A_145 : vector<1x16xf32> to vector<16xf32>
      %swap3A_147 = arith.index_cast %scan3A_89 : i32 to index
      %swap3A_148 = arith.constant 96 : index
      %swap3A_149 = tpu.vector_load %arg10[%swap3A_147, %swap3A_148] {strides = array<i32>} : memref<32x768xf32, #tpu.memory_space<vmem>>, vector<1x16xf32>,
      %swap3A_150 = vector.shape_cast %swap3A_149 : vector<1x16xf32> to vector<16xf32>
      %swap3A_151 = vector.shape_cast %get3A_146 : vector<16xf32> to vector<1x16xf32>
      tpu.vector_store %arg10[%swap3A_147, %swap3A_148], %swap3A_151 {add = true, strides = array<i32>} : memref<32x768xf32, #tpu.memory_space<vmem>>, vector<1x16xf32>,
      %get3A_152 = arith.index_cast %scan3A_89 : i32 to index
      %get3A_153 = arith.constant 112 : index
      %get3A_154 = tpu.vector_load %arg8[%get3A_152, %get3A_153] {strides = array<i32>} : memref<32x768xf32, #tpu.memory_space<vmem>>, vector<1x16xf32>,
      %get3A_155 = vector.shape_cast %get3A_154 : vector<1x16xf32> to vector<16xf32>
      %swap3A_156 = arith.index_cast %scan3A_89 : i32 to index
      %swap3A_157 = arith.constant 112 : index
      %swap3A_158 = tpu.vector_load %arg10[%swap3A_156, %swap3A_157] {strides = array<i32>} : memref<32x768xf32, #tpu.memory_space<vmem>>, vector<1x16xf32>,
      %swap3A_159 = vector.shape_cast %swap3A_158 : vector<1x16xf32> to vector<16xf32>
      %swap3A_160 = vector.shape_cast %get3A_155 : vector<16xf32> to vector<1x16xf32>
      tpu.vector_store %arg10[%swap3A_156, %swap3A_157], %swap3A_160 {add = true, strides = array<i32>} : memref<32x768xf32, #tpu.memory_space<vmem>>, vector<1x16xf32>,
      %get3A_161 = arith.index_cast %scan3A_89 : i32 to index
      %get3A_162 = arith.constant 128 : index
      %get3A_163 = tpu.vector_load %arg8[%get3A_161, %get3A_162] {strides = array<i32>} : memref<32x768xf32, #tpu.memory_space<vmem>>, vector<1x16xf32>,
      %get3A_164 = vector.shape_cast %get3A_163 : vector<1x16xf32> to vector<16xf32>
      %swap3A_165 = arith.index_cast %scan3A_89 : i32 to index
      %swap3A_166 = arith.constant 128 : index
      %swap3A_167 = tpu.vector_load %arg10[%swap3A_165, %swap3A_166] {strides = array<i32>} : memref<32x768xf32, #tpu.memory_space<vmem>>, vector<1x16xf32>,
      %swap3A_168 = vector.shape_cast %swap3A_167 : vector<1x16xf32> to vector<16xf32>
      %swap3A_169 = vector.shape_cast %get3A_164 : vector<16xf32> to vector<1x16xf32>
      tpu.vector_store %arg10[%swap3A_165, %swap3A_166], %swap3A_169 {add = true, strides = array<i32>} : memref<32x768xf32, #tpu.memory_space<vmem>>, vector<1x16xf32>,
      %get3A_170 = arith.index_cast %scan3A_89 : i32 to index
      %get3A_171 = arith.constant 144 : index
      %get3A_172 = tpu.vector_load %arg8[%get3A_170, %get3A_171] {strides = array<i32>} : memref<32x768xf32, #tpu.memory_space<vmem>>, vector<1x16xf32>,
      %get3A_173 = vector.shape_cast %get3A_172 : vector<1x16xf32> to vector<16xf32>
      %swap3A_174 = arith.index_cast %scan3A_89 : i32 to index
      %swap3A_175 = arith.constant 144 : index
      %swap3A_176 = tpu.vector_load %arg10[%swap3A_174, %swap3A_175] {strides = array<i32>} : memref<32x768xf32, #tpu.memory_space<vmem>>, vector<1x16xf32>,
      %swap3A_177 = vector.shape_cast %swap3A_176 : vector<1x16xf32> to vector<16xf32>
      %swap3A_178 = vector.shape_cast %get3A_173 : vector<16xf32> to vector<1x16xf32>
      tpu.vector_store %arg10[%swap3A_174, %swap3A_175], %swap3A_178 {add = true, strides = array<i32>} : memref<32x768xf32, #tpu.memory_space<vmem>>, vector<1x16xf32>,
      %get3A_179 = arith.index_cast %scan3A_89 : i32 to index
      %get3A_180 = arith.constant 160 : index
      %get3A_181 = tpu.vector_load %arg8[%get3A_179, %get3A_180] {strides = array<i32>} : memref<32x768xf32, #tpu.memory_space<vmem>>, vector<1x16xf32>,
      %get3A_182 = vector.shape_cast %get3A_181 : vector<1x16xf32> to vector<16xf32>
      %swap3A_183 = arith.index_cast %scan3A_89 : i32 to index
      %swap3A_184 = arith.constant 160 : index
      %swap3A_185 = tpu.vector_load %arg10[%swap3A_183, %swap3A_184] {strides = array<i32>} : memref<32x768xf32, #tpu.memory_space<vmem>>, vector<1x16xf32>,
      %swap3A_186 = vector.shape_cast %swap3A_185 : vector<1x16xf32> to vector<16xf32>
      %swap3A_187 = vector.shape_cast %get3A_182 : vector<16xf32> to vector<1x16xf32>
      tpu.vector_store %arg10[%swap3A_183, %swap3A_184], %swap3A_187 {add = true, strides = array<i32>} : memref<32x768xf32, #tpu.memory_space<vmem>>, vector<1x16xf32>,
      %get3A_188 = arith.index_cast %scan3A_89 : i32 to index
      %get3A_189 = arith.constant 176 : index
      %get3A_190 = tpu.vector_load %arg8[%get3A_188, %get3A_189] {strides = array<i32>} : memref<32x768xf32, #tpu.memory_space<vmem>>, vector<1x16xf32>,
      %get3A_191 = vector.shape_cast %get3A_190 : vector<1x16xf32> to vector<16xf32>
      %swap3A_192 = arith.index_cast %scan3A_89 : i32 to index
      %swap3A_193 = arith.constant 176 : index
      %swap3A_194 = tpu.vector_load %arg10[%swap3A_192, %swap3A_193] {strides = array<i32>} : memref<32x768xf32, #tpu.memory_space<vmem>>, vector<1x16xf32>,
      %swap3A_195 = vector.shape_cast %swap3A_194 : vector<1x16xf32> to vector<16xf32>
      %swap3A_196 = vector.shape_cast %get3A_191 : vector<16xf32> to vector<1x16xf32>
      tpu.vector_store %arg10[%swap3A_192, %swap3A_193], %swap3A_196 {add = true, strides = array<i32>} : memref<32x768xf32, #tpu.memory_space<vmem>>, vector<1x16xf32>,
      %get3A_197 = arith.index_cast %scan3A_89 : i32 to index
      %get3A_198 = arith.constant 192 : index
      %get3A_199 = tpu.vector_load %arg8[%get3A_197, %get3A_198] {strides = array<i32>} : memref<32x768xf32, #tpu.memory_space<vmem>>, vector<1x16xf32>,
      %get3A_200 = vector.shape_cast %get3A_199 : vector<1x16xf32> to vector<16xf32>
      %swap3A_201 = arith.index_cast %scan3A_89 : i32 to index
      %swap3A_202 = arith.constant 192 : index
      %swap3A_203 = tpu.vector_load %arg10[%swap3A_201, %swap3A_202] {strides = array<i32>} : memref<32x768xf32, #tpu.memory_space<vmem>>, vector<1x16xf32>,
      %swap3A_204 = vector.shape_cast %swap3A_203 : vector<1x16xf32> to vector<16xf32>
      %swap3A_205 = vector.shape_cast %get3A_200 : vector<16xf32> to vector<1x16xf32>
      tpu.vector_store %arg10[%swap3A_201, %swap3A_202], %swap3A_205 {add = true, strides = array<i32>} : memref<32x768xf32, #tpu.memory_space<vmem>>, vector<1x16xf32>,
      %get3A_206 = arith.index_cast %scan3A_89 : i32 to index
      %get3A_207 = arith.constant 208 : index
      %get3A_208 = tpu.vector_load %arg8[%get3A_206, %get3A_207] {strides = array<i32>} : memref<32x768xf32, #tpu.memory_space<vmem>>, vector<1x16xf32>,
      %get3A_209 = vector.shape_cast %get3A_208 : vector<1x16xf32> to vector<16xf32>
      %swap3A_210 = arith.index_cast %scan3A_89 : i32 to index
      %swap3A_211 = arith.constant 208 : index
      %swap3A_212 = tpu.vector_load %arg10[%swap3A_210, %swap3A_211] {strides = array<i32>} : memref<32x768xf32, #tpu.memory_space<vmem>>, vector<1x16xf32>,
      %swap3A_213 = vector.shape_cast %swap3A_212 : vector<1x16xf32> to vector<16xf32>
      %swap3A_214 = vector.shape_cast %get3A_209 : vector<16xf32> to vector<1x16xf32>
      tpu.vector_store %arg10[%swap3A_210, %swap3A_211], %swap3A_214 {add = true, strides = array<i32>} : memref<32x768xf32, #tpu.memory_space<vmem>>, vector<1x16xf32>,
      %get3A_215 = arith.index_cast %scan3A_89 : i32 to index
      %get3A_216 = arith.constant 224 : index
      %get3A_217 = tpu.vector_load %arg8[%get3A_215, %get3A_216] {strides = array<i32>} : memref<32x768xf32, #tpu.memory_space<vmem>>, vector<1x16xf32>,
      %get3A_218 = vector.shape_cast %get3A_217 : vector<1x16xf32> to vector<16xf32>
      %swap3A_219 = arith.index_cast %scan3A_89 : i32 to index
      %swap3A_220 = arith.constant 224 : index
      %swap3A_221 = tpu.vector_load %arg10[%swap3A_219, %swap3A_220] {strides = array<i32>} : memref<32x768xf32, #tpu.memory_space<vmem>>, vector<1x16xf32>,
      %swap3A_222 = vector.shape_cast %swap3A_221 : vector<1x16xf32> to vector<16xf32>
      %swap3A_223 = vector.shape_cast %get3A_218 : vector<16xf32> to vector<1x16xf32>
      tpu.vector_store %arg10[%swap3A_219, %swap3A_220], %swap3A_223 {add = true, strides = array<i32>} : memref<32x768xf32, #tpu.memory_space<vmem>>, vector<1x16xf32>,
      %get3A_224 = arith.index_cast %scan3A_89 : i32 to index
      %get3A_225 = arith.constant 240 : index
      %get3A_226 = tpu.vector_load %arg8[%get3A_224, %get3A_225] {strides = array<i32>} : memref<32x768xf32, #tpu.memory_space<vmem>>, vector<1x16xf32>,
      %get3A_227 = vector.shape_cast %get3A_226 : vector<1x16xf32> to vector<16xf32>
      %swap3A_228 = arith.index_cast %scan3A_89 : i32 to index
      %swap3A_229 = arith.constant 240 : index
      %swap3A_230 = tpu.vector_load %arg10[%swap3A_228, %swap3A_229] {strides = array<i32>} : memref<32x768xf32, #tpu.memory_space<vmem>>, vector<1x16xf32>,
      %swap3A_231 = vector.shape_cast %swap3A_230 : vector<1x16xf32> to vector<16xf32>
      %swap3A_232 = vector.shape_cast %get3A_227 : vector<16xf32> to vector<1x16xf32>
      tpu.vector_store %arg10[%swap3A_228, %swap3A_229], %swap3A_232 {add = true, strides = array<i32>} : memref<32x768xf32, #tpu.memory_space<vmem>>, vector<1x16xf32>,
      %get3A_233 = arith.index_cast %scan3A_89 : i32 to index
      %get3A_234 = arith.constant 256 : index
      %get3A_235 = tpu.vector_load %arg8[%get3A_233, %get3A_234] {strides = array<i32>} : memref<32x768xf32, #tpu.memory_space<vmem>>, vector<1x16xf32>,
      %get3A_236 = vector.shape_cast %get3A_235 : vector<1x16xf32> to vector<16xf32>
      %swap3A_237 = arith.index_cast %scan3A_89 : i32 to index
      %swap3A_238 = arith.constant 256 : index
      %swap3A_239 = tpu.vector_load %arg10[%swap3A_237, %swap3A_238] {strides = array<i32>} : memref<32x768xf32, #tpu.memory_space<vmem>>, vector<1x16xf32>,
      %swap3A_240 = vector.shape_cast %swap3A_239 : vector<1x16xf32> to vector<16xf32>
      %swap3A_241 = vector.shape_cast %get3A_236 : vector<16xf32> to vector<1x16xf32>
      tpu.vector_store %arg10[%swap3A_237, %swap3A_238], %swap3A_241 {add = true, strides = array<i32>} : memref<32x768xf32, #tpu.memory_space<vmem>>, vector<1x16xf32>,
      %get3A_242 = arith.index_cast %scan3A_89 : i32 to index
      %get3A_243 = arith.constant 272 : index
      %get3A_244 = tpu.vector_load %arg8[%get3A_242, %get3A_243] {strides = array<i32>} : memref<32x768xf32, #tpu.memory_space<vmem>>, vector<1x16xf32>,
      %get3A_245 = vector.shape_cast %get3A_244 : vector<1x16xf32> to vector<16xf32>
      %swap3A_246 = arith.index_cast %scan3A_89 : i32 to index
      %swap3A_247 = arith.constant 272 : index
      %swap3A_248 = tpu.vector_load %arg10[%swap3A_246, %swap3A_247] {strides = array<i32>} : memref<32x768xf32, #tpu.memory_space<vmem>>, vector<1x16xf32>,
      %swap3A_249 = vector.shape_cast %swap3A_248 : vector<1x16xf32> to vector<16xf32>
      %swap3A_250 = vector.shape_cast %get3A_245 : vector<16xf32> to vector<1x16xf32>
      tpu.vector_store %arg10[%swap3A_246, %swap3A_247], %swap3A_250 {add = true, strides = array<i32>} : memref<32x768xf32, #tpu.memory_space<vmem>>, vector<1x16xf32>,
      %get3A_251 = arith.index_cast %scan3A_89 : i32 to index
      %get3A_252 = arith.constant 288 : index
      %get3A_253 = tpu.vector_load %arg8[%get3A_251, %get3A_252] {strides = array<i32>} : memref<32x768xf32, #tpu.memory_space<vmem>>, vector<1x16xf32>,
      %get3A_254 = vector.shape_cast %get3A_253 : vector<1x16xf32> to vector<16xf32>
      %swap3A_255 = arith.index_cast %scan3A_89 : i32 to index
      %swap3A_256 = arith.constant 288 : index
      %swap3A_257 = tpu.vector_load %arg10[%swap3A_255, %swap3A_256] {strides = array<i32>} : memref<32x768xf32, #tpu.memory_space<vmem>>, vector<1x16xf32>,
      %swap3A_258 = vector.shape_cast %swap3A_257 : vector<1x16xf32> to vector<16xf32>
      %swap3A_259 = vector.shape_cast %get3A_254 : vector<16xf32> to vector<1x16xf32>
      tpu.vector_store %arg10[%swap3A_255, %swap3A_256], %swap3A_259 {add = true, strides = array<i32>} : memref<32x768xf32, #tpu.memory_space<vmem>>, vector<1x16xf32>,
      %get3A_260 = arith.index_cast %scan3A_89 : i32 to index
      %get3A_261 = arith.constant 304 : index
      %get3A_262 = tpu.vector_load %arg8[%get3A_260, %get3A_261] {strides = array<i32>} : memref<32x768xf32, #tpu.memory_space<vmem>>, vector<1x16xf32>,
      %get3A_263 = vector.shape_cast %get3A_262 : vector<1x16xf32> to vector<16xf32>
      %swap3A_264 = arith.index_cast %scan3A_89 : i32 to index
      %swap3A_265 = arith.constant 304 : index
      %swap3A_266 = tpu.vector_load %arg10[%swap3A_264, %swap3A_265] {strides = array<i32>} : memref<32x768xf32, #tpu.memory_space<vmem>>, vector<1x16xf32>,
      %swap3A_267 = vector.shape_cast %swap3A_266 : vector<1x16xf32> to vector<16xf32>
      %swap3A_268 = vector.shape_cast %get3A_263 : vector<16xf32> to vector<1x16xf32>
      tpu.vector_store %arg10[%swap3A_264, %swap3A_265], %swap3A_268 {add = true, strides = array<i32>} : memref<32x768xf32, #tpu.memory_space<vmem>>, vector<1x16xf32>,
      %get3A_269 = arith.index_cast %scan3A_89 : i32 to index
      %get3A_270 = arith.constant 320 : index
      %get3A_271 = tpu.vector_load %arg8[%get3A_269, %get3A_270] {strides = array<i32>} : memref<32x768xf32, #tpu.memory_space<vmem>>, vector<1x16xf32>,
      %get3A_272 = vector.shape_cast %get3A_271 : vector<1x16xf32> to vector<16xf32>
      %swap3A_273 = arith.index_cast %scan3A_89 : i32 to index
      %swap3A_274 = arith.constant 320 : index
      %swap3A_275 = tpu.vector_load %arg10[%swap3A_273, %swap3A_274] {strides = array<i32>} : memref<32x768xf32, #tpu.memory_space<vmem>>, vector<1x16xf32>,
      %swap3A_276 = vector.shape_cast %swap3A_275 : vector<1x16xf32> to vector<16xf32>
      %swap3A_277 = vector.shape_cast %get3A_272 : vector<16xf32> to vector<1x16xf32>
      tpu.vector_store %arg10[%swap3A_273, %swap3A_274], %swap3A_277 {add = true, strides = array<i32>} : memref<32x768xf32, #tpu.memory_space<vmem>>, vector<1x16xf32>,
      %get3A_278 = arith.index_cast %scan3A_89 : i32 to index
      %get3A_279 = arith.constant 336 : index
      %get3A_280 = tpu.vector_load %arg8[%get3A_278, %get3A_279] {strides = array<i32>} : memref<32x768xf32, #tpu.memory_space<vmem>>, vector<1x16xf32>,
      %get3A_281 = vector.shape_cast %get3A_280 : vector<1x16xf32> to vector<16xf32>
      %swap3A_282 = arith.index_cast %scan3A_89 : i32 to index
      %swap3A_283 = arith.constant 336 : index
      %swap3A_284 = tpu.vector_load %arg10[%swap3A_282, %swap3A_283] {strides = array<i32>} : memref<32x768xf32, #tpu.memory_space<vmem>>, vector<1x16xf32>,
      %swap3A_285 = vector.shape_cast %swap3A_284 : vector<1x16xf32> to vector<16xf32>
      %swap3A_286 = vector.shape_cast %get3A_281 : vector<16xf32> to vector<1x16xf32>
      tpu.vector_store %arg10[%swap3A_282, %swap3A_283], %swap3A_286 {add = true, strides = array<i32>} : memref<32x768xf32, #tpu.memory_space<vmem>>, vector<1x16xf32>,
      %get3A_287 = arith.index_cast %scan3A_89 : i32 to index
      %get3A_288 = arith.constant 352 : index
      %get3A_289 = tpu.vector_load %arg8[%get3A_287, %get3A_288] {strides = array<i32>} : memref<32x768xf32, #tpu.memory_space<vmem>>, vector<1x16xf32>,
      %get3A_290 = vector.shape_cast %get3A_289 : vector<1x16xf32> to vector<16xf32>
      %swap3A_291 = arith.index_cast %scan3A_89 : i32 to index
      %swap3A_292 = arith.constant 352 : index
      %swap3A_293 = tpu.vector_load %arg10[%swap3A_291, %swap3A_292] {strides = array<i32>} : memref<32x768xf32, #tpu.memory_space<vmem>>, vector<1x16xf32>,
      %swap3A_294 = vector.shape_cast %swap3A_293 : vector<1x16xf32> to vector<16xf32>
      %swap3A_295 = vector.shape_cast %get3A_290 : vector<16xf32> to vector<1x16xf32>
      tpu.vector_store %arg10[%swap3A_291, %swap3A_292], %swap3A_295 {add = true, strides = array<i32>} : memref<32x768xf32, #tpu.memory_space<vmem>>, vector<1x16xf32>,
      %get3A_296 = arith.index_cast %scan3A_89 : i32 to index
      %get3A_297 = arith.constant 368 : index
      %get3A_298 = tpu.vector_load %arg8[%get3A_296, %get3A_297] {strides = array<i32>} : memref<32x768xf32, #tpu.memory_space<vmem>>, vector<1x16xf32>,
      %get3A_299 = vector.shape_cast %get3A_298 : vector<1x16xf32> to vector<16xf32>
      %swap3A_300 = arith.index_cast %scan3A_89 : i32 to index
      %swap3A_301 = arith.constant 368 : index
      %swap3A_302 = tpu.vector_load %arg10[%swap3A_300, %swap3A_301] {strides = array<i32>} : memref<32x768xf32, #tpu.memory_space<vmem>>, vector<1x16xf32>,
      %swap3A_303 = vector.shape_cast %swap3A_302 : vector<1x16xf32> to vector<16xf32>
      %swap3A_304 = vector.shape_cast %get3A_299 : vector<16xf32> to vector<1x16xf32>
      tpu.vector_store %arg10[%swap3A_300, %swap3A_301], %swap3A_304 {add = true, strides = array<i32>} : memref<32x768xf32, #tpu.memory_space<vmem>>, vector<1x16xf32>,
      %get3A_305 = arith.index_cast %scan3A_89 : i32 to index
      %get3A_306 = arith.constant 384 : index
      %get3A_307 = tpu.vector_load %arg8[%get3A_305, %get3A_306] {strides = array<i32>} : memref<32x768xf32, #tpu.memory_space<vmem>>, vector<1x16xf32>,
      %get3A_308 = vector.shape_cast %get3A_307 : vector<1x16xf32> to vector<16xf32>
      %swap3A_309 = arith.index_cast %scan3A_89 : i32 to index
      %swap3A_310 = arith.constant 384 : index
      %swap3A_311 = tpu.vector_load %arg10[%swap3A_309, %swap3A_310] {strides = array<i32>} : memref<32x768xf32, #tpu.memory_space<vmem>>, vector<1x16xf32>,
      %swap3A_312 = vector.shape_cast %swap3A_311 : vector<1x16xf32> to vector<16xf32>
      %swap3A_313 = vector.shape_cast %get3A_308 : vector<16xf32> to vector<1x16xf32>
      tpu.vector_store %arg10[%swap3A_309, %swap3A_310], %swap3A_313 {add = true, strides = array<i32>} : memref<32x768xf32, #tpu.memory_space<vmem>>, vector<1x16xf32>,
      %get3A_314 = arith.index_cast %scan3A_89 : i32 to index
      %get3A_315 = arith.constant 400 : index
      %get3A_316 = tpu.vector_load %arg8[%get3A_314, %get3A_315] {strides = array<i32>} : memref<32x768xf32, #tpu.memory_space<vmem>>, vector<1x16xf32>,
      %get3A_317 = vector.shape_cast %get3A_316 : vector<1x16xf32> to vector<16xf32>
      %swap3A_318 = arith.index_cast %scan3A_89 : i32 to index
      %swap3A_319 = arith.constant 400 : index
      %swap3A_320 = tpu.vector_load %arg10[%swap3A_318, %swap3A_319] {strides = array<i32>} : memref<32x768xf32, #tpu.memory_space<vmem>>, vector<1x16xf32>,
      %swap3A_321 = vector.shape_cast %swap3A_320 : vector<1x16xf32> to vector<16xf32>
      %swap3A_322 = vector.shape_cast %get3A_317 : vector<16xf32> to vector<1x16xf32>
      tpu.vector_store %arg10[%swap3A_318, %swap3A_319], %swap3A_322 {add = true, strides = array<i32>} : memref<32x768xf32, #tpu.memory_space<vmem>>, vector<1x16xf32>,
      %get3A_323 = arith.index_cast %scan3A_89 : i32 to index
      %get3A_324 = arith.constant 416 : index
      %get3A_325 = tpu.vector_load %arg8[%get3A_323, %get3A_324] {strides = array<i32>} : memref<32x768xf32, #tpu.memory_space<vmem>>, vector<1x16xf32>,
      %get3A_326 = vector.shape_cast %get3A_325 : vector<1x16xf32> to vector<16xf32>
      %swap3A_327 = arith.index_cast %scan3A_89 : i32 to index
      %swap3A_328 = arith.constant 416 : index
      %swap3A_329 = tpu.vector_load %arg10[%swap3A_327, %swap3A_328] {strides = array<i32>} : memref<32x768xf32, #tpu.memory_space<vmem>>, vector<1x16xf32>,
      %swap3A_330 = vector.shape_cast %swap3A_329 : vector<1x16xf32> to vector<16xf32>
      %swap3A_331 = vector.shape_cast %get3A_326 : vector<16xf32> to vector<1x16xf32>
      tpu.vector_store %arg10[%swap3A_327, %swap3A_328], %swap3A_331 {add = true, strides = array<i32>} : memref<32x768xf32, #tpu.memory_space<vmem>>, vector<1x16xf32>,
      %get3A_332 = arith.index_cast %scan3A_89 : i32 to index
      %get3A_333 = arith.constant 432 : index
      %get3A_334 = tpu.vector_load %arg8[%get3A_332, %get3A_333] {strides = array<i32>} : memref<32x768xf32, #tpu.memory_space<vmem>>, vector<1x16xf32>,
      %get3A_335 = vector.shape_cast %get3A_334 : vector<1x16xf32> to vector<16xf32>
      %swap3A_336 = arith.index_cast %scan3A_89 : i32 to index
      %swap3A_337 = arith.constant 432 : index
      %swap3A_338 = tpu.vector_load %arg10[%swap3A_336, %swap3A_337] {strides = array<i32>} : memref<32x768xf32, #tpu.memory_space<vmem>>, vector<1x16xf32>,
      %swap3A_339 = vector.shape_cast %swap3A_338 : vector<1x16xf32> to vector<16xf32>
      %swap3A_340 = vector.shape_cast %get3A_335 : vector<16xf32> to vector<1x16xf32>
      tpu.vector_store %arg10[%swap3A_336, %swap3A_337], %swap3A_340 {add = true, strides = array<i32>} : memref<32x768xf32, #tpu.memory_space<vmem>>, vector<1x16xf32>,
      %get3A_341 = arith.index_cast %scan3A_89 : i32 to index
      %get3A_342 = arith.constant 448 : index
      %get3A_343 = tpu.vector_load %arg8[%get3A_341, %get3A_342] {strides = array<i32>} : memref<32x768xf32, #tpu.memory_space<vmem>>, vector<1x16xf32>,
      %get3A_344 = vector.shape_cast %get3A_343 : vector<1x16xf32> to vector<16xf32>
      %swap3A_345 = arith.index_cast %scan3A_89 : i32 to index
      %swap3A_346 = arith.constant 448 : index
      %swap3A_347 = tpu.vector_load %arg10[%swap3A_345, %swap3A_346] {strides = array<i32>} : memref<32x768xf32, #tpu.memory_space<vmem>>, vector<1x16xf32>,
      %swap3A_348 = vector.shape_cast %swap3A_347 : vector<1x16xf32> to vector<16xf32>
      %swap3A_349 = vector.shape_cast %get3A_344 : vector<16xf32> to vector<1x16xf32>
      tpu.vector_store %arg10[%swap3A_345, %swap3A_346], %swap3A_349 {add = true, strides = array<i32>} : memref<32x768xf32, #tpu.memory_space<vmem>>, vector<1x16xf32>,
      %get3A_350 = arith.index_cast %scan3A_89 : i32 to index
      %get3A_351 = arith.constant 464 : index
      %get3A_352 = tpu.vector_load %arg8[%get3A_350, %get3A_351] {strides = array<i32>} : memref<32x768xf32, #tpu.memory_space<vmem>>, vector<1x16xf32>,
      %get3A_353 = vector.shape_cast %get3A_352 : vector<1x16xf32> to vector<16xf32>
      %swap3A_354 = arith.index_cast %scan3A_89 : i32 to index
      %swap3A_355 = arith.constant 464 : index
      %swap3A_356 = tpu.vector_load %arg10[%swap3A_354, %swap3A_355] {strides = array<i32>} : memref<32x768xf32, #tpu.memory_space<vmem>>, vector<1x16xf32>,
      %swap3A_357 = vector.shape_cast %swap3A_356 : vector<1x16xf32> to vector<16xf32>
      %swap3A_358 = vector.shape_cast %get3A_353 : vector<16xf32> to vector<1x16xf32>
      tpu.vector_store %arg10[%swap3A_354, %swap3A_355], %swap3A_358 {add = true, strides = array<i32>} : memref<32x768xf32, #tpu.memory_space<vmem>>, vector<1x16xf32>,
      %get3A_359 = arith.index_cast %scan3A_89 : i32 to index
      %get3A_360 = arith.constant 480 : index
      %get3A_361 = tpu.vector_load %arg8[%get3A_359, %get3A_360] {strides = array<i32>} : memref<32x768xf32, #tpu.memory_space<vmem>>, vector<1x16xf32>,
      %get3A_362 = vector.shape_cast %get3A_361 : vector<1x16xf32> to vector<16xf32>
      %swap3A_363 = arith.index_cast %scan3A_89 : i32 to index
      %swap3A_364 = arith.constant 480 : index
      %swap3A_365 = tpu.vector_load %arg10[%swap3A_363, %swap3A_364] {strides = array<i32>} : memref<32x768xf32, #tpu.memory_space<vmem>>, vector<1x16xf32>,
      %swap3A_366 = vector.shape_cast %swap3A_365 : vector<1x16xf32> to vector<16xf32>
      %swap3A_367 = vector.shape_cast %get3A_362 : vector<16xf32> to vector<1x16xf32>
      tpu.vector_store %arg10[%swap3A_363, %swap3A_364], %swap3A_367 {add = true, strides = array<i32>} : memref<32x768xf32, #tpu.memory_space<vmem>>, vector<1x16xf32>,
      %get3A_368 = arith.index_cast %scan3A_89 : i32 to index
      %get3A_369 = arith.constant 496 : index
      %get3A_370 = tpu.vector_load %arg8[%get3A_368, %get3A_369] {strides = array<i32>} : memref<32x768xf32, #tpu.memory_space<vmem>>, vector<1x16xf32>,
      %get3A_371 = vector.shape_cast %get3A_370 : vector<1x16xf32> to vector<16xf32>
      %swap3A_372 = arith.index_cast %scan3A_89 : i32 to index
      %swap3A_373 = arith.constant 496 : index
      %swap3A_374 = tpu.vector_load %arg10[%swap3A_372, %swap3A_373] {strides = array<i32>} : memref<32x768xf32, #tpu.memory_space<vmem>>, vector<1x16xf32>,
      %swap3A_375 = vector.shape_cast %swap3A_374 : vector<1x16xf32> to vector<16xf32>
      %swap3A_376 = vector.shape_cast %get3A_371 : vector<16xf32> to vector<1x16xf32>
      tpu.vector_store %arg10[%swap3A_372, %swap3A_373], %swap3A_376 {add = true, strides = array<i32>} : memref<32x768xf32, #tpu.memory_space<vmem>>, vector<1x16xf32>,
      %get3A_377 = arith.index_cast %scan3A_89 : i32 to index
      %get3A_378 = arith.constant 512 : index
      %get3A_379 = tpu.vector_load %arg8[%get3A_377, %get3A_378] {strides = array<i32>} : memref<32x768xf32, #tpu.memory_space<vmem>>, vector<1x16xf32>,
      %get3A_380 = vector.shape_cast %get3A_379 : vector<1x16xf32> to vector<16xf32>
      %swap3A_381 = arith.index_cast %scan3A_89 : i32 to index
      %swap3A_382 = arith.constant 512 : index
      %swap3A_383 = tpu.vector_load %arg10[%swap3A_381, %swap3A_382] {strides = array<i32>} : memref<32x768xf32, #tpu.memory_space<vmem>>, vector<1x16xf32>,
      %swap3A_384 = vector.shape_cast %swap3A_383 : vector<1x16xf32> to vector<16xf32>
      %swap3A_385 = vector.shape_cast %get3A_380 : vector<16xf32> to vector<1x16xf32>
      tpu.vector_store %arg10[%swap3A_381, %swap3A_382], %swap3A_385 {add = true, strides = array<i32>} : memref<32x768xf32, #tpu.memory_space<vmem>>, vector<1x16xf32>,
      %get3A_386 = arith.index_cast %scan3A_89 : i32 to index
      %get3A_387 = arith.constant 528 : index
      %get3A_388 = tpu.vector_load %arg8[%get3A_386, %get3A_387] {strides = array<i32>} : memref<32x768xf32, #tpu.memory_space<vmem>>, vector<1x16xf32>,
      %get3A_389 = vector.shape_cast %get3A_388 : vector<1x16xf32> to vector<16xf32>
      %swap3A_390 = arith.index_cast %scan3A_89 : i32 to index
      %swap3A_391 = arith.constant 528 : index
      %swap3A_392 = tpu.vector_load %arg10[%swap3A_390, %swap3A_391] {strides = array<i32>} : memref<32x768xf32, #tpu.memory_space<vmem>>, vector<1x16xf32>,
      %swap3A_393 = vector.shape_cast %swap3A_392 : vector<1x16xf32> to vector<16xf32>
      %swap3A_394 = vector.shape_cast %get3A_389 : vector<16xf32> to vector<1x16xf32>
      tpu.vector_store %arg10[%swap3A_390, %swap3A_391], %swap3A_394 {add = true, strides = array<i32>} : memref<32x768xf32, #tpu.memory_space<vmem>>, vector<1x16xf32>,
      %get3A_395 = arith.index_cast %scan3A_89 : i32 to index
      %get3A_396 = arith.constant 544 : index
      %get3A_397 = tpu.vector_load %arg8[%get3A_395, %get3A_396] {strides = array<i32>} : memref<32x768xf32, #tpu.memory_space<vmem>>, vector<1x16xf32>,
      %get3A_398 = vector.shape_cast %get3A_397 : vector<1x16xf32> to vector<16xf32>
      %swap3A_399 = arith.index_cast %scan3A_89 : i32 to index
      %swap3A_400 = arith.constant 544 : index
      %swap3A_401 = tpu.vector_load %arg10[%swap3A_399, %swap3A_400] {strides = array<i32>} : memref<32x768xf32, #tpu.memory_space<vmem>>, vector<1x16xf32>,
      %swap3A_402 = vector.shape_cast %swap3A_401 : vector<1x16xf32> to vector<16xf32>
      %swap3A_403 = vector.shape_cast %get3A_398 : vector<16xf32> to vector<1x16xf32>
      tpu.vector_store %arg10[%swap3A_399, %swap3A_400], %swap3A_403 {add = true, strides = array<i32>} : memref<32x768xf32, #tpu.memory_space<vmem>>, vector<1x16xf32>,
      %get3A_404 = arith.index_cast %scan3A_89 : i32 to index
      %get3A_405 = arith.constant 560 : index
      %get3A_406 = tpu.vector_load %arg8[%get3A_404, %get3A_405] {strides = array<i32>} : memref<32x768xf32, #tpu.memory_space<vmem>>, vector<1x16xf32>,
      %get3A_407 = vector.shape_cast %get3A_406 : vector<1x16xf32> to vector<16xf32>
      %swap3A_408 = arith.index_cast %scan3A_89 : i32 to index
      %swap3A_409 = arith.constant 560 : index
      %swap3A_410 = tpu.vector_load %arg10[%swap3A_408, %swap3A_409] {strides = array<i32>} : memref<32x768xf32, #tpu.memory_space<vmem>>, vector<1x16xf32>,
      %swap3A_411 = vector.shape_cast %swap3A_410 : vector<1x16xf32> to vector<16xf32>
      %swap3A_412 = vector.shape_cast %get3A_407 : vector<16xf32> to vector<1x16xf32>
      tpu.vector_store %arg10[%swap3A_408, %swap3A_409], %swap3A_412 {add = true, strides = array<i32>} : memref<32x768xf32, #tpu.memory_space<vmem>>, vector<1x16xf32>,
      %get3A_413 = arith.index_cast %scan3A_89 : i32 to index
      %get3A_414 = arith.constant 576 : index
      %get3A_415 = tpu.vector_load %arg8[%get3A_413, %get3A_414] {strides = array<i32>} : memref<32x768xf32, #tpu.memory_space<vmem>>, vector<1x16xf32>,
      %get3A_416 = vector.shape_cast %get3A_415 : vector<1x16xf32> to vector<16xf32>
      %swap3A_417 = arith.index_cast %scan3A_89 : i32 to index
      %swap3A_418 = arith.constant 576 : index
      %swap3A_419 = tpu.vector_load %arg10[%swap3A_417, %swap3A_418] {strides = array<i32>} : memref<32x768xf32, #tpu.memory_space<vmem>>, vector<1x16xf32>,
      %swap3A_420 = vector.shape_cast %swap3A_419 : vector<1x16xf32> to vector<16xf32>
      %swap3A_421 = vector.shape_cast %get3A_416 : vector<16xf32> to vector<1x16xf32>
      tpu.vector_store %arg10[%swap3A_417, %swap3A_418], %swap3A_421 {add = true, strides = array<i32>} : memref<32x768xf32, #tpu.memory_space<vmem>>, vector<1x16xf32>,
      %get3A_422 = arith.index_cast %scan3A_89 : i32 to index
      %get3A_423 = arith.constant 592 : index
      %get3A_424 = tpu.vector_load %arg8[%get3A_422, %get3A_423] {strides = array<i32>} : memref<32x768xf32, #tpu.memory_space<vmem>>, vector<1x16xf32>,
      %get3A_425 = vector.shape_cast %get3A_424 : vector<1x16xf32> to vector<16xf32>
      %swap3A_426 = arith.index_cast %scan3A_89 : i32 to index
      %swap3A_427 = arith.constant 592 : index
      %swap3A_428 = tpu.vector_load %arg10[%swap3A_426, %swap3A_427] {strides = array<i32>} : memref<32x768xf32, #tpu.memory_space<vmem>>, vector<1x16xf32>,
      %swap3A_429 = vector.shape_cast %swap3A_428 : vector<1x16xf32> to vector<16xf32>
      %swap3A_430 = vector.shape_cast %get3A_425 : vector<16xf32> to vector<1x16xf32>
      tpu.vector_store %arg10[%swap3A_426, %swap3A_427], %swap3A_430 {add = true, strides = array<i32>} : memref<32x768xf32, #tpu.memory_space<vmem>>, vector<1x16xf32>,
      %get3A_431 = arith.index_cast %scan3A_89 : i32 to index
      %get3A_432 = arith.constant 608 : index
      %get3A_433 = tpu.vector_load %arg8[%get3A_431, %get3A_432] {strides = array<i32>} : memref<32x768xf32, #tpu.memory_space<vmem>>, vector<1x16xf32>,
      %get3A_434 = vector.shape_cast %get3A_433 : vector<1x16xf32> to vector<16xf32>
      %swap3A_435 = arith.index_cast %scan3A_89 : i32 to index
      %swap3A_436 = arith.constant 608 : index
      %swap3A_437 = tpu.vector_load %arg10[%swap3A_435, %swap3A_436] {strides = array<i32>} : memref<32x768xf32, #tpu.memory_space<vmem>>, vector<1x16xf32>,
      %swap3A_438 = vector.shape_cast %swap3A_437 : vector<1x16xf32> to vector<16xf32>
      %swap3A_439 = vector.shape_cast %get3A_434 : vector<16xf32> to vector<1x16xf32>
      tpu.vector_store %arg10[%swap3A_435, %swap3A_436], %swap3A_439 {add = true, strides = array<i32>} : memref<32x768xf32, #tpu.memory_space<vmem>>, vector<1x16xf32>,
      %get3A_440 = arith.index_cast %scan3A_89 : i32 to index
      %get3A_441 = arith.constant 624 : index
      %get3A_442 = tpu.vector_load %arg8[%get3A_440, %get3A_441] {strides = array<i32>} : memref<32x768xf32, #tpu.memory_space<vmem>>, vector<1x16xf32>,
      %get3A_443 = vector.shape_cast %get3A_442 : vector<1x16xf32> to vector<16xf32>
      %swap3A_444 = arith.index_cast %scan3A_89 : i32 to index
      %swap3A_445 = arith.constant 624 : index
      %swap3A_446 = tpu.vector_load %arg10[%swap3A_444, %swap3A_445] {strides = array<i32>} : memref<32x768xf32, #tpu.memory_space<vmem>>, vector<1x16xf32>,
      %swap3A_447 = vector.shape_cast %swap3A_446 : vector<1x16xf32> to vector<16xf32>
      %swap3A_448 = vector.shape_cast %get3A_443 : vector<16xf32> to vector<1x16xf32>
      tpu.vector_store %arg10[%swap3A_444, %swap3A_445], %swap3A_448 {add = true, strides = array<i32>} : memref<32x768xf32, #tpu.memory_space<vmem>>, vector<1x16xf32>,
      %get3A_449 = arith.index_cast %scan3A_89 : i32 to index
      %get3A_450 = arith.constant 640 : index
      %get3A_451 = tpu.vector_load %arg8[%get3A_449, %get3A_450] {strides = array<i32>} : memref<32x768xf32, #tpu.memory_space<vmem>>, vector<1x16xf32>,
      %get3A_452 = vector.shape_cast %get3A_451 : vector<1x16xf32> to vector<16xf32>
      %swap3A_453 = arith.index_cast %scan3A_89 : i32 to index
      %swap3A_454 = arith.constant 640 : index
      %swap3A_455 = tpu.vector_load %arg10[%swap3A_453, %swap3A_454] {strides = array<i32>} : memref<32x768xf32, #tpu.memory_space<vmem>>, vector<1x16xf32>,
      %swap3A_456 = vector.shape_cast %swap3A_455 : vector<1x16xf32> to vector<16xf32>
      %swap3A_457 = vector.shape_cast %get3A_452 : vector<16xf32> to vector<1x16xf32>
      tpu.vector_store %arg10[%swap3A_453, %swap3A_454], %swap3A_457 {add = true, strides = array<i32>} : memref<32x768xf32, #tpu.memory_space<vmem>>, vector<1x16xf32>,
      %get3A_458 = arith.index_cast %scan3A_89 : i32 to index
      %get3A_459 = arith.constant 656 : index
      %get3A_460 = tpu.vector_load %arg8[%get3A_458, %get3A_459] {strides = array<i32>} : memref<32x768xf32, #tpu.memory_space<vmem>>, vector<1x16xf32>,
      %get3A_461 = vector.shape_cast %get3A_460 : vector<1x16xf32> to vector<16xf32>
      %swap3A_462 = arith.index_cast %scan3A_89 : i32 to index
      %swap3A_463 = arith.constant 656 : index
      %swap3A_464 = tpu.vector_load %arg10[%swap3A_462, %swap3A_463] {strides = array<i32>} : memref<32x768xf32, #tpu.memory_space<vmem>>, vector<1x16xf32>,
      %swap3A_465 = vector.shape_cast %swap3A_464 : vector<1x16xf32> to vector<16xf32>
      %swap3A_466 = vector.shape_cast %get3A_461 : vector<16xf32> to vector<1x16xf32>
      tpu.vector_store %arg10[%swap3A_462, %swap3A_463], %swap3A_466 {add = true, strides = array<i32>} : memref<32x768xf32, #tpu.memory_space<vmem>>, vector<1x16xf32>,
      %get3A_467 = arith.index_cast %scan3A_89 : i32 to index
      %get3A_468 = arith.constant 672 : index
      %get3A_469 = tpu.vector_load %arg8[%get3A_467, %get3A_468] {strides = array<i32>} : memref<32x768xf32, #tpu.memory_space<vmem>>, vector<1x16xf32>,
      %get3A_470 = vector.shape_cast %get3A_469 : vector<1x16xf32> to vector<16xf32>
      %swap3A_471 = arith.index_cast %scan3A_89 : i32 to index
      %swap3A_472 = arith.constant 672 : index
      %swap3A_473 = tpu.vector_load %arg10[%swap3A_471, %swap3A_472] {strides = array<i32>} : memref<32x768xf32, #tpu.memory_space<vmem>>, vector<1x16xf32>,
      %swap3A_474 = vector.shape_cast %swap3A_473 : vector<1x16xf32> to vector<16xf32>
      %swap3A_475 = vector.shape_cast %get3A_470 : vector<16xf32> to vector<1x16xf32>
      tpu.vector_store %arg10[%swap3A_471, %swap3A_472], %swap3A_475 {add = true, strides = array<i32>} : memref<32x768xf32, #tpu.memory_space<vmem>>, vector<1x16xf32>,
      %get3A_476 = arith.index_cast %scan3A_89 : i32 to index
      %get3A_477 = arith.constant 688 : index
      %get3A_478 = tpu.vector_load %arg8[%get3A_476, %get3A_477] {strides = array<i32>} : memref<32x768xf32, #tpu.memory_space<vmem>>, vector<1x16xf32>,
      %get3A_479 = vector.shape_cast %get3A_478 : vector<1x16xf32> to vector<16xf32>
      %swap3A_480 = arith.index_cast %scan3A_89 : i32 to index
      %swap3A_481 = arith.constant 688 : index
      %swap3A_482 = tpu.vector_load %arg10[%swap3A_480, %swap3A_481] {strides = array<i32>} : memref<32x768xf32, #tpu.memory_space<vmem>>, vector<1x16xf32>,
      %swap3A_483 = vector.shape_cast %swap3A_482 : vector<1x16xf32> to vector<16xf32>
      %swap3A_484 = vector.shape_cast %get3A_479 : vector<16xf32> to vector<1x16xf32>
      tpu.vector_store %arg10[%swap3A_480, %swap3A_481], %swap3A_484 {add = true, strides = array<i32>} : memref<32x768xf32, #tpu.memory_space<vmem>>, vector<1x16xf32>,
      %get3A_485 = arith.index_cast %scan3A_89 : i32 to index
      %get3A_486 = arith.constant 704 : index
      %get3A_487 = tpu.vector_load %arg8[%get3A_485, %get3A_486] {strides = array<i32>} : memref<32x768xf32, #tpu.memory_space<vmem>>, vector<1x16xf32>,
      %get3A_488 = vector.shape_cast %get3A_487 : vector<1x16xf32> to vector<16xf32>
      %swap3A_489 = arith.index_cast %scan3A_89 : i32 to index
      %swap3A_490 = arith.constant 704 : index
      %swap3A_491 = tpu.vector_load %arg10[%swap3A_489, %swap3A_490] {strides = array<i32>} : memref<32x768xf32, #tpu.memory_space<vmem>>, vector<1x16xf32>,
      %swap3A_492 = vector.shape_cast %swap3A_491 : vector<1x16xf32> to vector<16xf32>
      %swap3A_493 = vector.shape_cast %get3A_488 : vector<16xf32> to vector<1x16xf32>
      tpu.vector_store %arg10[%swap3A_489, %swap3A_490], %swap3A_493 {add = true, strides = array<i32>} : memref<32x768xf32, #tpu.memory_space<vmem>>, vector<1x16xf32>,
      %get3A_494 = arith.index_cast %scan3A_89 : i32 to index
      %get3A_495 = arith.constant 720 : index
      %get3A_496 = tpu.vector_load %arg8[%get3A_494, %get3A_495] {strides = array<i32>} : memref<32x768xf32, #tpu.memory_space<vmem>>, vector<1x16xf32>,
      %get3A_497 = vector.shape_cast %get3A_496 : vector<1x16xf32> to vector<16xf32>
      %swap3A_498 = arith.index_cast %scan3A_89 : i32 to index
      %swap3A_499 = arith.constant 720 : index
      %swap3A_500 = tpu.vector_load %arg10[%swap3A_498, %swap3A_499] {strides = array<i32>} : memref<32x768xf32, #tpu.memory_space<vmem>>, vector<1x16xf32>,
      %swap3A_501 = vector.shape_cast %swap3A_500 : vector<1x16xf32> to vector<16xf32>
      %swap3A_502 = vector.shape_cast %get3A_497 : vector<16xf32> to vector<1x16xf32>
      tpu.vector_store %arg10[%swap3A_498, %swap3A_499], %swap3A_502 {add = true, strides = array<i32>} : memref<32x768xf32, #tpu.memory_space<vmem>>, vector<1x16xf32>,
      %get3A_503 = arith.index_cast %scan3A_89 : i32 to index
      %get3A_504 = arith.constant 736 : index
      %get3A_505 = tpu.vector_load %arg8[%get3A_503, %get3A_504] {strides = array<i32>} : memref<32x768xf32, #tpu.memory_space<vmem>>, vector<1x16xf32>,
      %get3A_506 = vector.shape_cast %get3A_505 : vector<1x16xf32> to vector<16xf32>
      %swap3A_507 = arith.index_cast %scan3A_89 : i32 to index
      %swap3A_508 = arith.constant 736 : index
      %swap3A_509 = tpu.vector_load %arg10[%swap3A_507, %swap3A_508] {strides = array<i32>} : memref<32x768xf32, #tpu.memory_space<vmem>>, vector<1x16xf32>,
      %swap3A_510 = vector.shape_cast %swap3A_509 : vector<1x16xf32> to vector<16xf32>
      %swap3A_511 = vector.shape_cast %get3A_506 : vector<16xf32> to vector<1x16xf32>
      tpu.vector_store %arg10[%swap3A_507, %swap3A_508], %swap3A_511 {add = true, strides = array<i32>} : memref<32x768xf32, #tpu.memory_space<vmem>>, vector<1x16xf32>,
      %get3A_512 = arith.index_cast %scan3A_89 : i32 to index
      %get3A_513 = arith.constant 752 : index
      %get3A_514 = tpu.vector_load %arg8[%get3A_512, %get3A_513] {strides = array<i32>} : memref<32x768xf32, #tpu.memory_space<vmem>>, vector<1x16xf32>,
      %get3A_515 = vector.shape_cast %get3A_514 : vector<1x16xf32> to vector<16xf32>
      %swap3A_516 = arith.index_cast %scan3A_89 : i32 to index
      %swap3A_517 = arith.constant 752 : index
      %swap3A_518 = tpu.vector_load %arg10[%swap3A_516, %swap3A_517] {strides = array<i32>} : memref<32x768xf32, #tpu.memory_space<vmem>>, vector<1x16xf32>,
      %swap3A_519 = vector.shape_cast %swap3A_518 : vector<1x16xf32> to vector<16xf32>
      %swap3A_520 = vector.shape_cast %get3A_515 : vector<16xf32> to vector<1x16xf32>
      tpu.vector_store %arg10[%swap3A_516, %swap3A_517], %swap3A_520 {add = true, strides = array<i32>} : memref<32x768xf32, #tpu.memory_space<vmem>>, vector<1x16xf32>,
      %scan3A_521 = arith.constant 0 : i32
      scf.yield %scan3A_521 : i32
    }
    %scan3A_70 = arith.constant 32 : i32
    %add3A_71 = arith.constant 992 : i32
    %add3A_72 = arith.addi %mul3A_2, %add3A_71 : i32
    %dma_start3A_73 = arith.constant 0 : i32
    %dma_start3A_74 = tpu.memref_slice %arg5[%add3A_72, %dma_start3A_73] : memref<32768x768xf32, #tpu.memory_space<hbm>> -> memref<32x768xf32, #tpu.memory_space<hbm>>
    %dma_start3A_75 = arith.constant 0 : i32
    %dma_start3A_76 = tpu.memref_slice %arg5[%add3A_72, %dma_start3A_75] : memref<32768x768xf32, #tpu.memory_space<hbm>> -> memref<32x768xf32, #tpu.memory_space<hbm>>
    tpu.enqueue_dma source(%arg10 : memref<32x768xf32, #tpu.memory_space<vmem>>) target(%dma_start3A_76 : memref<32x768xf32, #tpu.memory_space<hbm>>) target_semaphore(%arg16 : memref<!tpu.dma_semaphore, #tpu.memory_space<semaphore_mem>>)
    %add3A_77 = arith.constant 960 : i32
    %add3A_78 = arith.addi %mul3A_2, %add3A_77 : i32
    %dma_wait3A_79 = arith.constant 0 : i32
    %dma_wait3A_80 = tpu.memref_slice %arg5[%add3A_78, %dma_wait3A_79] : memref<32768x768xf32, #tpu.memory_space<hbm>> -> memref<32x768xf32, #tpu.memory_space<hbm>>
    %dma_wait3A_81 = arith.constant 0 : i32
    %dma_wait3A_82 = tpu.memref_slice %arg5[%add3A_78, %dma_wait3A_81] : memref<32768x768xf32, #tpu.memory_space<hbm>> -> memref<32x768xf32, #tpu.memory_space<hbm>>
    tpu.wait_dma2 semaphore(%arg15 : memref<!tpu.dma_semaphore, #tpu.memory_space<semaphore_mem>>) src(%arg9 : memref<32x768xf32, #tpu.memory_space<vmem>>) dst(%dma_wait3A_82 : memref<32x768xf32, #tpu.memory_space<hbm>>)
    %add3A_83 = arith.constant 992 : i32
    %add3A_84 = arith.addi %mul3A_2, %add3A_83 : i32
    %dma_wait3A_85 = arith.constant 0 : i32
    %dma_wait3A_86 = tpu.memref_slice %arg5[%add3A_84, %dma_wait3A_85] : memref<32768x768xf32, #tpu.memory_space<hbm>> -> memref<32x768xf32, #tpu.memory_space<hbm>>
    %dma_wait3A_87 = arith.constant 0 : i32
    %dma_wait3A_88 = tpu.memref_slice %arg5[%add3A_84, %dma_wait3A_87] : memref<32768x768xf32, #tpu.memory_space<hbm>> -> memref<32x768xf32, #tpu.memory_space<hbm>>
    tpu.wait_dma2 semaphore(%arg16 : memref<!tpu.dma_semaphore, #tpu.memory_space<semaphore_mem>>) src(%arg10 : memref<32x768xf32, #tpu.memory_space<vmem>>) dst(%dma_wait3A_88 : memref<32x768xf32, #tpu.memory_space<hbm>>)
    return
  }
}

</mosaic_0001>

<sc_bundles>
// kernel: _run.3.cloned.1.call-start
scs
__scs_entry_jumppad:
0x0: {  	(pc) =	sbr.rel $0x88, $3  }
0x1: {  	(tag) =	ssettag $0x0;
	lr =	simm.s32 $0x1  }
0x2: {  	[smem:$0x3F9E] =	sst lr;
	_ =	strace $0xD0000000  }
0x3: {  	_ = 	snop  }
0x4: {  	_ = 	snop  }
0x5: {  	_ = 	snop  }
0x6: {  	_ = 	snop  }
0x7: {  	_ = 	snop  }
__scs_overlays_trampoline_lowered:
0x8: {  	[smem:$0x3FAD] =	sst s0  }
0x9: {  	[smem:$0x3FAE] =	sst s1  }
0xa: {  	[smem:$0x3FAF] =	sst s2  }
0xb: {  	[smem:$0x3FB0] =	sst s3  }
0xc: {  	[smem:$0x3FB1] =	sst s4  }
0xd: {  	[smem:$0x3FB2] =	sst s5  }
0xe: {  	[smem:$0x3FB3] =	sst s6  }
0xf: {  	[smem:$0x3FB4] =	sst s7  }
0x10: {  	[smem:$0x3FB5] =	sst s8  }
0x11: {  	[smem:$0x3FB6] =	sst s9;
	s0 =	simm.s32 @!p0 $0x0  }
0x12: {  	s1 =	sld [smem:$0x3F9C];
	s0 =	simm.s32 @p0 $0x1  }
0x13: {  	[smem:$0x3FB7] =	sst s0;
	s0 =	simm.s32 @!p1 $0x0  }
0x14: {  	s2 =	sld [smem:$0x3F9B];
	s0 =	simm.s32 @p1 $0x1  }
0x15: {  	[smem:$0x3FB8] =	sst s0;
	s0 =	simm.s32 @!p2 $0x0  }
0x16: {  	s3 =	sld [smem:$0x3FDB];
	s0 =	simm.s32 @p2 $0x1  }
0x17: {  	s4 =	simm.s32 $0x1BF5;
	[smem:$0x3FBA] =	sst s0  }
0x18: {  	s0 =	sld [smem:$0x3F9D];
	_ =	swait.ge [sflag:s4], $0x0  }
0x19: {  	s7 =	sld [smem:$0x3F9E]  }
0x1a: {  	s8 =	sadd.s32 $0xFFFFE003, lr  }
0x1b: {  	s9 =	sadd.s32 $0xFFFFFEF7, lr;
	s5 =	simm.s32 $0xFFFFFFFF;
	p2 =	slt.u32 s8, $0xFFFFF086  }
0x1c: {  	p1 =	slt.u32 s9, $0xF7A;
	s5 =	simm.s32 @!p2 $0x0  }
0x1d: {  	s5 =	simm.s32 @p1 $0x1;
	p0 =	seq.s32 s7, s2  }
0x1e: {  	s7 =	smul.u32 @!p0 $0xF7A, s2;
	p2 =	seq.s32 @!p0 s5, $0x0  }
0x1f: {  	s9 =	smul.u32 $0xF7A, s1;
	s8 =	simm.s32 @!p0 $0x1BF5;
	p2 =	por !p2, p0  }
0x20: {  	[sflag:s8] =	ssyncset.s32 @!p0 $0xFFFFF086;
	s6 =	sadd.s32 @!p0 s3, s7;
	s7 =	simm.s32 @!p0 $0x108  }
0x21: {  	s3 =	sadd.s32 s3, s9;
	s6 =	sadd.s32 @!p0 $0x88, s6;
	s7 =	simm.s32 @p2 $0x1082  }
0x22: {  	[simem:s7], [sflag:s8] =	dma.local @!p0 [hbm:s6], $0xF7A  }
0x23: {  	s9 =	sor.u32 $0xD0000000, s2;
	s6 =	simm.s32 $0x108;
	_ =	swait.ge @!p0 [sflag:s8], $0x0  }
0x24: {  	s3 =	sadd.s32 $0x88, s3;
	s6 =	simm.s32 @!p1 $0x1082;
	[sflag:s4] =	ssyncset.s32 $0xFFFFF086  }
0x25: {  	[simem:s6], [sflag:s4] =	dma.local [hbm:s3], $0xF7A  }
0x26: {  	[smem:$0x3F9E] =	sst s1;
	(tag) =	ssettag s2;
	_ =	strace s9  }
0x27: {  	s1 =	sld [smem:$0x3FAE]  }
0x28: {  	s2 =	sld [smem:$0x3FAF]  }
0x29: {  	s4 =	sld [smem:$0x3FB1]  }
0x2a: {  	p0 =	seq.s32 s5, $0x0;
	s5 =	sld [smem:$0x3FB2]  }
0x2b: {  	s6 =	sld [smem:$0x3FB3]  }
0x2c: {  	s7 =	sld [smem:$0x3FB4]  }
0x2d: {  	s3 =	simm.s32 $0x108;
	s8 =	sld [smem:$0x3FB5]  }
0x2e: {  	s3 =	simm.s32 @!p0 $0x1082;
	s9 =	sld [smem:$0x3FB6]  }
0x2f: {  	lr =	sadd.s32 s0, s3;
	s0 =	sld [smem:$0x3FAD]  }
0x30: {  	s3 =	sld [smem:$0x3FB0]  }
0x31: {  	[smem:$0x3FB9] =	sst s10  }
0x32: {  	s10 =	sld [smem:$0x3FB7];
	_ =	sdelay $0x3  }
0x33: {  	p0 =	seq.s32 s10, $0x1;
	s10 =	sld [smem:$0x3FB9];
	_ =	sdelay $0x3  }
0x34: {  	[smem:$0x3FB9] =	sst s10  }
0x35: {  	s10 =	sld [smem:$0x3FB8];
	_ =	sdelay $0x3  }
0x36: {  	p1 =	seq.s32 s10, $0x1;
	s10 =	sld [smem:$0x3FB9];
	_ =	sdelay $0x3  }
0x37: {  	[smem:$0x3FB9] =	sst s10  }
0x38: {  	s10 =	sld [smem:$0x3FBA]  }
0x39: {  	_ = 	snop;
	(pc) =	sbr.ind lr, $3  }
0x3a: {  	_ = 	snop  }
0x3b: {  	_ = 	snop  }
0x3c: {  	p2 =	seq.s32 s10, $0x1;
	s10 =	sld [smem:$0x3FB9]  }
0x3d: {  	_ =	shalt  }
0x3e: {  	_ =	shalt  }
0x3f: {  	_ =	shalt  }
0x40: {  	_ =	shalt  }
0x41: {  	_ =	shalt  }
0x42: {  	_ =	shalt  }
0x43: {  	_ =	shalt  }
0x44: {  	_ =	shalt  }
0x45: {  	_ =	shalt  }
0x46: {  	_ =	shalt  }
0x47: {  	_ =	shalt  }
0x48: {  	_ =	shalt  }
0x49: {  	_ =	shalt  }
0x4a: {  	_ =	shalt  }
0x4b: {  	_ =	shalt  }
0x4c: {  	_ =	shalt  }
0x4d: {  	_ =	shalt  }
0x4e: {  	_ =	shalt  }
0x4f: {  	_ =	shalt  }
0x50: {  	_ =	shalt  }
0x51: {  	_ =	shalt  }
0x52: {  	_ =	shalt  }
0x53: {  	_ =	shalt  }
0x54: {  	_ =	shalt  }
0x55: {  	_ =	shalt  }
0x56: {  	_ =	shalt  }
0x57: {  	_ =	shalt  }
0x58: {  	_ =	shalt  }
0x59: {  	_ =	shalt  }
0x5a: {  	_ =	shalt  }
0x5b: {  	_ =	shalt  }
0x5c: {  	_ =	shalt  }
0x5d: {  	_ =	shalt  }
0x5e: {  	_ =	shalt  }
0x5f: {  	_ =	shalt  }
0x60: {  	_ =	shalt  }
0x61: {  	_ =	shalt  }
0x62: {  	_ =	shalt  }
0x63: {  	_ =	shalt  }
0x64: {  	_ =	shalt  }
0x65: {  	_ =	shalt  }
0x66: {  	_ =	shalt  }
0x67: {  	_ =	shalt  }
0x68: {  	_ =	shalt  }
0x69: {  	_ =	shalt  }
0x6a: {  	_ =	shalt  }
0x6b: {  	_ =	shalt  }
0x6c: {  	_ =	shalt  }
0x6d: {  	_ =	shalt  }
0x6e: {  	_ =	shalt  }
0x6f: {  	_ =	shalt  }
0x70: {  	_ =	shalt  }
0x71: {  	_ =	shalt  }
0x72: {  	_ =	shalt  }
0x73: {  	_ =	shalt  }
0x74: {  	_ =	shalt  }
0x75: {  	_ =	shalt  }
0x76: {  	_ =	shalt  }
0x77: {  	_ =	shalt  }
0x78: {  	_ =	shalt  }
0x79: {  	_ =	shalt  }
0x7a: {  	_ =	shalt  }
0x7b: {  	_ =	shalt  }
0x7c: {  	_ =	shalt  }
0x7d: {  	_ =	shalt  }
0x7e: {  	_ =	shalt  }
0x7f: {  	_ =	shalt  }
0x80: {  	_ =	shalt  }
0x81: {  	_ =	shalt  }
0x82: {  	_ =	shalt  }
0x83: {  	_ =	shalt  }
0x84: {  	_ =	shalt  }
0x85: {  	_ =	shalt  }
0x86: {  	_ =	shalt  }
0x87: {  	_ =	shalt  }
.Lfunc_end0:
.L_simem_size_0:
called_computation_lowered:
.L_overlay_start_0:
0x88: {  	s2 =	sld [smem:$0x3FD9]  }
0x89: {  	s3 =	sld [smem:$0x3FFE];
	_ =	sdelay $0x1  }
0x8a: {  	s1 =	srdreg.scid  }
0x8b: {  	s0 =	sand.u32 $0x1, s1  }
0x8c: {  	s18 =	sshll.u32 s0, $0xA;
	s2 =	sadd.s32 s3, s2  }
0x8d: {  	s2 =	sadd.s32 s2, s18  }
0x8e: {  	[smem:$0x3FC5] =	sst s2  }
0x8f: {  	_ = 	snop  }
0x90: {  	s2 =	sld [smem:$0x3FC9]  }
0x91: {  	s19 =	sld [smem:$0x3FC8]  }
0x92: {  	s4 =	sld [smem:$0x3FC7]  }
0x93: {  	s5 =	sld [smem:$0x3FD0];
	(tm) =	ssettm $0x1  }
0x94: {  	s6 =	sld [smem:$0x3FFB];
	_ =	sdelay $0x3  }
0x95: {  	_ =	strace s6  }
0x96: {  	s6 =	sld [smem:$0x3FFC];
	_ =	sdelay $0x3  }
0x97: {  	_ =	strace s6  }
0x98: {  	s6 =	sld [smem:$0x3FFD];
	_ =	sdelay $0x3  }
0x99: {  	_ =	strace s6  }
0x9a: {  	_ =	strace $0x8FFFFFFF  }
0x9b: {  	s20 =	sld [smem:$0x3FDB];
	_ =	sdelay $0x1  }
0x9c: {  	s7 =	simm.s32 $_scs_section_size  }
0x9d: {  	s8 =	simm.s32 $_size__tile_overlayer_lowered;
	s9 =	simm.s32 $_tile_overlayer_lowered  }
0x9e: {  	s23 =	simm.s32 $0x1BFF;
	s22 =	sshll.u32 s9, $0x1;
	s6 =	sadd.s32 s7, s20  }
0x9f: {  	s10 =	simm.s32 $0x0;
	s21 =	sshll.u32 s8, $0x1;
	s8 =	sadd.s32 s22, s6  }
0xa0: {  	[timem:s10], [sflag:s23] =	dma.local [hbm:s8], s21  }
0xa1: {  	_ =	swait.ge [sflag:s23], s21  }
0xa2: {  	s7 =	ssub.s32 $0x0, s21;
	[sflag:s23] =	ssyncset.done $0x0  }
0xa3: {  	[sflag:s23] =	ssyncadd.s32 s7;
	_ =	sdelay $0x1  }
0xa4: {  	s24 =	simm.s32 $0x1B8B  }
0xa5: {  	_ =	swait.ge [sflag:s24], $0x1  }
0xa6: {  	[sflag:s24] =	ssyncset.done $0x0  }
0xa7: {  	s25 =	simm.s32 $0x1B8E;
	[sflag:s24] =	ssyncadd.s32 $0xFFFFFFFF  }
0xa8: {  	s26 =	simm.s32 $execute0_lowered;
	[smem:$0x3FD2] =	sst s25  }
0xa9: {  	s7 =	sshll.u32 s26, $0x1;
	_ =	strace $0x80000046;
	[dreg:$0x1] =	wrdreg $0xFFFFFFFF  }
0xaa: {  	s28 =	simm.s32 $_size_execute0_lowered;
	s6 =	sadd.s32 s6, s7;
	[dreg:$0x0] =	wrdreg $0x0  }
0xab: {  	s7 =	sshll.u32 s28, $0x1;
	[dreg:$0x2] =	wrdreg s6  }
0xac: {  	[dreg:$0x3] =	wrdreg s7  }
0xad: {  	[dreg:$0x4] =	wrdreg $0xC0  }
0xae: {  	_ =	task [dreg:s10], $0x5FFFF  }
0xaf: {  	[dreg:$0x1] =	wrdreg $0xFFFFFFFF  }
0xb0: {  	[dreg:$0x0] =	wrdreg $0x60  }
0xb1: {  	[dreg:$0x2] =	wrdreg s2  }
0xb2: {  	[dreg:$0x3] =	wrdreg s19  }
0xb3: {  	[dreg:$0x4] =	wrdreg s4  }
0xb4: {  	[dreg:$0x5] =	wrdreg s5  }
0xb5: {  	[dreg:$0x6] =	wrdreg $0x9  }
0xb6: {  	_ =	task.clear_ibuf [dreg:s10], $0x7FFFF;
	_ =	strace $0x90000046  }
0xb7: {  	s29 =	simm.s32 $0x9;
	_ =	strace $0x80000048  }
0xb8: {  	_ =	swait.ge [sflag:s29], $0x1  }
0xb9: {  	[sflag:s29] =	ssyncadd.s32 $0xFFFFFFFF  }
0xba: {  	_ =	strace $0x90000048  }
0xbb: {  	_ =	sfence  }
0xbc: {  	s30 =	sld [smem:$0x0];
	_ =	sdelay $0x2  }
0xbd: {  	s31 =	sshll.u32 s1, $0xD;
	s1 =	sshrl.u32 s1, $0x2  }
0xbe: {  	s3 =	sand.u32 $0x4000, s31;
	s1 =	sadd.s32 s1, s30  }
0xbf: {  	s0 =	sor.u32 s3, s0;
	s1 =	sshll.u32 s1, $0x11  }
0xc0: {  	s0 =	sor.u32 s1, s0  }
0xc1: {  	s0 =	sadd.s32 $0x8F2B, s0  }
0xc2: {  	[sflag:s0] =	ssyncadd.remote.s32 $0x1  }
0xc3: {  	_ =	sfence.sel $0xFFFF  }
0xc4: {  	[dreg:$0x0] =	wrdreg $0xFFFFFFFF;
	(pc) =	sbr.abs _section_cstart, $3  }
0xc5: {  	[dreg:$0x1] =	wrdreg $0xFFFFFFFF  }
0xc6: {  	_ =	task.clear_ibuf [dreg:s10], $0x2FFFF;
	_ =	strace $0x9FFFFFFF  }
0xc7: {  	(tm) =	ssettm $0x7FFFFFFF  }
tec
execute0_lowered:
.L_overlay_start_1:
0x0: {  	(tag) =	ssettag $0x1  }
0x1: {  	s1 =	rddreg [dreg:$0x0]  }
0x2: {  	s0 =	rddreg [dreg:$0x1]  }
0x3: {  	s2 =	srdreg.scid;
	s3 =	rddreg [dreg:$0x2]  }
0x4: {  	s4 =	stileid.u32;
	s10 =	rddreg [dreg:$0x3];
	s6 =	simm.s32 $0x0  }
0x5: {  	s30 =	simm.s32 $0xC400;
	s12 =	simm.s32 $0x8C00;
	s13 =	simm.s32 $0x9400  }
0x6: {  	s14 =	simm.s32 $0x9C00;
	s16 =	simm.s32 $0xAC00;
	s17 =	simm.s32 $0xBC00  }
0x7: {  	s18 =	simm.s32 $0x12400;
	s19 =	simm.s32 $0x1;
	s20 =	simm.s32 $0x3  }
0x8: {  	s21 =	simm.s32 $0x2;
	s22 =	simm.s32 $0x4;
	s2 =	sand.u32 $0x1, s2  }
0x9: {  	s23 =	simm.s32 $0x5;
	s4 =	sshll.u32 s4, $0xB;
	s5 =	sshll.u32 s2, $0xA  }
0xa: {  	s24 =	simm.s32 $0x6;
	[smem:$0x7FF] =	sst s6;
	s5 =	sor.u32 s5, s4  }
0xb: {  	s8 =	sadd.s32 $0x100, s3;
	s2 =	ssub.s32 $0x2, s2;
	s4 =	sshrl.u32 s5, $0x3  }
0xc: {  	s15 =	sadd.s32 $0xC00, s10;
	s7 =	sshrl.u32 s2, $0x1;
	s9 =	smul.u32 $0x1800, s4  }
0xd: {  	s2 =	ssub.s32 s2, s7;
	s25 =	smul.u32 $0x300, s4;
	s0 =	sadd.s32 s0, s4  }
0xe: {  	_ =	strace $0x80000047;
	s31 =	smax.u32 s2, $0x1;
	[dreg:$0x5] =	wrdreg s0  }
0xf: {  	[dreg:$0xa] =	wrdreg s31;
	s26 =	sshrl.u32 s9, $0x3;
	s28 =	sadd.s32 s1, s25  }
0x10: {  	s0 =	sadd.s32 s10, s26;
	[dreg:$0x6] =	wrdreg s28;
	s4 =	sadd.s32 $0xC00, s28  }
0x11: {  	v2 =	vlaneseq.u32;
	s2 =	simm.s32 $0x0;
	[dreg:$0x7] =	wrdreg s4;
	s29 =	sadd.s32 $0x16800, s0  }
0x12: {  	vm0 =	vmmov $0xffff;
	v1 =	vshrl.u32 v2, $0x3;
	s9 =	sadd.s32 $0x200, s3;
	s0 =	sadd.s32 $0x17400, s0;
	[dreg:$0x8] =	wrdreg s29  }
0x13: {  	v0 =	vand.u32 $0x7, v2;
	v2 =	vor.u32 $0x8, v2;
	v1 =	vmul.u32 $0x8, v1;
	s10 =	simm.s32 $0xA400;
	s4 =	simm.s32 $0xB400;
	[dreg:$0x9] =	wrdreg s0  }
.LBB2_1:
0x14: {  	[dreg:$0xb] =	wrdreg s2  }
0x15: {  	s0 =	rddreg [dreg:$0x5];
	s26 =	simm.s32 $0x7  }
0x16: {  	[tilespmem:s6], [sflag:$0x7] =	stream.linear.gather [hbm4b:s0+s6], $0x400, $0x38;
	[tilespmem:$0x18400] =	vst v63  }
0x17: {  	_ =	swait.ge [sflag:s26], $0x400  }
0x18: {  	[sflag:s26] =	ssyncset.done $0x0  }
0x19: {  	[sflag:s26] =	ssyncadd.s32 $0xFFFFFC00  }
0x1a: {  	v3 =	vld [tilespmem:$0x0];
	_ =	sdelay $0x4  }
0x1b: {  	v4 =	vshrl.u32 v3, $0x3  }
0x1c: {  	v4 =	vmul.u32 $0x30, v4  }
0x1d: {  	v3 =	vand.u32 $0x7, v3  }
0x1e: {  	v3 =	vor.u32 v3, v4  }
0x1f: {  	v4 =	vperm.xlane v3, v0;
	_ =	sdelay $0x1  }
0x20: {  	v4 =	vadd.s32 v1, v4;
	_ =	sdelay $0x3  }
0x21: {  	s28 =	simm.s32 $0x400;
	v3 =	vperm.xlane v3, v2  }
0x22: {  	[tilespmem:s28], [sflag:$0x1] =	stream.indirect_vreg.gather [hbm4b:s3+s6], $0x80, v4, vm0, $0xb8;
	[tilespmem:$0x18400] =	vst v63  }
0x23: {  	s29 =	simm.s32 $0xC00;
	v3 =	vadd.s32 v1, v3  }
0x24: {  	[tilespmem:s29], [sflag:$0x1] =	stream.indirect_vreg.gather [hbm4b:s8+s6], $0x80, v4, vm0, $0xb8;
	[tilespmem:$0x18400] =	vst v63  }
0x25: {  	s31 =	simm.s32 $0x1400  }
0x26: {  	[tilespmem:s31], [sflag:$0x1] =	stream.indirect_vreg.gather [hbm4b:s9+s6], $0x80, v4, vm0, $0xb8;
	[tilespmem:$0x18400] =	vst v63  }
0x27: {  	s2 =	simm.s32 $0x1C00  }
0x28: {  	[tilespmem:s2], [sflag:$0x1] =	stream.indirect_vreg.gather [hbm4b:s3+s6], $0x80, v3, vm0, $0xb8;
	[tilespmem:$0x18400] =	vst v63  }
0x29: {  	s7 =	simm.s32 $0x2400  }
0x2a: {  	[tilespmem:s7], [sflag:$0x1] =	stream.indirect_vreg.gather [hbm4b:s8+s6], $0x80, v3, vm0, $0xb8;
	[tilespmem:$0x18400] =	vst v63  }
0x2b: {  	s11 =	simm.s32 $0x2C00  }
0x2c: {  	[tilespmem:s11], [sflag:$0x1] =	stream.indirect_vreg.gather [hbm4b:s9+s6], $0x80, v3, vm0, $0xb8;
	[tilespmem:$0x18400] =	vst v63  }
0x2d: {  	v3 =	vld [tilespmem:$0x10];
	_ =	sdelay $0x4  }
0x2e: {  	v61 =	vshrl.u32 v3, $0x3  }
0x2f: {  	v4 =	vmul.u32 $0x30, v61  }
0x30: {  	v3 =	vand.u32 $0x7, v3  }
0x31: {  	v3 =	vor.u32 v3, v4  }
0x32: {  	v4 =	vperm.xlane v3, v0;
	_ =	sdelay $0x1  }
0x33: {  	v4 =	vadd.s32 v1, v4;
	_ =	sdelay $0x3  }
0x34: {  	s25 =	simm.s32 $0x3400;
	v3 =	vperm.xlane v3, v2  }
0x35: {  	[tilespmem:s25], [sflag:$0x1] =	stream.indirect_vreg.gather [hbm4b:s3+s6], $0x80, v4, vm0, $0xb8;
	[tilespmem:$0x18400] =	vst v63  }
0x36: {  	s26 =	simm.s32 $0x3C00;
	v3 =	vadd.s32 v1, v3  }
0x37: {  	[tilespmem:s26], [sflag:$0x1] =	stream.indirect_vreg.gather [hbm4b:s8+s6], $0x80, v4, vm0, $0xb8;
	[tilespmem:$0x18400] =	vst v63  }
0x38: {  	s28 =	simm.s32 $0x4400  }
0x39: {  	[tilespmem:s28], [sflag:$0x1] =	stream.indirect_vreg.gather [hbm4b:s9+s6], $0x80, v4, vm0, $0xb8;
	[tilespmem:$0x18400] =	vst v63  }
0x3a: {  	s29 =	simm.s32 $0x4C00  }
0x3b: {  	[tilespmem:s29], [sflag:$0x1] =	stream.indirect_vreg.gather [hbm4b:s3+s6], $0x80, v3, vm0, $0xb8;
	[tilespmem:$0x18400] =	vst v63  }
0x3c: {  	s31 =	simm.s32 $0x5400  }
0x3d: {  	[tilespmem:s31], [sflag:$0x1] =	stream.indirect_vreg.gather [hbm4b:s8+s6], $0x80, v3, vm0, $0xb8;
	[tilespmem:$0x18400] =	vst v63  }
0x3e: {  	s2 =	simm.s32 $0x5C00  }
0x3f: {  	[tilespmem:s2], [sflag:$0x1] =	stream.indirect_vreg.gather [hbm4b:s9+s6], $0x80, v3, vm0, $0xb8;
	[tilespmem:$0x18400] =	vst v63  }
0x40: {  	s7 =	rddreg [dreg:$0x6]  }
0x41: {  	[tilespmem:s30], [sflag:$0x3] =	stream.linear.gather [hbm4b:s7+s6], $0x6000, $0x38;
	[tilespmem:$0x18400] =	vst v63  }
0x42: {  	v3 =	vld [tilespmem:$0x20];
	_ =	sdelay $0x4  }
0x43: {  	v62 =	vshrl.u32 v3, $0x3  }
0x44: {  	v4 =	vmul.u32 $0x30, v62  }
0x45: {  	v3 =	vand.u32 $0x7, v3  }
0x46: {  	v3 =	vor.u32 v3, v4  }
0x47: {  	v4 =	vperm.xlane v3, v0;
	_ =	sdelay $0x1  }
0x48: {  	v4 =	vadd.s32 v1, v4;
	_ =	sdelay $0x3  }
0x49: {  	s11 =	simm.s32 $0x6400;
	v3 =	vperm.xlane v3, v2  }
0x4a: {  	[tilespmem:s11], [sflag:$0x2] =	stream.indirect_vreg.gather [hbm4b:s3+s6], $0x80, v4, vm0, $0xb8;
	[tilespmem:$0x18400] =	vst v63  }
0x4b: {  	s25 =	simm.s32 $0x6C00;
	v3 =	vadd.s32 v1, v3  }
0x4c: {  	[tilespmem:s25], [sflag:$0x2] =	stream.indirect_vreg.gather [hbm4b:s8+s6], $0x80, v4, vm0, $0xb8;
	[tilespmem:$0x18400] =	vst v63  }
0x4d: {  	s26 =	simm.s32 $0x7400  }
0x4e: {  	[tilespmem:s26], [sflag:$0x2] =	stream.indirect_vreg.gather [hbm4b:s9+s6], $0x80, v4, vm0, $0xb8;
	[tilespmem:$0x18400] =	vst v63  }
0x4f: {  	s28 =	simm.s32 $0x7C00  }
0x50: {  	[tilespmem:s28], [sflag:$0x2] =	stream.indirect_vreg.gather [hbm4b:s3+s6], $0x80, v3, vm0, $0xb8;
	[tilespmem:$0x18400] =	vst v63  }
0x51: {  	s29 =	simm.s32 $0x8400  }
0x52: {  	[tilespmem:s29], [sflag:$0x2] =	stream.indirect_vreg.gather [hbm4b:s8+s6], $0x80, v3, vm0, $0xb8;
	[tilespmem:$0x18400] =	vst v63  }
0x53: {  	_ = 	snop  }
0x54: {  	[tilespmem:s12], [sflag:$0x2] =	stream.indirect_vreg.gather [hbm4b:s9+s6], $0x80, v3, vm0, $0xb8;
	[tilespmem:$0x18400] =	vst v63  }
0x55: {  	v3 =	vld [tilespmem:$0x30];
	_ =	sdelay $0x4  }
0x56: {  	v63 =	vshrl.u32 v3, $0x3  }
0x57: {  	v4 =	vmul.u32 $0x30, v63  }
0x58: {  	v3 =	vand.u32 $0x7, v3  }
0x59: {  	v3 =	vor.u32 v3, v4  }
0x5a: {  	v4 =	vperm.xlane v3, v0;
	_ =	sdelay $0x1  }
0x5b: {  	v4 =	vadd.s32 v1, v4;
	_ =	sdelay $0x3  }
0x5c: {  	v3 =	vperm.xlane v3, v2  }
0x5d: {  	[tilespmem:s13], [sflag:$0x2] =	stream.indirect_vreg.gather [hbm4b:s3+s6], $0x80, v4, vm0, $0xb8;
	[tilespmem:$0x18400] =	vst v63  }
0x5e: {  	v3 =	vadd.s32 v1, v3  }
0x5f: {  	[tilespmem:s14], [sflag:$0x2] =	stream.indirect_vreg.gather [hbm4b:s8+s6], $0x80, v4, vm0, $0xb8;
	[tilespmem:$0x18400] =	vst v63  }
0x60: {  	_ = 	snop  }
0x61: {  	[tilespmem:s10], [sflag:$0x2] =	stream.indirect_vreg.gather [hbm4b:s9+s6], $0x80, v4, vm0, $0xb8;
	[tilespmem:$0x18400] =	vst v63  }
0x62: {  	_ = 	snop  }
0x63: {  	[tilespmem:s16], [sflag:$0x2] =	stream.indirect_vreg.gather [hbm4b:s3+s6], $0x80, v3, vm0, $0xb8;
	[tilespmem:$0x18400] =	vst v63  }
0x64: {  	_ = 	snop  }
0x65: {  	[tilespmem:s4], [sflag:$0x2] =	stream.indirect_vreg.gather [hbm4b:s8+s6], $0x80, v3, vm0, $0xb8;
	[tilespmem:$0x18400] =	vst v63  }
0x66: {  	_ = 	snop  }
0x67: {  	[tilespmem:s17], [sflag:$0x2] =	stream.indirect_vreg.gather [hbm4b:s9+s6], $0x80, v3, vm0, $0xb8;
	[tilespmem:$0x18400] =	vst v63  }
0x68: {  	s31 =	rddreg [dreg:$0x7];
	s25 =	simm.s32 $0x0  }
0x69: {  	[tilespmem:s18], [sflag:$0x4] =	stream.linear.gather [hbm4b:s31+s6], $0x6000, $0x38;
	[tilespmem:$0x18400] =	vst v63  }
.LBB2_2:
0x6a: {  	_ =	swait.ge [sflag:s19], $0x6000  }
0x6b: {  	[sflag:s19] =	ssyncset.done $0x0  }
0x6c: {  	s0 =	simm.s32 $0x0;
	[sflag:s19] =	ssyncadd.s32 $0xFFFFA000  }
0x6d: {  	s26 =	simm.s32 $0x0;
	s0 =	smul.u32 $0x1800, s0;
	_ =	swait.ge [sflag:s20], $0x6000  }
0x6e: {  	s2 =	sand.u32 $0x380, s26;
	[sflag:s20] =	ssyncset.done $0x0  }
0x6f: {  	s2 =	sor.u32 s2, s0;
	[sflag:s20] =	ssyncadd.s32 $0xFFFFA000  }
0x70: {  	v3 =	vld [tilespmem:s2+$0x1870]  }
0x71: {  	v6 =	vld [tilespmem:s2+$0x400]  }
0x72: {  	v7 =	vld [tilespmem:s2+$0x410]  }
0x73: {  	v8 =	vld [tilespmem:s2+$0x420]  }
0x74: {  	v9 =	vld [tilespmem:s2+$0x430]  }
0x75: {  	v10 =	vld [tilespmem:s2+$0x440]  }
0x76: {  	v11 =	vld [tilespmem:s2+$0x450]  }
0x77: {  	v12 =	vld [tilespmem:s2+$0x460]  }
0x78: {  	v13 =	vld [tilespmem:s2+$0x470]  }
0x79: {  	v14 =	vld [tilespmem:s2+$0x800]  }
0x7a: {  	v15 =	vld [tilespmem:s2+$0x810]  }
0x7b: {  	v16 =	vld [tilespmem:s2+$0x820]  }
0x7c: {  	v17 =	vld [tilespmem:s2+$0x830]  }
0x7d: {  	v18 =	vld [tilespmem:s2+$0x840]  }
0x7e: {  	v19 =	vld [tilespmem:s2+$0x850]  }
0x7f: {  	v20 =	vld [tilespmem:s2+$0x860]  }
0x80: {  	v21 =	vld [tilespmem:s2+$0x870]  }
0x81: {  	v22 =	vld [tilespmem:s2+$0xC00]  }
0x82: {  	v23 =	vld [tilespmem:s2+$0xC10]  }
0x83: {  	v24 =	vld [tilespmem:s2+$0xC20]  }
0x84: {  	v25 =	vld [tilespmem:s2+$0xC30]  }
0x85: {  	v26 =	vld [tilespmem:s2+$0xC40]  }
0x86: {  	v27 =	vld [tilespmem:s2+$0xC50]  }
0x87: {  	v28 =	vld [tilespmem:s2+$0xC60]  }
0x88: {  	v29 =	vld [tilespmem:s2+$0xC70]  }
0x89: {  	v30 =	vld [tilespmem:s2+$0x1000]  }
0x8a: {  	v31 =	vld [tilespmem:s2+$0x1010]  }
0x8b: {  	v32 =	vld [tilespmem:s2+$0x1020]  }
0x8c: {  	v33 =	vld [tilespmem:s2+$0x1030]  }
0x8d: {  	v34 =	vld [tilespmem:s2+$0x1040]  }
0x8e: {  	v35 =	vld [tilespmem:s2+$0x1050]  }
0x8f: {  	v36 =	vld [tilespmem:s2+$0x1060]  }
0x90: {  	v37 =	vld [tilespmem:s2+$0x1070]  }
0x91: {  	v38 =	vld [tilespmem:s2+$0x1400]  }
0x92: {  	v39 =	vld [tilespmem:s2+$0x1410]  }
0x93: {  	v40 =	vld [tilespmem:s2+$0x1420]  }
0x94: {  	v41 =	vld [tilespmem:s2+$0x1430]  }
0x95: {  	v42 =	vld [tilespmem:s2+$0x1440]  }
0x96: {  	v43 =	vld [tilespmem:s2+$0x1450]  }
0x97: {  	v44 =	vld [tilespmem:s2+$0x1460]  }
0x98: {  	v45 =	vld [tilespmem:s2+$0x1470]  }
0x99: {  	v46 =	vld [tilespmem:s2+$0x1800]  }
0x9a: {  	v47 =	vld [tilespmem:s2+$0x1810]  }
0x9b: {  	v48 =	vld [tilespmem:s2+$0x1820]  }
0x9c: {  	v49 =	vld [tilespmem:s2+$0x1830]  }
0x9d: {  	v5 =	vld [tilespmem:s2+$0x1840]  }
0x9e: {  	v4 =	vld [tilespmem:s2+$0x1850]  }
0x9f: {  	[tilespmem:s2+$0xD870] =	vst.add.f32.msk $0xffff, v3  }
0xa0: {  	v3 =	vld [tilespmem:s2+$0x1860]  }
0xa1: {  	[tilespmem:s2+$0xC400] =	vst.add.f32.msk $0xffff, v6  }
0xa2: {  	[tilespmem:s2+$0xC410] =	vst.add.f32.msk $0xffff, v7  }
0xa3: {  	[tilespmem:s2+$0xC420] =	vst.add.f32.msk $0xffff, v8  }
0xa4: {  	[tilespmem:s2+$0xC430] =	vst.add.f32.msk $0xffff, v9  }
0xa5: {  	[tilespmem:s2+$0xC440] =	vst.add.f32.msk $0xffff, v10  }
0xa6: {  	[tilespmem:s2+$0xC450] =	vst.add.f32.msk $0xffff, v11  }
0xa7: {  	[tilespmem:s2+$0xC460] =	vst.add.f32.msk $0xffff, v12  }
0xa8: {  	[tilespmem:s2+$0xC470] =	vst.add.f32.msk $0xffff, v13  }
0xa9: {  	[tilespmem:s2+$0xC800] =	vst.add.f32.msk $0xffff, v14  }
0xaa: {  	[tilespmem:s2+$0xC810] =	vst.add.f32.msk $0xffff, v15  }
0xab: {  	[tilespmem:s2+$0xC820] =	vst.add.f32.msk $0xffff, v16  }
0xac: {  	[tilespmem:s2+$0xC830] =	vst.add.f32.msk $0xffff, v17  }
0xad: {  	[tilespmem:s2+$0xC840] =	vst.add.f32.msk $0xffff, v18  }
0xae: {  	[tilespmem:s2+$0xC850] =	vst.add.f32.msk $0xffff, v19  }
0xaf: {  	[tilespmem:s2+$0xC860] =	vst.add.f32.msk $0xffff, v20  }
0xb0: {  	[tilespmem:s2+$0xC870] =	vst.add.f32.msk $0xffff, v21  }
0xb1: {  	[tilespmem:s2+$0xCC00] =	vst.add.f32.msk $0xffff, v22  }
0xb2: {  	[tilespmem:s2+$0xCC10] =	vst.add.f32.msk $0xffff, v23  }
0xb3: {  	[tilespmem:s2+$0xCC20] =	vst.add.f32.msk $0xffff, v24  }
0xb4: {  	[tilespmem:s2+$0xCC30] =	vst.add.f32.msk $0xffff, v25  }
0xb5: {  	[tilespmem:s2+$0xCC40] =	vst.add.f32.msk $0xffff, v26  }
0xb6: {  	[tilespmem:s2+$0xCC50] =	vst.add.f32.msk $0xffff, v27  }
0xb7: {  	[tilespmem:s2+$0xCC60] =	vst.add.f32.msk $0xffff, v28  }
0xb8: {  	[tilespmem:s2+$0xCC70] =	vst.add.f32.msk $0xffff, v29  }
0xb9: {  	[tilespmem:s2+$0xD000] =	vst.add.f32.msk $0xffff, v30  }
0xba: {  	[tilespmem:s2+$0xD010] =	vst.add.f32.msk $0xffff, v31  }
0xbb: {  	[tilespmem:s2+$0xD020] =	vst.add.f32.msk $0xffff, v32  }
0xbc: {  	[tilespmem:s2+$0xD030] =	vst.add.f32.msk $0xffff, v33  }
0xbd: {  	[tilespmem:s2+$0xD040] =	vst.add.f32.msk $0xffff, v34  }
0xbe: {  	[tilespmem:s2+$0xD050] =	vst.add.f32.msk $0xffff, v35  }
0xbf: {  	[tilespmem:s2+$0xD060] =	vst.add.f32.msk $0xffff, v36  }
0xc0: {  	[tilespmem:s2+$0xD070] =	vst.add.f32.msk $0xffff, v37  }
0xc1: {  	[tilespmem:s2+$0xD400] =	vst.add.f32.msk $0xffff, v38  }
0xc2: {  	[tilespmem:s2+$0xD410] =	vst.add.f32.msk $0xffff, v39  }
0xc3: {  	[tilespmem:s2+$0xD420] =	vst.add.f32.msk $0xffff, v40  }
0xc4: {  	[tilespmem:s2+$0xD430] =	vst.add.f32.msk $0xffff, v41  }
0xc5: {  	[tilespmem:s2+$0xD440] =	vst.add.f32.msk $0xffff, v42  }
0xc6: {  	[tilespmem:s2+$0xD450] =	vst.add.f32.msk $0xffff, v43  }
0xc7: {  	[tilespmem:s2+$0xD460] =	vst.add.f32.msk $0xffff, v44  }
0xc8: {  	[tilespmem:s2+$0xD470] =	vst.add.f32.msk $0xffff, v45  }
0xc9: {  	[tilespmem:s2+$0xD800] =	vst.add.f32.msk $0xffff, v46  }
0xca: {  	[tilespmem:s2+$0xD810] =	vst.add.f32.msk $0xffff, v47  }
0xcb: {  	[tilespmem:s2+$0xD820] =	vst.add.f32.msk $0xffff, v48  }
0xcc: {  	s28 =	simm.s32 $0x2;
	s0 =	simm.s32 $0x0;
	[tilespmem:s2+$0xD830] =	vst.add.f32.msk $0xffff, v49  }
.LBB2_3:
0xcd: {  	p0 =	sne.s32 s28, $0x1F;
	s0 =	smul.u32 $0x1800, s0;
	[tilespmem:s2+$0xD840] =	vst.add.f32.msk $0xffff, v5;
	s26 =	sadd.s32 $0x80, s26  }
0xce: {  	s7 =	sand.u32 $0x380, s26;
	[tilespmem:s2+$0xD850] =	vst.add.f32.msk $0xffff, v4  }
0xcf: {  	[tilespmem:s2+$0xD860] =	vst.add.f32.msk $0xffff, v3;
	s2 =	sor.u32 s7, s0  }
0xd0: {  	v3 =	vld [tilespmem:s2+$0x1870]  }
0xd1: {  	v6 =	vld [tilespmem:s2+$0x400]  }
0xd2: {  	v7 =	vld [tilespmem:s2+$0x410]  }
0xd3: {  	v8 =	vld [tilespmem:s2+$0x420]  }
0xd4: {  	v9 =	vld [tilespmem:s2+$0x430]  }
0xd5: {  	[tilespmem:s2+$0xD870] =	vst.add.f32.msk $0xffff, v3  }
0xd6: {  	v10 =	vld [tilespmem:s2+$0x440]  }
0xd7: {  	v11 =	vld [tilespmem:s2+$0x450]  }
0xd8: {  	v12 =	vld [tilespmem:s2+$0x460]  }
0xd9: {  	v13 =	vld [tilespmem:s2+$0x470]  }
0xda: {  	v14 =	vld [tilespmem:s2+$0x800]  }
0xdb: {  	v15 =	vld [tilespmem:s2+$0x810]  }
0xdc: {  	v16 =	vld [tilespmem:s2+$0x820]  }
0xdd: {  	v17 =	vld [tilespmem:s2+$0x830]  }
0xde: {  	v18 =	vld [tilespmem:s2+$0x840]  }
0xdf: {  	v19 =	vld [tilespmem:s2+$0x850]  }
0xe0: {  	v20 =	vld [tilespmem:s2+$0x860]  }
0xe1: {  	v21 =	vld [tilespmem:s2+$0x870]  }
0xe2: {  	v22 =	vld [tilespmem:s2+$0xC00]  }
0xe3: {  	v23 =	vld [tilespmem:s2+$0xC10]  }
0xe4: {  	v24 =	vld [tilespmem:s2+$0xC20]  }
0xe5: {  	v25 =	vld [tilespmem:s2+$0xC30]  }
0xe6: {  	v26 =	vld [tilespmem:s2+$0xC40]  }
0xe7: {  	v27 =	vld [tilespmem:s2+$0xC50]  }
0xe8: {  	v28 =	vld [tilespmem:s2+$0xC60]  }
0xe9: {  	v29 =	vld [tilespmem:s2+$0xC70]  }
0xea: {  	v30 =	vld [tilespmem:s2+$0x1000]  }
0xeb: {  	v31 =	vld [tilespmem:s2+$0x1010]  }
0xec: {  	v32 =	vld [tilespmem:s2+$0x1020]  }
0xed: {  	v33 =	vld [tilespmem:s2+$0x1030]  }
0xee: {  	v34 =	vld [tilespmem:s2+$0x1040]  }
0xef: {  	v35 =	vld [tilespmem:s2+$0x1050]  }
0xf0: {  	v36 =	vld [tilespmem:s2+$0x1060]  }
0xf1: {  	v37 =	vld [tilespmem:s2+$0x1070]  }
0xf2: {  	v38 =	vld [tilespmem:s2+$0x1400]  }
0xf3: {  	v39 =	vld [tilespmem:s2+$0x1410]  }
0xf4: {  	v40 =	vld [tilespmem:s2+$0x1420]  }
0xf5: {  	v41 =	vld [tilespmem:s2+$0x1430]  }
0xf6: {  	v42 =	vld [tilespmem:s2+$0x1440]  }
0xf7: {  	v43 =	vld [tilespmem:s2+$0x1450]  }
0xf8: {  	v44 =	vld [tilespmem:s2+$0x1460]  }
0xf9: {  	v45 =	vld [tilespmem:s2+$0x1470]  }
0xfa: {  	v46 =	vld [tilespmem:s2+$0x1800]  }
0xfb: {  	v47 =	vld [tilespmem:s2+$0x1810]  }
0xfc: {  	v48 =	vld [tilespmem:s2+$0x1820]  }
0xfd: {  	v49 =	vld [tilespmem:s2+$0x1830]  }
0xfe: {  	v5 =	vld [tilespmem:s2+$0x1840]  }
0xff: {  	v4 =	vld [tilespmem:s2+$0x1850]  }
0x100: {  	v3 =	vld [tilespmem:s2+$0x1860]  }
0x101: {  	[tilespmem:s2+$0xC400] =	vst.add.f32.msk $0xffff, v6  }
0x102: {  	[tilespmem:s2+$0xC410] =	vst.add.f32.msk $0xffff, v7  }
0x103: {  	[tilespmem:s2+$0xC420] =	vst.add.f32.msk $0xffff, v8  }
0x104: {  	[tilespmem:s2+$0xC430] =	vst.add.f32.msk $0xffff, v9  }
0x105: {  	[tilespmem:s2+$0xC440] =	vst.add.f32.msk $0xffff, v10  }
0x106: {  	[tilespmem:s2+$0xC450] =	vst.add.f32.msk $0xffff, v11  }
0x107: {  	[tilespmem:s2+$0xC460] =	vst.add.f32.msk $0xffff, v12  }
0x108: {  	[tilespmem:s2+$0xC470] =	vst.add.f32.msk $0xffff, v13  }
0x109: {  	[tilespmem:s2+$0xC800] =	vst.add.f32.msk $0xffff, v14  }
0x10a: {  	[tilespmem:s2+$0xC810] =	vst.add.f32.msk $0xffff, v15  }
0x10b: {  	[tilespmem:s2+$0xC820] =	vst.add.f32.msk $0xffff, v16  }
0x10c: {  	[tilespmem:s2+$0xC830] =	vst.add.f32.msk $0xffff, v17  }
0x10d: {  	[tilespmem:s2+$0xC840] =	vst.add.f32.msk $0xffff, v18  }
0x10e: {  	[tilespmem:s2+$0xC850] =	vst.add.f32.msk $0xffff, v19  }
0x10f: {  	[tilespmem:s2+$0xC860] =	vst.add.f32.msk $0xffff, v20  }
0x110: {  	[tilespmem:s2+$0xC870] =	vst.add.f32.msk $0xffff, v21  }
0x111: {  	[tilespmem:s2+$0xCC00] =	vst.add.f32.msk $0xffff, v22  }
0x112: {  	[tilespmem:s2+$0xCC10] =	vst.add.f32.msk $0xffff, v23  }
0x113: {  	[tilespmem:s2+$0xCC20] =	vst.add.f32.msk $0xffff, v24  }
0x114: {  	[tilespmem:s2+$0xCC30] =	vst.add.f32.msk $0xffff, v25  }
0x115: {  	[tilespmem:s2+$0xCC40] =	vst.add.f32.msk $0xffff, v26  }
0x116: {  	[tilespmem:s2+$0xCC50] =	vst.add.f32.msk $0xffff, v27  }
0x117: {  	[tilespmem:s2+$0xCC60] =	vst.add.f32.msk $0xffff, v28  }
0x118: {  	[tilespmem:s2+$0xCC70] =	vst.add.f32.msk $0xffff, v29  }
0x119: {  	[tilespmem:s2+$0xD000] =	vst.add.f32.msk $0xffff, v30  }
0x11a: {  	[tilespmem:s2+$0xD010] =	vst.add.f32.msk $0xffff, v31  }
0x11b: {  	[tilespmem:s2+$0xD020] =	vst.add.f32.msk $0xffff, v32  }
0x11c: {  	[tilespmem:s2+$0xD030] =	vst.add.f32.msk $0xffff, v33  }
0x11d: {  	[tilespmem:s2+$0xD040] =	vst.add.f32.msk $0xffff, v34  }
0x11e: {  	[tilespmem:s2+$0xD050] =	vst.add.f32.msk $0xffff, v35  }
0x11f: {  	[tilespmem:s2+$0xD060] =	vst.add.f32.msk $0xffff, v36  }
0x120: {  	[tilespmem:s2+$0xD070] =	vst.add.f32.msk $0xffff, v37  }
0x121: {  	[tilespmem:s2+$0xD400] =	vst.add.f32.msk $0xffff, v38  }
0x122: {  	[tilespmem:s2+$0xD410] =	vst.add.f32.msk $0xffff, v39  }
0x123: {  	[tilespmem:s2+$0xD420] =	vst.add.f32.msk $0xffff, v40  }
0x124: {  	[tilespmem:s2+$0xD430] =	vst.add.f32.msk $0xffff, v41  }
0x125: {  	[tilespmem:s2+$0xD440] =	vst.add.f32.msk $0xffff, v42  }
0x126: {  	[tilespmem:s2+$0xD450] =	vst.add.f32.msk $0xffff, v43  }
0x127: {  	[tilespmem:s2+$0xD460] =	vst.add.f32.msk $0xffff, v44  }
.Ltmp0:
0x128: {  	[tilespmem:s2+$0xD470] =	vst.add.f32.msk $0xffff, v45;
	(pc) =	sbr.rel @p0 .LBB2_3-.Ltmp0, $4  }
0x129: {  	[tilespmem:s2+$0xD800] =	vst.add.f32.msk $0xffff, v46  }
0x12a: {  	[tilespmem:s2+$0xD810] =	vst.add.f32.msk $0xffff, v47  }
0x12b: {  	[tilespmem:s2+$0xD820] =	vst.add.f32.msk $0xffff, v48  }
0x12c: {  	s0 =	sshrl.u32 s28, $0x3;
	s28 =	sadd.s32 $0x1, s28;
	[tilespmem:s2+$0xD830] =	vst.add.f32.msk $0xffff, v49  }
0x12d: {  	s0 =	smul.u32 $0x1800, s0;
	[tilespmem:s2+$0xD840] =	vst.add.f32.msk $0xffff, v5;
	s7 =	sadd.s32 $0x80, s26  }
0x12e: {  	[tilespmem:s2+$0xD850] =	vst.add.f32.msk $0xffff, v4;
	s7 =	sand.u32 $0x380, s7  }
0x12f: {  	[tilespmem:s2+$0xD860] =	vst.add.f32.msk $0xffff, v3;
	s0 =	sor.u32 s7, s0  }
0x130: {  	v3 =	vld [tilespmem:s0+$0x1870]  }
0x131: {  	v4 =	vld [tilespmem:s0+$0x400]  }
0x132: {  	v5 =	vld [tilespmem:s0+$0x410]  }
0x133: {  	v6 =	vld [tilespmem:s0+$0x420]  }
0x134: {  	v7 =	vld [tilespmem:s0+$0x430]  }
0x135: {  	v8 =	vld [tilespmem:s0+$0x450]  }
0x136: {  	v9 =	vld [tilespmem:s0+$0x460]  }
0x137: {  	v10 =	vld [tilespmem:s0+$0x470]  }
0x138: {  	v11 =	vld [tilespmem:s0+$0x800]  }
0x139: {  	v12 =	vld [tilespmem:s0+$0x810]  }
0x13a: {  	v13 =	vld [tilespmem:s0+$0x820]  }
0x13b: {  	v14 =	vld [tilespmem:s0+$0x830]  }
0x13c: {  	v15 =	vld [tilespmem:s0+$0x840]  }
0x13d: {  	v16 =	vld [tilespmem:s0+$0x850]  }
0x13e: {  	v17 =	vld [tilespmem:s0+$0x860]  }
0x13f: {  	v18 =	vld [tilespmem:s0+$0x870]  }
0x140: {  	v19 =	vld [tilespmem:s0+$0xC00]  }
0x141: {  	v20 =	vld [tilespmem:s0+$0xC10]  }
0x142: {  	v21 =	vld [tilespmem:s0+$0xC20]  }
0x143: {  	v22 =	vld [tilespmem:s0+$0xC30]  }
0x144: {  	v23 =	vld [tilespmem:s0+$0xC40]  }
0x145: {  	v24 =	vld [tilespmem:s0+$0xC50]  }
0x146: {  	v25 =	vld [tilespmem:s0+$0xC60]  }
0x147: {  	v26 =	vld [tilespmem:s0+$0xC70]  }
0x148: {  	v27 =	vld [tilespmem:s0+$0x1000]  }
0x149: {  	v28 =	vld [tilespmem:s0+$0x1010]  }
0x14a: {  	v29 =	vld [tilespmem:s0+$0x1020]  }
0x14b: {  	v30 =	vld [tilespmem:s0+$0x1030]  }
0x14c: {  	v31 =	vld [tilespmem:s0+$0x1040]  }
0x14d: {  	v32 =	vld [tilespmem:s0+$0x1050]  }
0x14e: {  	v33 =	vld [tilespmem:s0+$0x1060]  }
0x14f: {  	v34 =	vld [tilespmem:s0+$0x1070]  }
0x150: {  	v35 =	vld [tilespmem:s0+$0x1400]  }
0x151: {  	v36 =	vld [tilespmem:s0+$0x1410]  }
0x152: {  	v37 =	vld [tilespmem:s0+$0x1420]  }
0x153: {  	v38 =	vld [tilespmem:s0+$0x1430]  }
0x154: {  	v39 =	vld [tilespmem:s0+$0x1440]  }
0x155: {  	v40 =	vld [tilespmem:s0+$0x1450]  }
0x156: {  	v41 =	vld [tilespmem:s0+$0x1460]  }
0x157: {  	v42 =	vld [tilespmem:s0+$0x1470]  }
0x158: {  	v43 =	vld [tilespmem:s0+$0x1800]  }
0x159: {  	v44 =	vld [tilespmem:s0+$0x1810]  }
0x15a: {  	v45 =	vld [tilespmem:s0+$0x1820]  }
0x15b: {  	v46 =	vld [tilespmem:s0+$0x1830]  }
0x15c: {  	v47 =	vld [tilespmem:s0+$0x1840]  }
0x15d: {  	v48 =	vld [tilespmem:s0+$0x1850]  }
0x15e: {  	v49 =	vld [tilespmem:s0+$0x1860]  }
0x15f: {  	[tilespmem:s0+$0xD870] =	vst.add.f32.msk $0xffff, v3  }
0x160: {  	v3 =	vld [tilespmem:s0+$0x440]  }
0x161: {  	[tilespmem:s0+$0xC400] =	vst.add.f32.msk $0xffff, v4  }
0x162: {  	[tilespmem:s0+$0xC410] =	vst.add.f32.msk $0xffff, v5  }
0x163: {  	[tilespmem:s0+$0xC420] =	vst.add.f32.msk $0xffff, v6  }
0x164: {  	[tilespmem:s0+$0xC430] =	vst.add.f32.msk $0xffff, v7  }
0x165: {  	[tilespmem:s0+$0xC450] =	vst.add.f32.msk $0xffff, v8  }
0x166: {  	[tilespmem:s0+$0xC460] =	vst.add.f32.msk $0xffff, v9  }
0x167: {  	[tilespmem:s0+$0xC470] =	vst.add.f32.msk $0xffff, v10  }
0x168: {  	[tilespmem:s0+$0xC800] =	vst.add.f32.msk $0xffff, v11  }
0x169: {  	[tilespmem:s0+$0xC810] =	vst.add.f32.msk $0xffff, v12  }
0x16a: {  	[tilespmem:s0+$0xC820] =	vst.add.f32.msk $0xffff, v13  }
0x16b: {  	[tilespmem:s0+$0xC830] =	vst.add.f32.msk $0xffff, v14  }
0x16c: {  	[tilespmem:s0+$0xC840] =	vst.add.f32.msk $0xffff, v15  }
0x16d: {  	[tilespmem:s0+$0xC850] =	vst.add.f32.msk $0xffff, v16  }
0x16e: {  	[tilespmem:s0+$0xC860] =	vst.add.f32.msk $0xffff, v17  }
0x16f: {  	[tilespmem:s0+$0xC870] =	vst.add.f32.msk $0xffff, v18  }
0x170: {  	[tilespmem:s0+$0xCC00] =	vst.add.f32.msk $0xffff, v19  }
0x171: {  	[tilespmem:s0+$0xCC10] =	vst.add.f32.msk $0xffff, v20  }
0x172: {  	[tilespmem:s0+$0xCC20] =	vst.add.f32.msk $0xffff, v21  }
0x173: {  	[tilespmem:s0+$0xCC30] =	vst.add.f32.msk $0xffff, v22  }
0x174: {  	[tilespmem:s0+$0xCC40] =	vst.add.f32.msk $0xffff, v23  }
0x175: {  	[tilespmem:s0+$0xCC50] =	vst.add.f32.msk $0xffff, v24  }
0x176: {  	[tilespmem:s0+$0xCC60] =	vst.add.f32.msk $0xffff, v25  }
0x177: {  	[tilespmem:s0+$0xCC70] =	vst.add.f32.msk $0xffff, v26  }
0x178: {  	[tilespmem:s0+$0xD000] =	vst.add.f32.msk $0xffff, v27  }
0x179: {  	[tilespmem:s0+$0xD010] =	vst.add.f32.msk $0xffff, v28  }
0x17a: {  	[tilespmem:s0+$0xD020] =	vst.add.f32.msk $0xffff, v29  }
0x17b: {  	[tilespmem:s0+$0xD030] =	vst.add.f32.msk $0xffff, v30  }
0x17c: {  	[tilespmem:s0+$0xD040] =	vst.add.f32.msk $0xffff, v31  }
0x17d: {  	[tilespmem:s0+$0xD050] =	vst.add.f32.msk $0xffff, v32  }
0x17e: {  	[tilespmem:s0+$0xD060] =	vst.add.f32.msk $0xffff, v33  }
0x17f: {  	[tilespmem:s0+$0xD070] =	vst.add.f32.msk $0xffff, v34  }
0x180: {  	[tilespmem:s0+$0xD400] =	vst.add.f32.msk $0xffff, v35  }
0x181: {  	[tilespmem:s0+$0xD410] =	vst.add.f32.msk $0xffff, v36  }
0x182: {  	[tilespmem:s0+$0xD420] =	vst.add.f32.msk $0xffff, v37  }
0x183: {  	[tilespmem:s0+$0xD430] =	vst.add.f32.msk $0xffff, v38  }
0x184: {  	[tilespmem:s0+$0xD440] =	vst.add.f32.msk $0xffff, v39  }
0x185: {  	[tilespmem:s0+$0xD450] =	vst.add.f32.msk $0xffff, v40  }
0x186: {  	[tilespmem:s0+$0xD460] =	vst.add.f32.msk $0xffff, v41  }
0x187: {  	[tilespmem:s0+$0xD470] =	vst.add.f32.msk $0xffff, v42  }
0x188: {  	[tilespmem:s0+$0xD800] =	vst.add.f32.msk $0xffff, v43  }
0x189: {  	[tilespmem:s0+$0xD810] =	vst.add.f32.msk $0xffff, v44  }
0x18a: {  	[tilespmem:s0+$0xD820] =	vst.add.f32.msk $0xffff, v45  }
0x18b: {  	[tilespmem:s0+$0xD830] =	vst.add.f32.msk $0xffff, v46  }
0x18c: {  	[tilespmem:s0+$0xD840] =	vst.add.f32.msk $0xffff, v47  }
0x18d: {  	[tilespmem:s0+$0xD850] =	vst.add.f32.msk $0xffff, v48  }
0x18e: {  	[tilespmem:s0+$0xD860] =	vst.add.f32.msk $0xffff, v49  }
0x18f: {  	s26 =	sshll.u32 s25, $0x6;
	[tilespmem:s0+$0xC440] =	vst.add.f32.msk $0xffff, v3  }
0x190: {  	v3 =	vld [tilespmem:s26+$0x40];
	_ =	sdelay $0x4  }
0x191: {  	v4 =	vshrl.u32 v3, $0x3  }
0x192: {  	v4 =	vmul.u32 $0x30, v4  }
0x193: {  	v3 =	vand.u32 $0x7, v3  }
0x194: {  	v3 =	vor.u32 v3, v4  }
0x195: {  	v4 =	vperm.xlane v3, v0;
	_ =	sdelay $0x1  }
0x196: {  	v4 =	vadd.s32 v1, v4;
	_ =	sdelay $0x3  }
0x197: {  	s31 =	simm.s32 $0x0;
	s7 =	simm.s32 $0x400;
	v3 =	vperm.xlane v3, v2  }
0x198: {  	[tilespmem:s7], [sflag:$0x1] =	stream.indirect_vreg.gather [hbm4b:s3+s31], $0x80, v4, vm0, $0xb8;
	[tilespmem:$0x18400] =	vst v63  }
0x199: {  	s11 =	simm.s32 $0xC00;
	v3 =	vadd.s32 v1, v3  }
0x19a: {  	[tilespmem:s11], [sflag:$0x1] =	stream.indirect_vreg.gather [hbm4b:s8+s31], $0x80, v4, vm0, $0xb8;
	[tilespmem:$0x18400] =	vst v63  }
0x19b: {  	s2 =	simm.s32 $0x1400  }
0x19c: {  	[tilespmem:s2], [sflag:$0x1] =	stream.indirect_vreg.gather [hbm4b:s9+s31], $0x80, v4, vm0, $0xb8;
	[tilespmem:$0x18400] =	vst v63  }
0x19d: {  	s7 =	simm.s32 $0x1C00  }
0x19e: {  	[tilespmem:s7], [sflag:$0x1] =	stream.indirect_vreg.gather [hbm4b:s3+s31], $0x80, v3, vm0, $0xb8;
	[tilespmem:$0x18400] =	vst v63  }
0x19f: {  	s11 =	simm.s32 $0x2400  }
0x1a0: {  	[tilespmem:s11], [sflag:$0x1] =	stream.indirect_vreg.gather [hbm4b:s8+s31], $0x80, v3, vm0, $0xb8;
	[tilespmem:$0x18400] =	vst v63  }
0x1a1: {  	s2 =	simm.s32 $0x2C00  }
0x1a2: {  	[tilespmem:s2], [sflag:$0x1] =	stream.indirect_vreg.gather [hbm4b:s9+s31], $0x80, v3, vm0, $0xb8;
	[tilespmem:$0x18400] =	vst v63  }
0x1a3: {  	v3 =	vld [tilespmem:s26+$0x50];
	_ =	sdelay $0x4  }
0x1a4: {  	v4 =	vshrl.u32 v3, $0x3  }
0x1a5: {  	v4 =	vmul.u32 $0x30, v4  }
0x1a6: {  	v3 =	vand.u32 $0x7, v3  }
0x1a7: {  	v3 =	vor.u32 v3, v4  }
0x1a8: {  	v4 =	vperm.xlane v3, v0;
	_ =	sdelay $0x1  }
0x1a9: {  	v4 =	vadd.s32 v1, v4;
	_ =	sdelay $0x3  }
0x1aa: {  	s7 =	simm.s32 $0x3400;
	v3 =	vperm.xlane v3, v2  }
0x1ab: {  	[tilespmem:s7], [sflag:$0x1] =	stream.indirect_vreg.gather [hbm4b:s3+s31], $0x80, v4, vm0, $0xb8;
	[tilespmem:$0x18400] =	vst v63  }
0x1ac: {  	s11 =	simm.s32 $0x3C00;
	v3 =	vadd.s32 v1, v3  }
0x1ad: {  	[tilespmem:s11], [sflag:$0x1] =	stream.indirect_vreg.gather [hbm4b:s8+s31], $0x80, v4, vm0, $0xb8;
	[tilespmem:$0x18400] =	vst v63  }
0x1ae: {  	s2 =	simm.s32 $0x4400  }
0x1af: {  	[tilespmem:s2], [sflag:$0x1] =	stream.indirect_vreg.gather [hbm4b:s9+s31], $0x80, v4, vm0, $0xb8;
	[tilespmem:$0x18400] =	vst v63  }
0x1b0: {  	s7 =	simm.s32 $0x4C00;
	s11 =	sor.u32 s5, s26  }
0x1b1: {  	[tilespmem:s7], [sflag:$0x1] =	stream.indirect_vreg.gather [hbm4b:s3+s31], $0x80, v3, vm0, $0xb8;
	[tilespmem:$0x18400] =	vst v63  }
0x1b2: {  	s0 =	sshrl.u32 s11, $0x3;
	s7 =	simm.s32 $0x5400  }
0x1b3: {  	[tilespmem:s7], [sflag:$0x1] =	stream.indirect_vreg.gather [hbm4b:s8+s31], $0x80, v3, vm0, $0xb8;
	[tilespmem:$0x18400] =	vst v63  }
0x1b4: {  	s11 =	simm.s32 $0x5C00;
	s28 =	smul.u32 $0x300, s0;
	s2 =	rddreg [dreg:$0x3]  }
0x1b5: {  	[tilespmem:s11], [sflag:$0x1] =	stream.indirect_vreg.gather [hbm4b:s9+s31], $0x80, v3, vm0, $0xb8;
	[tilespmem:$0x18400] =	vst v63  }
0x1b6: {  	s0 =	sadd.s32 s2, s28  }
0x1b7: {  	[hbm4b:s0+s31] =	stream.linear.scatter [tilespmem:s30], [sflag:$0x5], $0x6000, $0x38;
	[tilespmem:$0x18400] =	vst v63  }
0x1b8: {  	_ =	swait.ge [sflag:s21], $0x6000  }
0x1b9: {  	[sflag:s21] =	ssyncset.done $0x0  }
0x1ba: {  	s7 =	simm.s32 $0x0;
	[sflag:s21] =	ssyncadd.s32 $0xFFFFA000  }
0x1bb: {  	s0 =	smul.u32 $0x1800, s7;
	_ =	swait.ge [sflag:s22], $0x6000  }
0x1bc: {  	s11 =	sand.u32 $0x380, s31;
	[sflag:s22] =	ssyncset.done $0x0  }
0x1bd: {  	s2 =	sor.u32 s11, s0;
	[sflag:s22] =	ssyncadd.s32 $0xFFFFA000  }
0x1be: {  	v3 =	vld [tilespmem:s2+$0x7870]  }
0x1bf: {  	v6 =	vld [tilespmem:s2+$0x6400]  }
0x1c0: {  	v7 =	vld [tilespmem:s2+$0x6410]  }
0x1c1: {  	v8 =	vld [tilespmem:s2+$0x6420]  }
0x1c2: {  	v9 =	vld [tilespmem:s2+$0x6430]  }
0x1c3: {  	v10 =	vld [tilespmem:s2+$0x6440]  }
0x1c4: {  	v11 =	vld [tilespmem:s2+$0x6450]  }
0x1c5: {  	v12 =	vld [tilespmem:s2+$0x6460]  }
0x1c6: {  	v13 =	vld [tilespmem:s2+$0x6470]  }
0x1c7: {  	v14 =	vld [tilespmem:s2+$0x6800]  }
0x1c8: {  	v15 =	vld [tilespmem:s2+$0x6810]  }
0x1c9: {  	v16 =	vld [tilespmem:s2+$0x6820]  }
0x1ca: {  	v17 =	vld [tilespmem:s2+$0x6830]  }
0x1cb: {  	v18 =	vld [tilespmem:s2+$0x6840]  }
0x1cc: {  	v19 =	vld [tilespmem:s2+$0x6850]  }
0x1cd: {  	v20 =	vld [tilespmem:s2+$0x6860]  }
0x1ce: {  	v21 =	vld [tilespmem:s2+$0x6870]  }
0x1cf: {  	v22 =	vld [tilespmem:s2+$0x6C00]  }
0x1d0: {  	v23 =	vld [tilespmem:s2+$0x6C10]  }
0x1d1: {  	v24 =	vld [tilespmem:s2+$0x6C20]  }
0x1d2: {  	v25 =	vld [tilespmem:s2+$0x6C30]  }
0x1d3: {  	v26 =	vld [tilespmem:s2+$0x6C40]  }
0x1d4: {  	v27 =	vld [tilespmem:s2+$0x6C50]  }
0x1d5: {  	v28 =	vld [tilespmem:s2+$0x6C60]  }
0x1d6: {  	v29 =	vld [tilespmem:s2+$0x6C70]  }
0x1d7: {  	v30 =	vld [tilespmem:s2+$0x7000]  }
0x1d8: {  	v31 =	vld [tilespmem:s2+$0x7010]  }
0x1d9: {  	v32 =	vld [tilespmem:s2+$0x7020]  }
0x1da: {  	v33 =	vld [tilespmem:s2+$0x7030]  }
0x1db: {  	v34 =	vld [tilespmem:s2+$0x7040]  }
0x1dc: {  	v35 =	vld [tilespmem:s2+$0x7050]  }
0x1dd: {  	v36 =	vld [tilespmem:s2+$0x7060]  }
0x1de: {  	v37 =	vld [tilespmem:s2+$0x7070]  }
0x1df: {  	v52 =	vld [tilespmem:s2+$0x7400]  }
0x1e0: {  	v53 =	vld [tilespmem:s2+$0x7410]  }
0x1e1: {  	v54 =	vld [tilespmem:s2+$0x7420]  }
0x1e2: {  	v55 =	vld [tilespmem:s2+$0x7430]  }
0x1e3: {  	v56 =	vld [tilespmem:s2+$0x7440]  }
0x1e4: {  	v57 =	vld [tilespmem:s2+$0x7450]  }
0x1e5: {  	v58 =	vld [tilespmem:s2+$0x7460]  }
0x1e6: {  	v59 =	vld [tilespmem:s2+$0x7470]  }
0x1e7: {  	v60 =	vld [tilespmem:s2+$0x7800]  }
0x1e8: {  	v61 =	vld [tilespmem:s2+$0x7810]  }
0x1e9: {  	v62 =	vld [tilespmem:s2+$0x7820]  }
0x1ea: {  	v63 =	vld [tilespmem:s2+$0x7830]  }
0x1eb: {  	v5 =	vld [tilespmem:s2+$0x7840]  }
0x1ec: {  	v4 =	vld [tilespmem:s2+$0x7850]  }
0x1ed: {  	[tilespmem:s2+$0x13870] =	vst.add.f32.msk $0xffff, v3  }
0x1ee: {  	v3 =	vld [tilespmem:s2+$0x7860]  }
0x1ef: {  	[tilespmem:s2+$0x12400] =	vst.add.f32.msk $0xffff, v6  }
0x1f0: {  	[tilespmem:s2+$0x12410] =	vst.add.f32.msk $0xffff, v7  }
0x1f1: {  	[tilespmem:s2+$0x12420] =	vst.add.f32.msk $0xffff, v8  }
0x1f2: {  	[tilespmem:s2+$0x12430] =	vst.add.f32.msk $0xffff, v9  }
0x1f3: {  	[tilespmem:s2+$0x12440] =	vst.add.f32.msk $0xffff, v10  }
0x1f4: {  	[tilespmem:s2+$0x12450] =	vst.add.f32.msk $0xffff, v11  }
0x1f5: {  	[tilespmem:s2+$0x12460] =	vst.add.f32.msk $0xffff, v12  }
0x1f6: {  	[tilespmem:s2+$0x12470] =	vst.add.f32.msk $0xffff, v13  }
0x1f7: {  	[tilespmem:s2+$0x12800] =	vst.add.f32.msk $0xffff, v14  }
0x1f8: {  	[tilespmem:s2+$0x12810] =	vst.add.f32.msk $0xffff, v15  }
0x1f9: {  	[tilespmem:s2+$0x12820] =	vst.add.f32.msk $0xffff, v16  }
0x1fa: {  	[tilespmem:s2+$0x12830] =	vst.add.f32.msk $0xffff, v17  }
0x1fb: {  	[tilespmem:s2+$0x12840] =	vst.add.f32.msk $0xffff, v18  }
0x1fc: {  	[tilespmem:s2+$0x12850] =	vst.add.f32.msk $0xffff, v19  }
0x1fd: {  	[tilespmem:s2+$0x12860] =	vst.add.f32.msk $0xffff, v20  }
0x1fe: {  	[tilespmem:s2+$0x12870] =	vst.add.f32.msk $0xffff, v21  }
0x1ff: {  	[tilespmem:s2+$0x12C00] =	vst.add.f32.msk $0xffff, v22  }
0x200: {  	[tilespmem:s2+$0x12C10] =	vst.add.f32.msk $0xffff, v23  }
0x201: {  	[tilespmem:s2+$0x12C20] =	vst.add.f32.msk $0xffff, v24  }
0x202: {  	[tilespmem:s2+$0x12C30] =	vst.add.f32.msk $0xffff, v25  }
0x203: {  	[tilespmem:s2+$0x12C40] =	vst.add.f32.msk $0xffff, v26  }
0x204: {  	[tilespmem:s2+$0x12C50] =	vst.add.f32.msk $0xffff, v27  }
0x205: {  	[tilespmem:s2+$0x12C60] =	vst.add.f32.msk $0xffff, v28  }
0x206: {  	[tilespmem:s2+$0x12C70] =	vst.add.f32.msk $0xffff, v29  }
0x207: {  	[tilespmem:s2+$0x13000] =	vst.add.f32.msk $0xffff, v30  }
0x208: {  	[tilespmem:s2+$0x13010] =	vst.add.f32.msk $0xffff, v31  }
0x209: {  	[tilespmem:s2+$0x13020] =	vst.add.f32.msk $0xffff, v32  }
0x20a: {  	[tilespmem:s2+$0x13030] =	vst.add.f32.msk $0xffff, v33  }
0x20b: {  	[tilespmem:s2+$0x13040] =	vst.add.f32.msk $0xffff, v34  }
0x20c: {  	[tilespmem:s2+$0x13050] =	vst.add.f32.msk $0xffff, v35  }
0x20d: {  	[tilespmem:s2+$0x13060] =	vst.add.f32.msk $0xffff, v36  }
0x20e: {  	[tilespmem:s2+$0x13070] =	vst.add.f32.msk $0xffff, v37  }
0x20f: {  	[tilespmem:s2+$0x13400] =	vst.add.f32.msk $0xffff, v52  }
0x210: {  	[tilespmem:s2+$0x13410] =	vst.add.f32.msk $0xffff, v53  }
0x211: {  	[tilespmem:s2+$0x13420] =	vst.add.f32.msk $0xffff, v54  }
0x212: {  	[tilespmem:s2+$0x13430] =	vst.add.f32.msk $0xffff, v55  }
0x213: {  	[tilespmem:s2+$0x13440] =	vst.add.f32.msk $0xffff, v56  }
0x214: {  	[tilespmem:s2+$0x13450] =	vst.add.f32.msk $0xffff, v57  }
0x215: {  	[tilespmem:s2+$0x13460] =	vst.add.f32.msk $0xffff, v58  }
0x216: {  	[tilespmem:s2+$0x13470] =	vst.add.f32.msk $0xffff, v59  }
0x217: {  	[tilespmem:s2+$0x13800] =	vst.add.f32.msk $0xffff, v60  }
0x218: {  	[tilespmem:s2+$0x13810] =	vst.add.f32.msk $0xffff, v61  }
0x219: {  	[tilespmem:s2+$0x13820] =	vst.add.f32.msk $0xffff, v62  }
0x21a: {  	s29 =	sadd.s32 $0x40, s26;
	s7 =	simm.s32 $0x0;
	s0 =	simm.s32 $0x2;
	[tilespmem:s2+$0x13830] =	vst.add.f32.msk $0xffff, v63  }
.LBB2_5:
0x21b: {  	p0 =	sne.s32 s0, $0x1F;
	s7 =	smul.u32 $0x1800, s7;
	[tilespmem:s2+$0x13840] =	vst.add.f32.msk $0xffff, v5;
	s31 =	sadd.s32 $0x80, s31  }
0x21c: {  	s11 =	sand.u32 $0x380, s31;
	[tilespmem:s2+$0x13850] =	vst.add.f32.msk $0xffff, v4  }
0x21d: {  	[tilespmem:s2+$0x13860] =	vst.add.f32.msk $0xffff, v3;
	s2 =	sor.u32 s11, s7  }
0x21e: {  	v3 =	vld [tilespmem:s2+$0x7870]  }
0x21f: {  	v6 =	vld [tilespmem:s2+$0x6400]  }
0x220: {  	v7 =	vld [tilespmem:s2+$0x6410]  }
0x221: {  	v8 =	vld [tilespmem:s2+$0x6420]  }
0x222: {  	v9 =	vld [tilespmem:s2+$0x6430]  }
0x223: {  	[tilespmem:s2+$0x13870] =	vst.add.f32.msk $0xffff, v3  }
0x224: {  	v10 =	vld [tilespmem:s2+$0x6440]  }
0x225: {  	v11 =	vld [tilespmem:s2+$0x6450]  }
0x226: {  	v12 =	vld [tilespmem:s2+$0x6460]  }
0x227: {  	v13 =	vld [tilespmem:s2+$0x6470]  }
0x228: {  	v14 =	vld [tilespmem:s2+$0x6800]  }
0x229: {  	v15 =	vld [tilespmem:s2+$0x6810]  }
0x22a: {  	v16 =	vld [tilespmem:s2+$0x6820]  }
0x22b: {  	v17 =	vld [tilespmem:s2+$0x6830]  }
0x22c: {  	v18 =	vld [tilespmem:s2+$0x6840]  }
0x22d: {  	v19 =	vld [tilespmem:s2+$0x6850]  }
0x22e: {  	v20 =	vld [tilespmem:s2+$0x6860]  }
0x22f: {  	v21 =	vld [tilespmem:s2+$0x6870]  }
0x230: {  	v22 =	vld [tilespmem:s2+$0x6C00]  }
0x231: {  	v23 =	vld [tilespmem:s2+$0x6C10]  }
0x232: {  	v24 =	vld [tilespmem:s2+$0x6C20]  }
0x233: {  	v25 =	vld [tilespmem:s2+$0x6C30]  }
0x234: {  	v26 =	vld [tilespmem:s2+$0x6C40]  }
0x235: {  	v27 =	vld [tilespmem:s2+$0x6C50]  }
0x236: {  	v28 =	vld [tilespmem:s2+$0x6C60]  }
0x237: {  	v29 =	vld [tilespmem:s2+$0x6C70]  }
0x238: {  	v30 =	vld [tilespmem:s2+$0x7000]  }
0x239: {  	v31 =	vld [tilespmem:s2+$0x7010]  }
0x23a: {  	v32 =	vld [tilespmem:s2+$0x7020]  }
0x23b: {  	v33 =	vld [tilespmem:s2+$0x7030]  }
0x23c: {  	v34 =	vld [tilespmem:s2+$0x7040]  }
0x23d: {  	v35 =	vld [tilespmem:s2+$0x7050]  }
0x23e: {  	v36 =	vld [tilespmem:s2+$0x7060]  }
0x23f: {  	v37 =	vld [tilespmem:s2+$0x7070]  }
0x240: {  	v38 =	vld [tilespmem:s2+$0x7400]  }
0x241: {  	v39 =	vld [tilespmem:s2+$0x7410]  }
0x242: {  	v40 =	vld [tilespmem:s2+$0x7420]  }
0x243: {  	v41 =	vld [tilespmem:s2+$0x7430]  }
0x244: {  	v42 =	vld [tilespmem:s2+$0x7440]  }
0x245: {  	v43 =	vld [tilespmem:s2+$0x7450]  }
0x246: {  	v44 =	vld [tilespmem:s2+$0x7460]  }
0x247: {  	v45 =	vld [tilespmem:s2+$0x7470]  }
0x248: {  	v46 =	vld [tilespmem:s2+$0x7800]  }
0x249: {  	v47 =	vld [tilespmem:s2+$0x7810]  }
0x24a: {  	v48 =	vld [tilespmem:s2+$0x7820]  }
0x24b: {  	v49 =	vld [tilespmem:s2+$0x7830]  }
0x24c: {  	v5 =	vld [tilespmem:s2+$0x7840]  }
0x24d: {  	v4 =	vld [tilespmem:s2+$0x7850]  }
0x24e: {  	v3 =	vld [tilespmem:s2+$0x7860]  }
0x24f: {  	[tilespmem:s2+$0x12400] =	vst.add.f32.msk $0xffff, v6  }
0x250: {  	[tilespmem:s2+$0x12410] =	vst.add.f32.msk $0xffff, v7  }
0x251: {  	[tilespmem:s2+$0x12420] =	vst.add.f32.msk $0xffff, v8  }
0x252: {  	[tilespmem:s2+$0x12430] =	vst.add.f32.msk $0xffff, v9  }
0x253: {  	[tilespmem:s2+$0x12440] =	vst.add.f32.msk $0xffff, v10  }
0x254: {  	[tilespmem:s2+$0x12450] =	vst.add.f32.msk $0xffff, v11  }
0x255: {  	[tilespmem:s2+$0x12460] =	vst.add.f32.msk $0xffff, v12  }
0x256: {  	[tilespmem:s2+$0x12470] =	vst.add.f32.msk $0xffff, v13  }
0x257: {  	[tilespmem:s2+$0x12800] =	vst.add.f32.msk $0xffff, v14  }
0x258: {  	[tilespmem:s2+$0x12810] =	vst.add.f32.msk $0xffff, v15  }
0x259: {  	[tilespmem:s2+$0x12820] =	vst.add.f32.msk $0xffff, v16  }
0x25a: {  	[tilespmem:s2+$0x12830] =	vst.add.f32.msk $0xffff, v17  }
0x25b: {  	[tilespmem:s2+$0x12840] =	vst.add.f32.msk $0xffff, v18  }
0x25c: {  	[tilespmem:s2+$0x12850] =	vst.add.f32.msk $0xffff, v19  }
0x25d: {  	[tilespmem:s2+$0x12860] =	vst.add.f32.msk $0xffff, v20  }
0x25e: {  	[tilespmem:s2+$0x12870] =	vst.add.f32.msk $0xffff, v21  }
0x25f: {  	[tilespmem:s2+$0x12C00] =	vst.add.f32.msk $0xffff, v22  }
0x260: {  	[tilespmem:s2+$0x12C10] =	vst.add.f32.msk $0xffff, v23  }
0x261: {  	[tilespmem:s2+$0x12C20] =	vst.add.f32.msk $0xffff, v24  }
0x262: {  	[tilespmem:s2+$0x12C30] =	vst.add.f32.msk $0xffff, v25  }
0x263: {  	[tilespmem:s2+$0x12C40] =	vst.add.f32.msk $0xffff, v26  }
0x264: {  	[tilespmem:s2+$0x12C50] =	vst.add.f32.msk $0xffff, v27  }
0x265: {  	[tilespmem:s2+$0x12C60] =	vst.add.f32.msk $0xffff, v28  }
0x266: {  	[tilespmem:s2+$0x12C70] =	vst.add.f32.msk $0xffff, v29  }
0x267: {  	[tilespmem:s2+$0x13000] =	vst.add.f32.msk $0xffff, v30  }
0x268: {  	[tilespmem:s2+$0x13010] =	vst.add.f32.msk $0xffff, v31  }
0x269: {  	[tilespmem:s2+$0x13020] =	vst.add.f32.msk $0xffff, v32  }
0x26a: {  	[tilespmem:s2+$0x13030] =	vst.add.f32.msk $0xffff, v33  }
0x26b: {  	[tilespmem:s2+$0x13040] =	vst.add.f32.msk $0xffff, v34  }
0x26c: {  	[tilespmem:s2+$0x13050] =	vst.add.f32.msk $0xffff, v35  }
0x26d: {  	[tilespmem:s2+$0x13060] =	vst.add.f32.msk $0xffff, v36  }
0x26e: {  	[tilespmem:s2+$0x13070] =	vst.add.f32.msk $0xffff, v37  }
0x26f: {  	[tilespmem:s2+$0x13400] =	vst.add.f32.msk $0xffff, v38  }
0x270: {  	[tilespmem:s2+$0x13410] =	vst.add.f32.msk $0xffff, v39  }
0x271: {  	[tilespmem:s2+$0x13420] =	vst.add.f32.msk $0xffff, v40  }
0x272: {  	[tilespmem:s2+$0x13430] =	vst.add.f32.msk $0xffff, v41  }
0x273: {  	[tilespmem:s2+$0x13440] =	vst.add.f32.msk $0xffff, v42  }
0x274: {  	[tilespmem:s2+$0x13450] =	vst.add.f32.msk $0xffff, v43  }
0x275: {  	[tilespmem:s2+$0x13460] =	vst.add.f32.msk $0xffff, v44  }
.Ltmp1:
0x276: {  	[tilespmem:s2+$0x13470] =	vst.add.f32.msk $0xffff, v45;
	(pc) =	sbr.rel @p0 .LBB2_5-.Ltmp1, $4  }
0x277: {  	[tilespmem:s2+$0x13800] =	vst.add.f32.msk $0xffff, v46  }
0x278: {  	[tilespmem:s2+$0x13810] =	vst.add.f32.msk $0xffff, v47  }
0x279: {  	[tilespmem:s2+$0x13820] =	vst.add.f32.msk $0xffff, v48  }
0x27a: {  	s7 =	sshrl.u32 s0, $0x3;
	s0 =	sadd.s32 $0x1, s0;
	[tilespmem:s2+$0x13830] =	vst.add.f32.msk $0xffff, v49  }
0x27b: {  	s0 =	smul.u32 $0x1800, s7;
	[tilespmem:s2+$0x13840] =	vst.add.f32.msk $0xffff, v5;
	s31 =	sadd.s32 $0x80, s31  }
0x27c: {  	[tilespmem:s2+$0x13850] =	vst.add.f32.msk $0xffff, v4;
	s7 =	sand.u32 $0x380, s31  }
0x27d: {  	[tilespmem:s2+$0x13860] =	vst.add.f32.msk $0xffff, v3;
	s0 =	sor.u32 s7, s0  }
0x27e: {  	v3 =	vld [tilespmem:s0+$0x7870]  }
0x27f: {  	v4 =	vld [tilespmem:s0+$0x6400]  }
0x280: {  	v5 =	vld [tilespmem:s0+$0x6410]  }
0x281: {  	v6 =	vld [tilespmem:s0+$0x6420]  }
0x282: {  	v7 =	vld [tilespmem:s0+$0x6430]  }
0x283: {  	v8 =	vld [tilespmem:s0+$0x6450]  }
0x284: {  	v9 =	vld [tilespmem:s0+$0x6460]  }
0x285: {  	v10 =	vld [tilespmem:s0+$0x6470]  }
0x286: {  	v11 =	vld [tilespmem:s0+$0x6800]  }
0x287: {  	v12 =	vld [tilespmem:s0+$0x6810]  }
0x288: {  	v13 =	vld [tilespmem:s0+$0x6820]  }
0x289: {  	v14 =	vld [tilespmem:s0+$0x6830]  }
0x28a: {  	v15 =	vld [tilespmem:s0+$0x6840]  }
0x28b: {  	v16 =	vld [tilespmem:s0+$0x6850]  }
0x28c: {  	v17 =	vld [tilespmem:s0+$0x6860]  }
0x28d: {  	v18 =	vld [tilespmem:s0+$0x6870]  }
0x28e: {  	v19 =	vld [tilespmem:s0+$0x6C00]  }
0x28f: {  	v20 =	vld [tilespmem:s0+$0x6C10]  }
0x290: {  	v21 =	vld [tilespmem:s0+$0x6C20]  }
0x291: {  	v22 =	vld [tilespmem:s0+$0x6C30]  }
0x292: {  	v23 =	vld [tilespmem:s0+$0x6C40]  }
0x293: {  	v24 =	vld [tilespmem:s0+$0x6C50]  }
0x294: {  	v25 =	vld [tilespmem:s0+$0x6C60]  }
0x295: {  	v26 =	vld [tilespmem:s0+$0x6C70]  }
0x296: {  	v27 =	vld [tilespmem:s0+$0x7000]  }
0x297: {  	v28 =	vld [tilespmem:s0+$0x7010]  }
0x298: {  	v29 =	vld [tilespmem:s0+$0x7020]  }
0x299: {  	v30 =	vld [tilespmem:s0+$0x7030]  }
0x29a: {  	v31 =	vld [tilespmem:s0+$0x7040]  }
0x29b: {  	v32 =	vld [tilespmem:s0+$0x7050]  }
0x29c: {  	v33 =	vld [tilespmem:s0+$0x7060]  }
0x29d: {  	v34 =	vld [tilespmem:s0+$0x7070]  }
0x29e: {  	v35 =	vld [tilespmem:s0+$0x7400]  }
0x29f: {  	v36 =	vld [tilespmem:s0+$0x7410]  }
0x2a0: {  	v37 =	vld [tilespmem:s0+$0x7420]  }
0x2a1: {  	v38 =	vld [tilespmem:s0+$0x7430]  }
0x2a2: {  	v39 =	vld [tilespmem:s0+$0x7440]  }
0x2a3: {  	v40 =	vld [tilespmem:s0+$0x7450]  }
0x2a4: {  	v41 =	vld [tilespmem:s0+$0x7460]  }
0x2a5: {  	v42 =	vld [tilespmem:s0+$0x7470]  }
0x2a6: {  	v43 =	vld [tilespmem:s0+$0x7800]  }
0x2a7: {  	v44 =	vld [tilespmem:s0+$0x7810]  }
0x2a8: {  	v45 =	vld [tilespmem:s0+$0x7820]  }
0x2a9: {  	v46 =	vld [tilespmem:s0+$0x7830]  }
0x2aa: {  	v47 =	vld [tilespmem:s0+$0x7840]  }
0x2ab: {  	v48 =	vld [tilespmem:s0+$0x7850]  }
0x2ac: {  	v49 =	vld [tilespmem:s0+$0x7860]  }
0x2ad: {  	[tilespmem:s0+$0x13870] =	vst.add.f32.msk $0xffff, v3  }
0x2ae: {  	v3 =	vld [tilespmem:s0+$0x6440]  }
0x2af: {  	[tilespmem:s0+$0x12400] =	vst.add.f32.msk $0xffff, v4  }
0x2b0: {  	[tilespmem:s0+$0x12410] =	vst.add.f32.msk $0xffff, v5  }
0x2b1: {  	[tilespmem:s0+$0x12420] =	vst.add.f32.msk $0xffff, v6  }
0x2b2: {  	[tilespmem:s0+$0x12430] =	vst.add.f32.msk $0xffff, v7  }
0x2b3: {  	[tilespmem:s0+$0x12450] =	vst.add.f32.msk $0xffff, v8  }
0x2b4: {  	[tilespmem:s0+$0x12460] =	vst.add.f32.msk $0xffff, v9  }
0x2b5: {  	[tilespmem:s0+$0x12470] =	vst.add.f32.msk $0xffff, v10  }
0x2b6: {  	[tilespmem:s0+$0x12800] =	vst.add.f32.msk $0xffff, v11  }
0x2b7: {  	[tilespmem:s0+$0x12810] =	vst.add.f32.msk $0xffff, v12  }
0x2b8: {  	[tilespmem:s0+$0x12820] =	vst.add.f32.msk $0xffff, v13  }
0x2b9: {  	[tilespmem:s0+$0x12830] =	vst.add.f32.msk $0xffff, v14  }
0x2ba: {  	[tilespmem:s0+$0x12840] =	vst.add.f32.msk $0xffff, v15  }
0x2bb: {  	[tilespmem:s0+$0x12850] =	vst.add.f32.msk $0xffff, v16  }
0x2bc: {  	[tilespmem:s0+$0x12860] =	vst.add.f32.msk $0xffff, v17  }
0x2bd: {  	[tilespmem:s0+$0x12870] =	vst.add.f32.msk $0xffff, v18  }
0x2be: {  	[tilespmem:s0+$0x12C00] =	vst.add.f32.msk $0xffff, v19  }
0x2bf: {  	[tilespmem:s0+$0x12C10] =	vst.add.f32.msk $0xffff, v20  }
0x2c0: {  	[tilespmem:s0+$0x12C20] =	vst.add.f32.msk $0xffff, v21  }
0x2c1: {  	[tilespmem:s0+$0x12C30] =	vst.add.f32.msk $0xffff, v22  }
0x2c2: {  	[tilespmem:s0+$0x12C40] =	vst.add.f32.msk $0xffff, v23  }
0x2c3: {  	[tilespmem:s0+$0x12C50] =	vst.add.f32.msk $0xffff, v24  }
0x2c4: {  	[tilespmem:s0+$0x12C60] =	vst.add.f32.msk $0xffff, v25  }
0x2c5: {  	[tilespmem:s0+$0x12C70] =	vst.add.f32.msk $0xffff, v26  }
0x2c6: {  	[tilespmem:s0+$0x13000] =	vst.add.f32.msk $0xffff, v27  }
0x2c7: {  	[tilespmem:s0+$0x13010] =	vst.add.f32.msk $0xffff, v28  }
0x2c8: {  	[tilespmem:s0+$0x13020] =	vst.add.f32.msk $0xffff, v29  }
0x2c9: {  	[tilespmem:s0+$0x13030] =	vst.add.f32.msk $0xffff, v30  }
0x2ca: {  	[tilespmem:s0+$0x13040] =	vst.add.f32.msk $0xffff, v31  }
0x2cb: {  	[tilespmem:s0+$0x13050] =	vst.add.f32.msk $0xffff, v32  }
0x2cc: {  	[tilespmem:s0+$0x13060] =	vst.add.f32.msk $0xffff, v33  }
0x2cd: {  	[tilespmem:s0+$0x13070] =	vst.add.f32.msk $0xffff, v34  }
0x2ce: {  	[tilespmem:s0+$0x13400] =	vst.add.f32.msk $0xffff, v35  }
0x2cf: {  	[tilespmem:s0+$0x13410] =	vst.add.f32.msk $0xffff, v36  }
0x2d0: {  	[tilespmem:s0+$0x13420] =	vst.add.f32.msk $0xffff, v37  }
0x2d1: {  	[tilespmem:s0+$0x13430] =	vst.add.f32.msk $0xffff, v38  }
0x2d2: {  	[tilespmem:s0+$0x13440] =	vst.add.f32.msk $0xffff, v39  }
0x2d3: {  	[tilespmem:s0+$0x13450] =	vst.add.f32.msk $0xffff, v40  }
0x2d4: {  	[tilespmem:s0+$0x13460] =	vst.add.f32.msk $0xffff, v41  }
0x2d5: {  	[tilespmem:s0+$0x13470] =	vst.add.f32.msk $0xffff, v42  }
0x2d6: {  	[tilespmem:s0+$0x13800] =	vst.add.f32.msk $0xffff, v43  }
0x2d7: {  	[tilespmem:s0+$0x13810] =	vst.add.f32.msk $0xffff, v44  }
0x2d8: {  	[tilespmem:s0+$0x13820] =	vst.add.f32.msk $0xffff, v45  }
0x2d9: {  	[tilespmem:s0+$0x13830] =	vst.add.f32.msk $0xffff, v46  }
0x2da: {  	[tilespmem:s0+$0x13840] =	vst.add.f32.msk $0xffff, v47  }
0x2db: {  	[tilespmem:s0+$0x13850] =	vst.add.f32.msk $0xffff, v48  }
0x2dc: {  	[tilespmem:s0+$0x13860] =	vst.add.f32.msk $0xffff, v49  }
0x2dd: {  	[tilespmem:s0+$0x12440] =	vst.add.f32.msk $0xffff, v3  }
0x2de: {  	v3 =	vld [tilespmem:s26+$0x60];
	_ =	sdelay $0x4  }
0x2df: {  	v62 =	vshrl.u32 v3, $0x3  }
0x2e0: {  	v4 =	vmul.u32 $0x30, v62  }
0x2e1: {  	v3 =	vand.u32 $0x7, v3  }
0x2e2: {  	v3 =	vor.u32 v3, v4  }
0x2e3: {  	v4 =	vperm.xlane v3, v0;
	_ =	sdelay $0x1  }
0x2e4: {  	v4 =	vadd.s32 v1, v4;
	_ =	sdelay $0x3  }
0x2e5: {  	s11 =	simm.s32 $0x6400;
	v3 =	vperm.xlane v3, v2  }
0x2e6: {  	[tilespmem:s11], [sflag:$0x2] =	stream.indirect_vreg.gather [hbm4b:s3+s6], $0x80, v4, vm0, $0xb8;
	[tilespmem:$0x18400] =	vst v63  }
0x2e7: {  	s31 =	simm.s32 $0x6C00;
	v3 =	vadd.s32 v1, v3  }
0x2e8: {  	[tilespmem:s31], [sflag:$0x2] =	stream.indirect_vreg.gather [hbm4b:s8+s6], $0x80, v4, vm0, $0xb8;
	[tilespmem:$0x18400] =	vst v63  }
0x2e9: {  	s2 =	simm.s32 $0x7400  }
0x2ea: {  	[tilespmem:s2], [sflag:$0x2] =	stream.indirect_vreg.gather [hbm4b:s9+s6], $0x80, v4, vm0, $0xb8;
	[tilespmem:$0x18400] =	vst v63  }
0x2eb: {  	s7 =	simm.s32 $0x7C00  }
0x2ec: {  	[tilespmem:s7], [sflag:$0x2] =	stream.indirect_vreg.gather [hbm4b:s3+s6], $0x80, v3, vm0, $0xb8;
	[tilespmem:$0x18400] =	vst v63  }
0x2ed: {  	s11 =	simm.s32 $0x8400  }
0x2ee: {  	[tilespmem:s11], [sflag:$0x2] =	stream.indirect_vreg.gather [hbm4b:s8+s6], $0x80, v3, vm0, $0xb8;
	[tilespmem:$0x18400] =	vst v63  }
0x2ef: {  	_ = 	snop  }
0x2f0: {  	[tilespmem:s12], [sflag:$0x2] =	stream.indirect_vreg.gather [hbm4b:s9+s6], $0x80, v3, vm0, $0xb8;
	[tilespmem:$0x18400] =	vst v63  }
0x2f1: {  	v3 =	vld [tilespmem:s26+$0x70];
	_ =	sdelay $0x4  }
0x2f2: {  	v63 =	vshrl.u32 v3, $0x3  }
0x2f3: {  	v4 =	vmul.u32 $0x30, v63  }
0x2f4: {  	v3 =	vand.u32 $0x7, v3  }
0x2f5: {  	v3 =	vor.u32 v3, v4  }
0x2f6: {  	v4 =	vperm.xlane v3, v0;
	_ =	sdelay $0x1  }
0x2f7: {  	v4 =	vadd.s32 v1, v4;
	_ =	sdelay $0x3  }
0x2f8: {  	v3 =	vperm.xlane v3, v2  }
0x2f9: {  	[tilespmem:s13], [sflag:$0x2] =	stream.indirect_vreg.gather [hbm4b:s3+s6], $0x80, v4, vm0, $0xb8;
	[tilespmem:$0x18400] =	vst v63  }
0x2fa: {  	v3 =	vadd.s32 v1, v3  }
0x2fb: {  	[tilespmem:s14], [sflag:$0x2] =	stream.indirect_vreg.gather [hbm4b:s8+s6], $0x80, v4, vm0, $0xb8;
	[tilespmem:$0x18400] =	vst v63  }
0x2fc: {  	_ = 	snop  }
0x2fd: {  	[tilespmem:s10], [sflag:$0x2] =	stream.indirect_vreg.gather [hbm4b:s9+s6], $0x80, v4, vm0, $0xb8;
	[tilespmem:$0x18400] =	vst v63  }
0x2fe: {  	_ = 	snop  }
0x2ff: {  	[tilespmem:s16], [sflag:$0x2] =	stream.indirect_vreg.gather [hbm4b:s3+s6], $0x80, v3, vm0, $0xb8;
	[tilespmem:$0x18400] =	vst v63  }
0x300: {  	_ = 	snop  }
0x301: {  	[tilespmem:s4], [sflag:$0x2] =	stream.indirect_vreg.gather [hbm4b:s8+s6], $0x80, v3, vm0, $0xb8;
	[tilespmem:$0x18400] =	vst v63  }
0x302: {  	s29 =	sadd.s32 s5, s29  }
0x303: {  	[tilespmem:s17], [sflag:$0x2] =	stream.indirect_vreg.gather [hbm4b:s9+s6], $0x80, v3, vm0, $0xb8;
	[tilespmem:$0x18400] =	vst v63  }
0x304: {  	s28 =	sadd.s32 s15, s28;
	s0 =	sshrl.u32 s29, $0x3  }
0x305: {  	[hbm4b:s28+s6] =	stream.linear.scatter [tilespmem:s18], [sflag:$0x6], $0x6000, $0x38;
	[tilespmem:$0x18400] =	vst v63  }
0x306: {  	s0 =	smul.u32 $0x300, s0;
	_ =	swait.ge [sflag:s23], $0x6000  }
0x307: {  	s25 =	sadd.s32 $0x1, s25;
	[sflag:s23] =	ssyncset.done $0x0  }
0x308: {  	s0 =	sadd.s32 s1, s0;
	s31 =	sadd.s32 $0x60, s26;
	[sflag:s23] =	ssyncadd.s32 $0xFFFFA000  }
0x309: {  	[tilespmem:s30], [sflag:$0x3] =	stream.linear.gather [hbm4b:s0+s6], $0x6000, $0x38;
	[tilespmem:$0x18400] =	vst v63  }
0x30a: {  	p0 =	sne.s32 s25, $0xF;
	s0 =	sadd.s32 s5, s31  }
.Ltmp2:
0x30b: {  	s0 =	sshrl.u32 s0, $0x3;
	(pc) =	sbr.rel @p0 .LBB2_2-.Ltmp2, $4  }
0x30c: {  	_ =	swait.ge [sflag:s24], $0x6000;
	s0 =	smul.u32 $0x300, s0  }
0x30d: {  	[sflag:s24] =	ssyncset.done $0x0  }
0x30e: {  	[sflag:s24] =	ssyncadd.s32 $0xFFFFA000;
	s0 =	sadd.s32 s1, s0  }
0x30f: {  	[tilespmem:s18], [sflag:$0x4] =	stream.linear.gather [hbm4b:s0+s6], $0x6000, $0x38;
	[tilespmem:$0x18400] =	vst v63  }
0x310: {  	_ =	swait.ge [sflag:s19], $0x6000  }
0x311: {  	[sflag:s19] =	ssyncset.done $0x0  }
0x312: {  	s0 =	simm.s32 $0x0;
	[sflag:s19] =	ssyncadd.s32 $0xFFFFA000  }
0x313: {  	s25 =	simm.s32 $0x0;
	s0 =	smul.u32 $0x1800, s0;
	_ =	swait.ge [sflag:s20], $0x6000  }
0x314: {  	s2 =	sand.u32 $0x380, s25;
	[sflag:s20] =	ssyncset.done $0x0  }
0x315: {  	s2 =	sor.u32 s2, s0;
	[sflag:s20] =	ssyncadd.s32 $0xFFFFA000  }
0x316: {  	v3 =	vld [tilespmem:s2+$0x1870]  }
0x317: {  	v6 =	vld [tilespmem:s2+$0x400]  }
0x318: {  	v7 =	vld [tilespmem:s2+$0x410]  }
0x319: {  	v8 =	vld [tilespmem:s2+$0x420]  }
0x31a: {  	v9 =	vld [tilespmem:s2+$0x430]  }
0x31b: {  	v10 =	vld [tilespmem:s2+$0x440]  }
0x31c: {  	v11 =	vld [tilespmem:s2+$0x450]  }
0x31d: {  	v12 =	vld [tilespmem:s2+$0x460]  }
0x31e: {  	v13 =	vld [tilespmem:s2+$0x470]  }
0x31f: {  	v14 =	vld [tilespmem:s2+$0x800]  }
0x320: {  	v15 =	vld [tilespmem:s2+$0x810]  }
0x321: {  	v16 =	vld [tilespmem:s2+$0x820]  }
0x322: {  	v17 =	vld [tilespmem:s2+$0x830]  }
0x323: {  	v18 =	vld [tilespmem:s2+$0x840]  }
0x324: {  	v19 =	vld [tilespmem:s2+$0x850]  }
0x325: {  	v20 =	vld [tilespmem:s2+$0x860]  }
0x326: {  	v21 =	vld [tilespmem:s2+$0x870]  }
0x327: {  	v22 =	vld [tilespmem:s2+$0xC00]  }
0x328: {  	v23 =	vld [tilespmem:s2+$0xC10]  }
0x329: {  	v24 =	vld [tilespmem:s2+$0xC20]  }
0x32a: {  	v25 =	vld [tilespmem:s2+$0xC30]  }
0x32b: {  	v26 =	vld [tilespmem:s2+$0xC40]  }
0x32c: {  	v27 =	vld [tilespmem:s2+$0xC50]  }
0x32d: {  	v28 =	vld [tilespmem:s2+$0xC60]  }
0x32e: {  	v29 =	vld [tilespmem:s2+$0xC70]  }
0x32f: {  	v30 =	vld [tilespmem:s2+$0x1000]  }
0x330: {  	v31 =	vld [tilespmem:s2+$0x1010]  }
0x331: {  	v32 =	vld [tilespmem:s2+$0x1020]  }
0x332: {  	v33 =	vld [tilespmem:s2+$0x1030]  }
0x333: {  	v34 =	vld [tilespmem:s2+$0x1040]  }
0x334: {  	v35 =	vld [tilespmem:s2+$0x1050]  }
0x335: {  	v36 =	vld [tilespmem:s2+$0x1060]  }
0x336: {  	v37 =	vld [tilespmem:s2+$0x1070]  }
0x337: {  	v38 =	vld [tilespmem:s2+$0x1400]  }
0x338: {  	v39 =	vld [tilespmem:s2+$0x1410]  }
0x339: {  	v40 =	vld [tilespmem:s2+$0x1420]  }
0x33a: {  	v41 =	vld [tilespmem:s2+$0x1430]  }
0x33b: {  	v42 =	vld [tilespmem:s2+$0x1440]  }
0x33c: {  	v43 =	vld [tilespmem:s2+$0x1450]  }
0x33d: {  	v44 =	vld [tilespmem:s2+$0x1460]  }
0x33e: {  	v45 =	vld [tilespmem:s2+$0x1470]  }
0x33f: {  	v46 =	vld [tilespmem:s2+$0x1800]  }
0x340: {  	v47 =	vld [tilespmem:s2+$0x1810]  }
0x341: {  	v48 =	vld [tilespmem:s2+$0x1820]  }
0x342: {  	v49 =	vld [tilespmem:s2+$0x1830]  }
0x343: {  	v5 =	vld [tilespmem:s2+$0x1840]  }
0x344: {  	v4 =	vld [tilespmem:s2+$0x1850]  }
0x345: {  	[tilespmem:s2+$0xD870] =	vst.add.f32.msk $0xffff, v3  }
0x346: {  	v3 =	vld [tilespmem:s2+$0x1860]  }
0x347: {  	[tilespmem:s2+$0xC400] =	vst.add.f32.msk $0xffff, v6  }
0x348: {  	[tilespmem:s2+$0xC410] =	vst.add.f32.msk $0xffff, v7  }
0x349: {  	[tilespmem:s2+$0xC420] =	vst.add.f32.msk $0xffff, v8  }
0x34a: {  	[tilespmem:s2+$0xC430] =	vst.add.f32.msk $0xffff, v9  }
0x34b: {  	[tilespmem:s2+$0xC440] =	vst.add.f32.msk $0xffff, v10  }
0x34c: {  	[tilespmem:s2+$0xC450] =	vst.add.f32.msk $0xffff, v11  }
0x34d: {  	[tilespmem:s2+$0xC460] =	vst.add.f32.msk $0xffff, v12  }
0x34e: {  	[tilespmem:s2+$0xC470] =	vst.add.f32.msk $0xffff, v13  }
0x34f: {  	[tilespmem:s2+$0xC800] =	vst.add.f32.msk $0xffff, v14  }
0x350: {  	[tilespmem:s2+$0xC810] =	vst.add.f32.msk $0xffff, v15  }
0x351: {  	[tilespmem:s2+$0xC820] =	vst.add.f32.msk $0xffff, v16  }
0x352: {  	[tilespmem:s2+$0xC830] =	vst.add.f32.msk $0xffff, v17  }
0x353: {  	[tilespmem:s2+$0xC840] =	vst.add.f32.msk $0xffff, v18  }
0x354: {  	[tilespmem:s2+$0xC850] =	vst.add.f32.msk $0xffff, v19  }
0x355: {  	[tilespmem:s2+$0xC860] =	vst.add.f32.msk $0xffff, v20  }
0x356: {  	[tilespmem:s2+$0xC870] =	vst.add.f32.msk $0xffff, v21  }
0x357: {  	[tilespmem:s2+$0xCC00] =	vst.add.f32.msk $0xffff, v22  }
0x358: {  	[tilespmem:s2+$0xCC10] =	vst.add.f32.msk $0xffff, v23  }
0x359: {  	[tilespmem:s2+$0xCC20] =	vst.add.f32.msk $0xffff, v24  }
0x35a: {  	[tilespmem:s2+$0xCC30] =	vst.add.f32.msk $0xffff, v25  }
0x35b: {  	[tilespmem:s2+$0xCC40] =	vst.add.f32.msk $0xffff, v26  }
0x35c: {  	[tilespmem:s2+$0xCC50] =	vst.add.f32.msk $0xffff, v27  }
0x35d: {  	[tilespmem:s2+$0xCC60] =	vst.add.f32.msk $0xffff, v28  }
0x35e: {  	[tilespmem:s2+$0xCC70] =	vst.add.f32.msk $0xffff, v29  }
0x35f: {  	[tilespmem:s2+$0xD000] =	vst.add.f32.msk $0xffff, v30  }
0x360: {  	[tilespmem:s2+$0xD010] =	vst.add.f32.msk $0xffff, v31  }
0x361: {  	[tilespmem:s2+$0xD020] =	vst.add.f32.msk $0xffff, v32  }
0x362: {  	[tilespmem:s2+$0xD030] =	vst.add.f32.msk $0xffff, v33  }
0x363: {  	[tilespmem:s2+$0xD040] =	vst.add.f32.msk $0xffff, v34  }
0x364: {  	[tilespmem:s2+$0xD050] =	vst.add.f32.msk $0xffff, v35  }
0x365: {  	[tilespmem:s2+$0xD060] =	vst.add.f32.msk $0xffff, v36  }
0x366: {  	[tilespmem:s2+$0xD070] =	vst.add.f32.msk $0xffff, v37  }
0x367: {  	[tilespmem:s2+$0xD400] =	vst.add.f32.msk $0xffff, v38  }
0x368: {  	[tilespmem:s2+$0xD410] =	vst.add.f32.msk $0xffff, v39  }
0x369: {  	[tilespmem:s2+$0xD420] =	vst.add.f32.msk $0xffff, v40  }
0x36a: {  	[tilespmem:s2+$0xD430] =	vst.add.f32.msk $0xffff, v41  }
0x36b: {  	[tilespmem:s2+$0xD440] =	vst.add.f32.msk $0xffff, v42  }
0x36c: {  	[tilespmem:s2+$0xD450] =	vst.add.f32.msk $0xffff, v43  }
0x36d: {  	[tilespmem:s2+$0xD460] =	vst.add.f32.msk $0xffff, v44  }
0x36e: {  	[tilespmem:s2+$0xD470] =	vst.add.f32.msk $0xffff, v45  }
0x36f: {  	[tilespmem:s2+$0xD800] =	vst.add.f32.msk $0xffff, v46  }
0x370: {  	[tilespmem:s2+$0xD810] =	vst.add.f32.msk $0xffff, v47  }
0x371: {  	[tilespmem:s2+$0xD820] =	vst.add.f32.msk $0xffff, v48  }
0x372: {  	s7 =	simm.s32 $0x0;
	s0 =	simm.s32 $0x2;
	[tilespmem:s2+$0xD830] =	vst.add.f32.msk $0xffff, v49  }
.LBB2_8:
0x373: {  	p0 =	sne.s32 s0, $0x1F;
	s7 =	smul.u32 $0x1800, s7;
	[tilespmem:s2+$0xD840] =	vst.add.f32.msk $0xffff, v5;
	s25 =	sadd.s32 $0x80, s25  }
0x374: {  	s11 =	sand.u32 $0x380, s25;
	[tilespmem:s2+$0xD850] =	vst.add.f32.msk $0xffff, v4  }
0x375: {  	[tilespmem:s2+$0xD860] =	vst.add.f32.msk $0xffff, v3;
	s2 =	sor.u32 s11, s7  }
0x376: {  	v3 =	vld [tilespmem:s2+$0x1870]  }
0x377: {  	v6 =	vld [tilespmem:s2+$0x400]  }
0x378: {  	v7 =	vld [tilespmem:s2+$0x410]  }
0x379: {  	v8 =	vld [tilespmem:s2+$0x420]  }
0x37a: {  	v9 =	vld [tilespmem:s2+$0x430]  }
0x37b: {  	[tilespmem:s2+$0xD870] =	vst.add.f32.msk $0xffff, v3  }
0x37c: {  	v10 =	vld [tilespmem:s2+$0x440]  }
0x37d: {  	v11 =	vld [tilespmem:s2+$0x450]  }
0x37e: {  	v12 =	vld [tilespmem:s2+$0x460]  }
0x37f: {  	v13 =	vld [tilespmem:s2+$0x470]  }
0x380: {  	v14 =	vld [tilespmem:s2+$0x800]  }
0x381: {  	v15 =	vld [tilespmem:s2+$0x810]  }
0x382: {  	v16 =	vld [tilespmem:s2+$0x820]  }
0x383: {  	v17 =	vld [tilespmem:s2+$0x830]  }
0x384: {  	v18 =	vld [tilespmem:s2+$0x840]  }
0x385: {  	v19 =	vld [tilespmem:s2+$0x850]  }
0x386: {  	v20 =	vld [tilespmem:s2+$0x860]  }
0x387: {  	v21 =	vld [tilespmem:s2+$0x870]  }
0x388: {  	v22 =	vld [tilespmem:s2+$0xC00]  }
0x389: {  	v23 =	vld [tilespmem:s2+$0xC10]  }
0x38a: {  	v24 =	vld [tilespmem:s2+$0xC20]  }
0x38b: {  	v25 =	vld [tilespmem:s2+$0xC30]  }
0x38c: {  	v26 =	vld [tilespmem:s2+$0xC40]  }
0x38d: {  	v27 =	vld [tilespmem:s2+$0xC50]  }
0x38e: {  	v28 =	vld [tilespmem:s2+$0xC60]  }
0x38f: {  	v29 =	vld [tilespmem:s2+$0xC70]  }
0x390: {  	v30 =	vld [tilespmem:s2+$0x1000]  }
0x391: {  	v31 =	vld [tilespmem:s2+$0x1010]  }
0x392: {  	v32 =	vld [tilespmem:s2+$0x1020]  }
0x393: {  	v33 =	vld [tilespmem:s2+$0x1030]  }
0x394: {  	v34 =	vld [tilespmem:s2+$0x1040]  }
0x395: {  	v35 =	vld [tilespmem:s2+$0x1050]  }
0x396: {  	v36 =	vld [tilespmem:s2+$0x1060]  }
0x397: {  	v37 =	vld [tilespmem:s2+$0x1070]  }
0x398: {  	v38 =	vld [tilespmem:s2+$0x1400]  }
0x399: {  	v39 =	vld [tilespmem:s2+$0x1410]  }
0x39a: {  	v40 =	vld [tilespmem:s2+$0x1420]  }
0x39b: {  	v41 =	vld [tilespmem:s2+$0x1430]  }
0x39c: {  	v42 =	vld [tilespmem:s2+$0x1440]  }
0x39d: {  	v43 =	vld [tilespmem:s2+$0x1450]  }
0x39e: {  	v44 =	vld [tilespmem:s2+$0x1460]  }
0x39f: {  	v45 =	vld [tilespmem:s2+$0x1470]  }
0x3a0: {  	v46 =	vld [tilespmem:s2+$0x1800]  }
0x3a1: {  	v47 =	vld [tilespmem:s2+$0x1810]  }
0x3a2: {  	v48 =	vld [tilespmem:s2+$0x1820]  }
0x3a3: {  	v49 =	vld [tilespmem:s2+$0x1830]  }
0x3a4: {  	v5 =	vld [tilespmem:s2+$0x1840]  }
0x3a5: {  	v4 =	vld [tilespmem:s2+$0x1850]  }
0x3a6: {  	v3 =	vld [tilespmem:s2+$0x1860]  }
0x3a7: {  	[tilespmem:s2+$0xC400] =	vst.add.f32.msk $0xffff, v6  }
0x3a8: {  	[tilespmem:s2+$0xC410] =	vst.add.f32.msk $0xffff, v7  }
0x3a9: {  	[tilespmem:s2+$0xC420] =	vst.add.f32.msk $0xffff, v8  }
0x3aa: {  	[tilespmem:s2+$0xC430] =	vst.add.f32.msk $0xffff, v9  }
0x3ab: {  	[tilespmem:s2+$0xC440] =	vst.add.f32.msk $0xffff, v10  }
0x3ac: {  	[tilespmem:s2+$0xC450] =	vst.add.f32.msk $0xffff, v11  }
0x3ad: {  	[tilespmem:s2+$0xC460] =	vst.add.f32.msk $0xffff, v12  }
0x3ae: {  	[tilespmem:s2+$0xC470] =	vst.add.f32.msk $0xffff, v13  }
0x3af: {  	[tilespmem:s2+$0xC800] =	vst.add.f32.msk $0xffff, v14  }
0x3b0: {  	[tilespmem:s2+$0xC810] =	vst.add.f32.msk $0xffff, v15  }
0x3b1: {  	[tilespmem:s2+$0xC820] =	vst.add.f32.msk $0xffff, v16  }
0x3b2: {  	[tilespmem:s2+$0xC830] =	vst.add.f32.msk $0xffff, v17  }
0x3b3: {  	[tilespmem:s2+$0xC840] =	vst.add.f32.msk $0xffff, v18  }
0x3b4: {  	[tilespmem:s2+$0xC850] =	vst.add.f32.msk $0xffff, v19  }
0x3b5: {  	[tilespmem:s2+$0xC860] =	vst.add.f32.msk $0xffff, v20  }
0x3b6: {  	[tilespmem:s2+$0xC870] =	vst.add.f32.msk $0xffff, v21  }
0x3b7: {  	[tilespmem:s2+$0xCC00] =	vst.add.f32.msk $0xffff, v22  }
0x3b8: {  	[tilespmem:s2+$0xCC10] =	vst.add.f32.msk $0xffff, v23  }
0x3b9: {  	[tilespmem:s2+$0xCC20] =	vst.add.f32.msk $0xffff, v24  }
0x3ba: {  	[tilespmem:s2+$0xCC30] =	vst.add.f32.msk $0xffff, v25  }
0x3bb: {  	[tilespmem:s2+$0xCC40] =	vst.add.f32.msk $0xffff, v26  }
0x3bc: {  	[tilespmem:s2+$0xCC50] =	vst.add.f32.msk $0xffff, v27  }
0x3bd: {  	[tilespmem:s2+$0xCC60] =	vst.add.f32.msk $0xffff, v28  }
0x3be: {  	[tilespmem:s2+$0xCC70] =	vst.add.f32.msk $0xffff, v29  }
0x3bf: {  	[tilespmem:s2+$0xD000] =	vst.add.f32.msk $0xffff, v30  }
0x3c0: {  	[tilespmem:s2+$0xD010] =	vst.add.f32.msk $0xffff, v31  }
0x3c1: {  	[tilespmem:s2+$0xD020] =	vst.add.f32.msk $0xffff, v32  }
0x3c2: {  	[tilespmem:s2+$0xD030] =	vst.add.f32.msk $0xffff, v33  }
0x3c3: {  	[tilespmem:s2+$0xD040] =	vst.add.f32.msk $0xffff, v34  }
0x3c4: {  	[tilespmem:s2+$0xD050] =	vst.add.f32.msk $0xffff, v35  }
0x3c5: {  	[tilespmem:s2+$0xD060] =	vst.add.f32.msk $0xffff, v36  }
0x3c6: {  	[tilespmem:s2+$0xD070] =	vst.add.f32.msk $0xffff, v37  }
0x3c7: {  	[tilespmem:s2+$0xD400] =	vst.add.f32.msk $0xffff, v38  }
0x3c8: {  	[tilespmem:s2+$0xD410] =	vst.add.f32.msk $0xffff, v39  }
0x3c9: {  	[tilespmem:s2+$0xD420] =	vst.add.f32.msk $0xffff, v40  }
0x3ca: {  	[tilespmem:s2+$0xD430] =	vst.add.f32.msk $0xffff, v41  }
0x3cb: {  	[tilespmem:s2+$0xD440] =	vst.add.f32.msk $0xffff, v42  }
0x3cc: {  	[tilespmem:s2+$0xD450] =	vst.add.f32.msk $0xffff, v43  }
0x3cd: {  	[tilespmem:s2+$0xD460] =	vst.add.f32.msk $0xffff, v44  }
.Ltmp3:
0x3ce: {  	[tilespmem:s2+$0xD470] =	vst.add.f32.msk $0xffff, v45;
	(pc) =	sbr.rel @p0 .LBB2_8-.Ltmp3, $4  }
0x3cf: {  	[tilespmem:s2+$0xD800] =	vst.add.f32.msk $0xffff, v46  }
0x3d0: {  	[tilespmem:s2+$0xD810] =	vst.add.f32.msk $0xffff, v47  }
0x3d1: {  	[tilespmem:s2+$0xD820] =	vst.add.f32.msk $0xffff, v48  }
0x3d2: {  	s7 =	sshrl.u32 s0, $0x3;
	s0 =	sadd.s32 $0x1, s0;
	[tilespmem:s2+$0xD830] =	vst.add.f32.msk $0xffff, v49  }
0x3d3: {  	s0 =	smul.u32 $0x1800, s7;
	[tilespmem:s2+$0xD840] =	vst.add.f32.msk $0xffff, v5;
	s26 =	sadd.s32 $0x80, s25  }
0x3d4: {  	[tilespmem:s2+$0xD850] =	vst.add.f32.msk $0xffff, v4;
	s7 =	sand.u32 $0x380, s26  }
0x3d5: {  	[tilespmem:s2+$0xD860] =	vst.add.f32.msk $0xffff, v3;
	s0 =	sor.u32 s7, s0  }
0x3d6: {  	v3 =	vld [tilespmem:s0+$0x1870]  }
0x3d7: {  	v4 =	vld [tilespmem:s0+$0x400]  }
0x3d8: {  	v5 =	vld [tilespmem:s0+$0x410]  }
0x3d9: {  	v6 =	vld [tilespmem:s0+$0x420]  }
0x3da: {  	v7 =	vld [tilespmem:s0+$0x430]  }
0x3db: {  	v8 =	vld [tilespmem:s0+$0x450]  }
0x3dc: {  	v9 =	vld [tilespmem:s0+$0x460]  }
0x3dd: {  	v10 =	vld [tilespmem:s0+$0x470]  }
0x3de: {  	v11 =	vld [tilespmem:s0+$0x800]  }
0x3df: {  	v12 =	vld [tilespmem:s0+$0x810]  }
0x3e0: {  	v13 =	vld [tilespmem:s0+$0x820]  }
0x3e1: {  	v14 =	vld [tilespmem:s0+$0x830]  }
0x3e2: {  	v15 =	vld [tilespmem:s0+$0x840]  }
0x3e3: {  	v16 =	vld [tilespmem:s0+$0x850]  }
0x3e4: {  	v17 =	vld [tilespmem:s0+$0x860]  }
0x3e5: {  	v18 =	vld [tilespmem:s0+$0x870]  }
0x3e6: {  	v19 =	vld [tilespmem:s0+$0xC00]  }
0x3e7: {  	v20 =	vld [tilespmem:s0+$0xC10]  }
0x3e8: {  	v21 =	vld [tilespmem:s0+$0xC20]  }
0x3e9: {  	v22 =	vld [tilespmem:s0+$0xC30]  }
0x3ea: {  	v23 =	vld [tilespmem:s0+$0xC40]  }
0x3eb: {  	v24 =	vld [tilespmem:s0+$0xC50]  }
0x3ec: {  	v25 =	vld [tilespmem:s0+$0xC60]  }
0x3ed: {  	v26 =	vld [tilespmem:s0+$0xC70]  }
0x3ee: {  	v27 =	vld [tilespmem:s0+$0x1000]  }
0x3ef: {  	v28 =	vld [tilespmem:s0+$0x1010]  }
0x3f0: {  	v29 =	vld [tilespmem:s0+$0x1020]  }
0x3f1: {  	v30 =	vld [tilespmem:s0+$0x1030]  }
0x3f2: {  	v31 =	vld [tilespmem:s0+$0x1040]  }
0x3f3: {  	v32 =	vld [tilespmem:s0+$0x1050]  }
0x3f4: {  	v33 =	vld [tilespmem:s0+$0x1060]  }
0x3f5: {  	v34 =	vld [tilespmem:s0+$0x1070]  }
0x3f6: {  	v35 =	vld [tilespmem:s0+$0x1400]  }
0x3f7: {  	v36 =	vld [tilespmem:s0+$0x1410]  }
0x3f8: {  	v37 =	vld [tilespmem:s0+$0x1420]  }
0x3f9: {  	v38 =	vld [tilespmem:s0+$0x1430]  }
0x3fa: {  	v39 =	vld [tilespmem:s0+$0x1440]  }
0x3fb: {  	v40 =	vld [tilespmem:s0+$0x1450]  }
0x3fc: {  	v41 =	vld [tilespmem:s0+$0x1460]  }
0x3fd: {  	v42 =	vld [tilespmem:s0+$0x1470]  }
0x3fe: {  	v43 =	vld [tilespmem:s0+$0x1800]  }
0x3ff: {  	v44 =	vld [tilespmem:s0+$0x1810]  }
0x400: {  	v45 =	vld [tilespmem:s0+$0x1820]  }
0x401: {  	v46 =	vld [tilespmem:s0+$0x1830]  }
0x402: {  	v47 =	vld [tilespmem:s0+$0x1840]  }
0x403: {  	v48 =	vld [tilespmem:s0+$0x1850]  }
0x404: {  	v49 =	vld [tilespmem:s0+$0x1860]  }
0x405: {  	[tilespmem:s0+$0xD870] =	vst.add.f32.msk $0xffff, v3  }
0x406: {  	v3 =	vld [tilespmem:s0+$0x440]  }
0x407: {  	[tilespmem:s0+$0xC400] =	vst.add.f32.msk $0xffff, v4  }
0x408: {  	[tilespmem:s0+$0xC410] =	vst.add.f32.msk $0xffff, v5  }
0x409: {  	[tilespmem:s0+$0xC420] =	vst.add.f32.msk $0xffff, v6  }
0x40a: {  	[tilespmem:s0+$0xC430] =	vst.add.f32.msk $0xffff, v7  }
0x40b: {  	[tilespmem:s0+$0xC450] =	vst.add.f32.msk $0xffff, v8  }
0x40c: {  	[tilespmem:s0+$0xC460] =	vst.add.f32.msk $0xffff, v9  }
0x40d: {  	[tilespmem:s0+$0xC470] =	vst.add.f32.msk $0xffff, v10  }
0x40e: {  	[tilespmem:s0+$0xC800] =	vst.add.f32.msk $0xffff, v11  }
0x40f: {  	[tilespmem:s0+$0xC810] =	vst.add.f32.msk $0xffff, v12  }
0x410: {  	[tilespmem:s0+$0xC820] =	vst.add.f32.msk $0xffff, v13  }
0x411: {  	[tilespmem:s0+$0xC830] =	vst.add.f32.msk $0xffff, v14  }
0x412: {  	[tilespmem:s0+$0xC840] =	vst.add.f32.msk $0xffff, v15  }
0x413: {  	[tilespmem:s0+$0xC850] =	vst.add.f32.msk $0xffff, v16  }
0x414: {  	[tilespmem:s0+$0xC860] =	vst.add.f32.msk $0xffff, v17  }
0x415: {  	[tilespmem:s0+$0xC870] =	vst.add.f32.msk $0xffff, v18  }
0x416: {  	[tilespmem:s0+$0xCC00] =	vst.add.f32.msk $0xffff, v19  }
0x417: {  	[tilespmem:s0+$0xCC10] =	vst.add.f32.msk $0xffff, v20  }
0x418: {  	[tilespmem:s0+$0xCC20] =	vst.add.f32.msk $0xffff, v21  }
0x419: {  	[tilespmem:s0+$0xCC30] =	vst.add.f32.msk $0xffff, v22  }
0x41a: {  	[tilespmem:s0+$0xCC40] =	vst.add.f32.msk $0xffff, v23  }
0x41b: {  	[tilespmem:s0+$0xCC50] =	vst.add.f32.msk $0xffff, v24  }
0x41c: {  	[tilespmem:s0+$0xCC60] =	vst.add.f32.msk $0xffff, v25  }
0x41d: {  	[tilespmem:s0+$0xCC70] =	vst.add.f32.msk $0xffff, v26  }
0x41e: {  	[tilespmem:s0+$0xD000] =	vst.add.f32.msk $0xffff, v27  }
0x41f: {  	[tilespmem:s0+$0xD010] =	vst.add.f32.msk $0xffff, v28  }
0x420: {  	[tilespmem:s0+$0xD020] =	vst.add.f32.msk $0xffff, v29  }
0x421: {  	[tilespmem:s0+$0xD030] =	vst.add.f32.msk $0xffff, v30  }
0x422: {  	[tilespmem:s0+$0xD040] =	vst.add.f32.msk $0xffff, v31  }
0x423: {  	[tilespmem:s0+$0xD050] =	vst.add.f32.msk $0xffff, v32  }
0x424: {  	[tilespmem:s0+$0xD060] =	vst.add.f32.msk $0xffff, v33  }
0x425: {  	[tilespmem:s0+$0xD070] =	vst.add.f32.msk $0xffff, v34  }
0x426: {  	[tilespmem:s0+$0xD400] =	vst.add.f32.msk $0xffff, v35  }
0x427: {  	[tilespmem:s0+$0xD410] =	vst.add.f32.msk $0xffff, v36  }
0x428: {  	[tilespmem:s0+$0xD420] =	vst.add.f32.msk $0xffff, v37  }
0x429: {  	[tilespmem:s0+$0xD430] =	vst.add.f32.msk $0xffff, v38  }
0x42a: {  	[tilespmem:s0+$0xD440] =	vst.add.f32.msk $0xffff, v39  }
0x42b: {  	[tilespmem:s0+$0xD450] =	vst.add.f32.msk $0xffff, v40  }
0x42c: {  	[tilespmem:s0+$0xD460] =	vst.add.f32.msk $0xffff, v41  }
0x42d: {  	[tilespmem:s0+$0xD470] =	vst.add.f32.msk $0xffff, v42  }
0x42e: {  	[tilespmem:s0+$0xD800] =	vst.add.f32.msk $0xffff, v43  }
0x42f: {  	[tilespmem:s0+$0xD810] =	vst.add.f32.msk $0xffff, v44  }
0x430: {  	[tilespmem:s0+$0xD820] =	vst.add.f32.msk $0xffff, v45  }
0x431: {  	[tilespmem:s0+$0xD830] =	vst.add.f32.msk $0xffff, v46  }
0x432: {  	[tilespmem:s0+$0xD840] =	vst.add.f32.msk $0xffff, v47  }
0x433: {  	[tilespmem:s0+$0xD850] =	vst.add.f32.msk $0xffff, v48  }
0x434: {  	[tilespmem:s0+$0xD860] =	vst.add.f32.msk $0xffff, v49  }
0x435: {  	s25 =	simm.s32 $0x0;
	s28 =	rddreg [dreg:$0x8];
	[tilespmem:s0+$0xC440] =	vst.add.f32.msk $0xffff, v3  }
0x436: {  	[hbm4b:s28+s25] =	stream.linear.scatter [tilespmem:s30], [sflag:$0x5], $0x6000, $0x38;
	[tilespmem:$0x18400] =	vst v63  }
0x437: {  	_ =	swait.ge [sflag:s21], $0x6000  }
0x438: {  	[sflag:s21] =	ssyncset.done $0x0  }
0x439: {  	s29 =	simm.s32 $0x0;
	[sflag:s21] =	ssyncadd.s32 $0xFFFFA000  }
0x43a: {  	s0 =	smul.u32 $0x1800, s29;
	_ =	swait.ge [sflag:s22], $0x6000  }
0x43b: {  	s31 =	sand.u32 $0x380, s25;
	[sflag:s22] =	ssyncset.done $0x0  }
0x43c: {  	s2 =	sor.u32 s31, s0;
	[sflag:s22] =	ssyncadd.s32 $0xFFFFA000  }
0x43d: {  	v3 =	vld [tilespmem:s2+$0x7870]  }
0x43e: {  	v6 =	vld [tilespmem:s2+$0x6400]  }
0x43f: {  	v7 =	vld [tilespmem:s2+$0x6410]  }
0x440: {  	v8 =	vld [tilespmem:s2+$0x6420]  }
0x441: {  	v9 =	vld [tilespmem:s2+$0x6430]  }
0x442: {  	v10 =	vld [tilespmem:s2+$0x6440]  }
0x443: {  	v11 =	vld [tilespmem:s2+$0x6450]  }
0x444: {  	v12 =	vld [tilespmem:s2+$0x6460]  }
0x445: {  	v13 =	vld [tilespmem:s2+$0x6470]  }
0x446: {  	v14 =	vld [tilespmem:s2+$0x6800]  }
0x447: {  	v15 =	vld [tilespmem:s2+$0x6810]  }
0x448: {  	v16 =	vld [tilespmem:s2+$0x6820]  }
0x449: {  	v17 =	vld [tilespmem:s2+$0x6830]  }
0x44a: {  	v18 =	vld [tilespmem:s2+$0x6840]  }
0x44b: {  	v19 =	vld [tilespmem:s2+$0x6850]  }
0x44c: {  	v20 =	vld [tilespmem:s2+$0x6860]  }
0x44d: {  	v21 =	vld [tilespmem:s2+$0x6870]  }
0x44e: {  	v22 =	vld [tilespmem:s2+$0x6C00]  }
0x44f: {  	v23 =	vld [tilespmem:s2+$0x6C10]  }
0x450: {  	v24 =	vld [tilespmem:s2+$0x6C20]  }
0x451: {  	v25 =	vld [tilespmem:s2+$0x6C30]  }
0x452: {  	v26 =	vld [tilespmem:s2+$0x6C40]  }
0x453: {  	v27 =	vld [tilespmem:s2+$0x6C50]  }
0x454: {  	v28 =	vld [tilespmem:s2+$0x6C60]  }
0x455: {  	v29 =	vld [tilespmem:s2+$0x6C70]  }
0x456: {  	v30 =	vld [tilespmem:s2+$0x7000]  }
0x457: {  	v31 =	vld [tilespmem:s2+$0x7010]  }
0x458: {  	v32 =	vld [tilespmem:s2+$0x7020]  }
0x459: {  	v33 =	vld [tilespmem:s2+$0x7030]  }
0x45a: {  	v34 =	vld [tilespmem:s2+$0x7040]  }
0x45b: {  	v35 =	vld [tilespmem:s2+$0x7050]  }
0x45c: {  	v36 =	vld [tilespmem:s2+$0x7060]  }
0x45d: {  	v37 =	vld [tilespmem:s2+$0x7070]  }
0x45e: {  	v52 =	vld [tilespmem:s2+$0x7400]  }
0x45f: {  	v53 =	vld [tilespmem:s2+$0x7410]  }
0x460: {  	v54 =	vld [tilespmem:s2+$0x7420]  }
0x461: {  	v55 =	vld [tilespmem:s2+$0x7430]  }
0x462: {  	v56 =	vld [tilespmem:s2+$0x7440]  }
0x463: {  	v57 =	vld [tilespmem:s2+$0x7450]  }
0x464: {  	v58 =	vld [tilespmem:s2+$0x7460]  }
0x465: {  	v59 =	vld [tilespmem:s2+$0x7470]  }
0x466: {  	v60 =	vld [tilespmem:s2+$0x7800]  }
0x467: {  	v61 =	vld [tilespmem:s2+$0x7810]  }
0x468: {  	v62 =	vld [tilespmem:s2+$0x7820]  }
0x469: {  	v63 =	vld [tilespmem:s2+$0x7830]  }
0x46a: {  	v5 =	vld [tilespmem:s2+$0x7840]  }
0x46b: {  	v4 =	vld [tilespmem:s2+$0x7850]  }
0x46c: {  	[tilespmem:s2+$0x13870] =	vst.add.f32.msk $0xffff, v3  }
0x46d: {  	v3 =	vld [tilespmem:s2+$0x7860]  }
0x46e: {  	[tilespmem:s2+$0x12400] =	vst.add.f32.msk $0xffff, v6  }
0x46f: {  	[tilespmem:s2+$0x12410] =	vst.add.f32.msk $0xffff, v7  }
0x470: {  	[tilespmem:s2+$0x12420] =	vst.add.f32.msk $0xffff, v8  }
0x471: {  	[tilespmem:s2+$0x12430] =	vst.add.f32.msk $0xffff, v9  }
0x472: {  	[tilespmem:s2+$0x12440] =	vst.add.f32.msk $0xffff, v10  }
0x473: {  	[tilespmem:s2+$0x12450] =	vst.add.f32.msk $0xffff, v11  }
0x474: {  	[tilespmem:s2+$0x12460] =	vst.add.f32.msk $0xffff, v12  }
0x475: {  	[tilespmem:s2+$0x12470] =	vst.add.f32.msk $0xffff, v13  }
0x476: {  	[tilespmem:s2+$0x12800] =	vst.add.f32.msk $0xffff, v14  }
0x477: {  	[tilespmem:s2+$0x12810] =	vst.add.f32.msk $0xffff, v15  }
0x478: {  	[tilespmem:s2+$0x12820] =	vst.add.f32.msk $0xffff, v16  }
0x479: {  	[tilespmem:s2+$0x12830] =	vst.add.f32.msk $0xffff, v17  }
0x47a: {  	[tilespmem:s2+$0x12840] =	vst.add.f32.msk $0xffff, v18  }
0x47b: {  	[tilespmem:s2+$0x12850] =	vst.add.f32.msk $0xffff, v19  }
0x47c: {  	[tilespmem:s2+$0x12860] =	vst.add.f32.msk $0xffff, v20  }
0x47d: {  	[tilespmem:s2+$0x12870] =	vst.add.f32.msk $0xffff, v21  }
0x47e: {  	[tilespmem:s2+$0x12C00] =	vst.add.f32.msk $0xffff, v22  }
0x47f: {  	[tilespmem:s2+$0x12C10] =	vst.add.f32.msk $0xffff, v23  }
0x480: {  	[tilespmem:s2+$0x12C20] =	vst.add.f32.msk $0xffff, v24  }
0x481: {  	[tilespmem:s2+$0x12C30] =	vst.add.f32.msk $0xffff, v25  }
0x482: {  	[tilespmem:s2+$0x12C40] =	vst.add.f32.msk $0xffff, v26  }
0x483: {  	[tilespmem:s2+$0x12C50] =	vst.add.f32.msk $0xffff, v27  }
0x484: {  	[tilespmem:s2+$0x12C60] =	vst.add.f32.msk $0xffff, v28  }
0x485: {  	[tilespmem:s2+$0x12C70] =	vst.add.f32.msk $0xffff, v29  }
0x486: {  	[tilespmem:s2+$0x13000] =	vst.add.f32.msk $0xffff, v30  }
0x487: {  	[tilespmem:s2+$0x13010] =	vst.add.f32.msk $0xffff, v31  }
0x488: {  	[tilespmem:s2+$0x13020] =	vst.add.f32.msk $0xffff, v32  }
0x489: {  	[tilespmem:s2+$0x13030] =	vst.add.f32.msk $0xffff, v33  }
0x48a: {  	[tilespmem:s2+$0x13040] =	vst.add.f32.msk $0xffff, v34  }
0x48b: {  	[tilespmem:s2+$0x13050] =	vst.add.f32.msk $0xffff, v35  }
0x48c: {  	[tilespmem:s2+$0x13060] =	vst.add.f32.msk $0xffff, v36  }
0x48d: {  	[tilespmem:s2+$0x13070] =	vst.add.f32.msk $0xffff, v37  }
0x48e: {  	[tilespmem:s2+$0x13400] =	vst.add.f32.msk $0xffff, v52  }
0x48f: {  	[tilespmem:s2+$0x13410] =	vst.add.f32.msk $0xffff, v53  }
0x490: {  	[tilespmem:s2+$0x13420] =	vst.add.f32.msk $0xffff, v54  }
0x491: {  	[tilespmem:s2+$0x13430] =	vst.add.f32.msk $0xffff, v55  }
0x492: {  	[tilespmem:s2+$0x13440] =	vst.add.f32.msk $0xffff, v56  }
0x493: {  	[tilespmem:s2+$0x13450] =	vst.add.f32.msk $0xffff, v57  }
0x494: {  	[tilespmem:s2+$0x13460] =	vst.add.f32.msk $0xffff, v58  }
0x495: {  	[tilespmem:s2+$0x13470] =	vst.add.f32.msk $0xffff, v59  }
0x496: {  	[tilespmem:s2+$0x13800] =	vst.add.f32.msk $0xffff, v60  }
0x497: {  	[tilespmem:s2+$0x13810] =	vst.add.f32.msk $0xffff, v61  }
0x498: {  	[tilespmem:s2+$0x13820] =	vst.add.f32.msk $0xffff, v62  }
0x499: {  	s7 =	simm.s32 $0x0;
	s0 =	simm.s32 $0x2;
	[tilespmem:s2+$0x13830] =	vst.add.f32.msk $0xffff, v63  }
.LBB2_10:
0x49a: {  	p0 =	sne.s32 s0, $0x1F;
	s7 =	smul.u32 $0x1800, s7;
	[tilespmem:s2+$0x13840] =	vst.add.f32.msk $0xffff, v5;
	s25 =	sadd.s32 $0x80, s25  }
0x49b: {  	s11 =	sand.u32 $0x380, s25;
	[tilespmem:s2+$0x13850] =	vst.add.f32.msk $0xffff, v4  }
0x49c: {  	[tilespmem:s2+$0x13860] =	vst.add.f32.msk $0xffff, v3;
	s2 =	sor.u32 s11, s7  }
0x49d: {  	v3 =	vld [tilespmem:s2+$0x7870]  }
0x49e: {  	v6 =	vld [tilespmem:s2+$0x6400]  }
0x49f: {  	v7 =	vld [tilespmem:s2+$0x6410]  }
0x4a0: {  	v8 =	vld [tilespmem:s2+$0x6420]  }
0x4a1: {  	v9 =	vld [tilespmem:s2+$0x6430]  }
0x4a2: {  	[tilespmem:s2+$0x13870] =	vst.add.f32.msk $0xffff, v3  }
0x4a3: {  	v10 =	vld [tilespmem:s2+$0x6440]  }
0x4a4: {  	v11 =	vld [tilespmem:s2+$0x6450]  }
0x4a5: {  	v12 =	vld [tilespmem:s2+$0x6460]  }
0x4a6: {  	v13 =	vld [tilespmem:s2+$0x6470]  }
0x4a7: {  	v14 =	vld [tilespmem:s2+$0x6800]  }
0x4a8: {  	v15 =	vld [tilespmem:s2+$0x6810]  }
0x4a9: {  	v16 =	vld [tilespmem:s2+$0x6820]  }
0x4aa: {  	v17 =	vld [tilespmem:s2+$0x6830]  }
0x4ab: {  	v18 =	vld [tilespmem:s2+$0x6840]  }
0x4ac: {  	v19 =	vld [tilespmem:s2+$0x6850]  }
0x4ad: {  	v20 =	vld [tilespmem:s2+$0x6860]  }
0x4ae: {  	v21 =	vld [tilespmem:s2+$0x6870]  }
0x4af: {  	v22 =	vld [tilespmem:s2+$0x6C00]  }
0x4b0: {  	v23 =	vld [tilespmem:s2+$0x6C10]  }
0x4b1: {  	v24 =	vld [tilespmem:s2+$0x6C20]  }
0x4b2: {  	v25 =	vld [tilespmem:s2+$0x6C30]  }
0x4b3: {  	v26 =	vld [tilespmem:s2+$0x6C40]  }
0x4b4: {  	v27 =	vld [tilespmem:s2+$0x6C50]  }
0x4b5: {  	v28 =	vld [tilespmem:s2+$0x6C60]  }
0x4b6: {  	v29 =	vld [tilespmem:s2+$0x6C70]  }
0x4b7: {  	v30 =	vld [tilespmem:s2+$0x7000]  }
0x4b8: {  	v31 =	vld [tilespmem:s2+$0x7010]  }
0x4b9: {  	v32 =	vld [tilespmem:s2+$0x7020]  }
0x4ba: {  	v33 =	vld [tilespmem:s2+$0x7030]  }
0x4bb: {  	v34 =	vld [tilespmem:s2+$0x7040]  }
0x4bc: {  	v35 =	vld [tilespmem:s2+$0x7050]  }
0x4bd: {  	v36 =	vld [tilespmem:s2+$0x7060]  }
0x4be: {  	v37 =	vld [tilespmem:s2+$0x7070]  }
0x4bf: {  	v38 =	vld [tilespmem:s2+$0x7400]  }
0x4c0: {  	v39 =	vld [tilespmem:s2+$0x7410]  }
0x4c1: {  	v40 =	vld [tilespmem:s2+$0x7420]  }
0x4c2: {  	v41 =	vld [tilespmem:s2+$0x7430]  }
0x4c3: {  	v42 =	vld [tilespmem:s2+$0x7440]  }
0x4c4: {  	v43 =	vld [tilespmem:s2+$0x7450]  }
0x4c5: {  	v44 =	vld [tilespmem:s2+$0x7460]  }
0x4c6: {  	v45 =	vld [tilespmem:s2+$0x7470]  }
0x4c7: {  	v46 =	vld [tilespmem:s2+$0x7800]  }
0x4c8: {  	v47 =	vld [tilespmem:s2+$0x7810]  }
0x4c9: {  	v48 =	vld [tilespmem:s2+$0x7820]  }
0x4ca: {  	v49 =	vld [tilespmem:s2+$0x7830]  }
0x4cb: {  	v5 =	vld [tilespmem:s2+$0x7840]  }
0x4cc: {  	v4 =	vld [tilespmem:s2+$0x7850]  }
0x4cd: {  	v3 =	vld [tilespmem:s2+$0x7860]  }
0x4ce: {  	[tilespmem:s2+$0x12400] =	vst.add.f32.msk $0xffff, v6  }
0x4cf: {  	[tilespmem:s2+$0x12410] =	vst.add.f32.msk $0xffff, v7  }
0x4d0: {  	[tilespmem:s2+$0x12420] =	vst.add.f32.msk $0xffff, v8  }
0x4d1: {  	[tilespmem:s2+$0x12430] =	vst.add.f32.msk $0xffff, v9  }
0x4d2: {  	[tilespmem:s2+$0x12440] =	vst.add.f32.msk $0xffff, v10  }
0x4d3: {  	[tilespmem:s2+$0x12450] =	vst.add.f32.msk $0xffff, v11  }
0x4d4: {  	[tilespmem:s2+$0x12460] =	vst.add.f32.msk $0xffff, v12  }
0x4d5: {  	[tilespmem:s2+$0x12470] =	vst.add.f32.msk $0xffff, v13  }
0x4d6: {  	[tilespmem:s2+$0x12800] =	vst.add.f32.msk $0xffff, v14  }
0x4d7: {  	[tilespmem:s2+$0x12810] =	vst.add.f32.msk $0xffff, v15  }
0x4d8: {  	[tilespmem:s2+$0x12820] =	vst.add.f32.msk $0xffff, v16  }
0x4d9: {  	[tilespmem:s2+$0x12830] =	vst.add.f32.msk $0xffff, v17  }
0x4da: {  	[tilespmem:s2+$0x12840] =	vst.add.f32.msk $0xffff, v18  }
0x4db: {  	[tilespmem:s2+$0x12850] =	vst.add.f32.msk $0xffff, v19  }
0x4dc: {  	[tilespmem:s2+$0x12860] =	vst.add.f32.msk $0xffff, v20  }
0x4dd: {  	[tilespmem:s2+$0x12870] =	vst.add.f32.msk $0xffff, v21  }
0x4de: {  	[tilespmem:s2+$0x12C00] =	vst.add.f32.msk $0xffff, v22  }
0x4df: {  	[tilespmem:s2+$0x12C10] =	vst.add.f32.msk $0xffff, v23  }
0x4e0: {  	[tilespmem:s2+$0x12C20] =	vst.add.f32.msk $0xffff, v24  }
0x4e1: {  	[tilespmem:s2+$0x12C30] =	vst.add.f32.msk $0xffff, v25  }
0x4e2: {  	[tilespmem:s2+$0x12C40] =	vst.add.f32.msk $0xffff, v26  }
0x4e3: {  	[tilespmem:s2+$0x12C50] =	vst.add.f32.msk $0xffff, v27  }
0x4e4: {  	[tilespmem:s2+$0x12C60] =	vst.add.f32.msk $0xffff, v28  }
0x4e5: {  	[tilespmem:s2+$0x12C70] =	vst.add.f32.msk $0xffff, v29  }
0x4e6: {  	[tilespmem:s2+$0x13000] =	vst.add.f32.msk $0xffff, v30  }
0x4e7: {  	[tilespmem:s2+$0x13010] =	vst.add.f32.msk $0xffff, v31  }
0x4e8: {  	[tilespmem:s2+$0x13020] =	vst.add.f32.msk $0xffff, v32  }
0x4e9: {  	[tilespmem:s2+$0x13030] =	vst.add.f32.msk $0xffff, v33  }
0x4ea: {  	[tilespmem:s2+$0x13040] =	vst.add.f32.msk $0xffff, v34  }
0x4eb: {  	[tilespmem:s2+$0x13050] =	vst.add.f32.msk $0xffff, v35  }
0x4ec: {  	[tilespmem:s2+$0x13060] =	vst.add.f32.msk $0xffff, v36  }
0x4ed: {  	[tilespmem:s2+$0x13070] =	vst.add.f32.msk $0xffff, v37  }
0x4ee: {  	[tilespmem:s2+$0x13400] =	vst.add.f32.msk $0xffff, v38  }
0x4ef: {  	[tilespmem:s2+$0x13410] =	vst.add.f32.msk $0xffff, v39  }
0x4f0: {  	[tilespmem:s2+$0x13420] =	vst.add.f32.msk $0xffff, v40  }
0x4f1: {  	[tilespmem:s2+$0x13430] =	vst.add.f32.msk $0xffff, v41  }
0x4f2: {  	[tilespmem:s2+$0x13440] =	vst.add.f32.msk $0xffff, v42  }
0x4f3: {  	[tilespmem:s2+$0x13450] =	vst.add.f32.msk $0xffff, v43  }
0x4f4: {  	[tilespmem:s2+$0x13460] =	vst.add.f32.msk $0xffff, v44  }
.Ltmp4:
0x4f5: {  	[tilespmem:s2+$0x13470] =	vst.add.f32.msk $0xffff, v45;
	(pc) =	sbr.rel @p0 .LBB2_10-.Ltmp4, $4  }
0x4f6: {  	[tilespmem:s2+$0x13800] =	vst.add.f32.msk $0xffff, v46  }
0x4f7: {  	[tilespmem:s2+$0x13810] =	vst.add.f32.msk $0xffff, v47  }
0x4f8: {  	[tilespmem:s2+$0x13820] =	vst.add.f32.msk $0xffff, v48  }
0x4f9: {  	s7 =	sshrl.u32 s0, $0x3;
	s0 =	sadd.s32 $0x1, s0;
	[tilespmem:s2+$0x13830] =	vst.add.f32.msk $0xffff, v49  }
0x4fa: {  	s0 =	smul.u32 $0x1800, s7;
	[tilespmem:s2+$0x13840] =	vst.add.f32.msk $0xffff, v5;
	s26 =	sadd.s32 $0x80, s25  }
0x4fb: {  	[tilespmem:s2+$0x13850] =	vst.add.f32.msk $0xffff, v4;
	s7 =	sand.u32 $0x380, s26  }
0x4fc: {  	[tilespmem:s2+$0x13860] =	vst.add.f32.msk $0xffff, v3;
	s0 =	sor.u32 s7, s0  }
0x4fd: {  	v3 =	vld [tilespmem:s0+$0x7870]  }
0x4fe: {  	v4 =	vld [tilespmem:s0+$0x6400]  }
0x4ff: {  	v5 =	vld [tilespmem:s0+$0x6410]  }
0x500: {  	v6 =	vld [tilespmem:s0+$0x6420]  }
0x501: {  	v7 =	vld [tilespmem:s0+$0x6430]  }
0x502: {  	v8 =	vld [tilespmem:s0+$0x6450]  }
0x503: {  	v9 =	vld [tilespmem:s0+$0x6460]  }
0x504: {  	v10 =	vld [tilespmem:s0+$0x6470]  }
0x505: {  	v11 =	vld [tilespmem:s0+$0x6800]  }
0x506: {  	v12 =	vld [tilespmem:s0+$0x6810]  }
0x507: {  	v13 =	vld [tilespmem:s0+$0x6820]  }
0x508: {  	v14 =	vld [tilespmem:s0+$0x6830]  }
0x509: {  	v15 =	vld [tilespmem:s0+$0x6840]  }
0x50a: {  	v16 =	vld [tilespmem:s0+$0x6850]  }
0x50b: {  	v17 =	vld [tilespmem:s0+$0x6860]  }
0x50c: {  	v18 =	vld [tilespmem:s0+$0x6870]  }
0x50d: {  	v19 =	vld [tilespmem:s0+$0x6C00]  }
0x50e: {  	v20 =	vld [tilespmem:s0+$0x6C10]  }
0x50f: {  	v21 =	vld [tilespmem:s0+$0x6C20]  }
0x510: {  	v22 =	vld [tilespmem:s0+$0x6C30]  }
0x511: {  	v23 =	vld [tilespmem:s0+$0x6C40]  }
0x512: {  	v24 =	vld [tilespmem:s0+$0x6C50]  }
0x513: {  	v25 =	vld [tilespmem:s0+$0x6C60]  }
0x514: {  	v26 =	vld [tilespmem:s0+$0x6C70]  }
0x515: {  	v27 =	vld [tilespmem:s0+$0x7000]  }
0x516: {  	v28 =	vld [tilespmem:s0+$0x7010]  }
0x517: {  	v29 =	vld [tilespmem:s0+$0x7020]  }
0x518: {  	v30 =	vld [tilespmem:s0+$0x7030]  }
0x519: {  	v31 =	vld [tilespmem:s0+$0x7040]  }
0x51a: {  	v32 =	vld [tilespmem:s0+$0x7050]  }
0x51b: {  	v33 =	vld [tilespmem:s0+$0x7060]  }
0x51c: {  	v34 =	vld [tilespmem:s0+$0x7070]  }
0x51d: {  	v35 =	vld [tilespmem:s0+$0x7400]  }
0x51e: {  	v36 =	vld [tilespmem:s0+$0x7410]  }
0x51f: {  	v37 =	vld [tilespmem:s0+$0x7420]  }
0x520: {  	v38 =	vld [tilespmem:s0+$0x7430]  }
0x521: {  	v39 =	vld [tilespmem:s0+$0x7440]  }
0x522: {  	v40 =	vld [tilespmem:s0+$0x7450]  }
0x523: {  	v41 =	vld [tilespmem:s0+$0x7460]  }
0x524: {  	v42 =	vld [tilespmem:s0+$0x7470]  }
0x525: {  	v43 =	vld [tilespmem:s0+$0x7800]  }
0x526: {  	v44 =	vld [tilespmem:s0+$0x7810]  }
0x527: {  	v45 =	vld [tilespmem:s0+$0x7820]  }
0x528: {  	v46 =	vld [tilespmem:s0+$0x7830]  }
0x529: {  	v47 =	vld [tilespmem:s0+$0x7840]  }
0x52a: {  	v48 =	vld [tilespmem:s0+$0x7850]  }
0x52b: {  	v49 =	vld [tilespmem:s0+$0x7860]  }
0x52c: {  	[tilespmem:s0+$0x13870] =	vst.add.f32.msk $0xffff, v3  }
0x52d: {  	v3 =	vld [tilespmem:s0+$0x6440]  }
0x52e: {  	[tilespmem:s0+$0x12400] =	vst.add.f32.msk $0xffff, v4  }
0x52f: {  	[tilespmem:s0+$0x12410] =	vst.add.f32.msk $0xffff, v5  }
0x530: {  	[tilespmem:s0+$0x12420] =	vst.add.f32.msk $0xffff, v6  }
0x531: {  	[tilespmem:s0+$0x12430] =	vst.add.f32.msk $0xffff, v7  }
0x532: {  	[tilespmem:s0+$0x12450] =	vst.add.f32.msk $0xffff, v8  }
0x533: {  	[tilespmem:s0+$0x12460] =	vst.add.f32.msk $0xffff, v9  }
0x534: {  	[tilespmem:s0+$0x12470] =	vst.add.f32.msk $0xffff, v10  }
0x535: {  	[tilespmem:s0+$0x12800] =	vst.add.f32.msk $0xffff, v11  }
0x536: {  	[tilespmem:s0+$0x12810] =	vst.add.f32.msk $0xffff, v12  }
0x537: {  	[tilespmem:s0+$0x12820] =	vst.add.f32.msk $0xffff, v13  }
0x538: {  	[tilespmem:s0+$0x12830] =	vst.add.f32.msk $0xffff, v14  }
0x539: {  	[tilespmem:s0+$0x12840] =	vst.add.f32.msk $0xffff, v15  }
0x53a: {  	[tilespmem:s0+$0x12850] =	vst.add.f32.msk $0xffff, v16  }
0x53b: {  	[tilespmem:s0+$0x12860] =	vst.add.f32.msk $0xffff, v17  }
0x53c: {  	[tilespmem:s0+$0x12870] =	vst.add.f32.msk $0xffff, v18  }
0x53d: {  	[tilespmem:s0+$0x12C00] =	vst.add.f32.msk $0xffff, v19  }
0x53e: {  	[tilespmem:s0+$0x12C10] =	vst.add.f32.msk $0xffff, v20  }
0x53f: {  	[tilespmem:s0+$0x12C20] =	vst.add.f32.msk $0xffff, v21  }
0x540: {  	[tilespmem:s0+$0x12C30] =	vst.add.f32.msk $0xffff, v22  }
0x541: {  	[tilespmem:s0+$0x12C40] =	vst.add.f32.msk $0xffff, v23  }
0x542: {  	[tilespmem:s0+$0x12C50] =	vst.add.f32.msk $0xffff, v24  }
0x543: {  	[tilespmem:s0+$0x12C60] =	vst.add.f32.msk $0xffff, v25  }
0x544: {  	[tilespmem:s0+$0x12C70] =	vst.add.f32.msk $0xffff, v26  }
0x545: {  	[tilespmem:s0+$0x13000] =	vst.add.f32.msk $0xffff, v27  }
0x546: {  	[tilespmem:s0+$0x13010] =	vst.add.f32.msk $0xffff, v28  }
0x547: {  	[tilespmem:s0+$0x13020] =	vst.add.f32.msk $0xffff, v29  }
0x548: {  	[tilespmem:s0+$0x13030] =	vst.add.f32.msk $0xffff, v30  }
0x549: {  	[tilespmem:s0+$0x13040] =	vst.add.f32.msk $0xffff, v31  }
0x54a: {  	[tilespmem:s0+$0x13050] =	vst.add.f32.msk $0xffff, v32  }
0x54b: {  	[tilespmem:s0+$0x13060] =	vst.add.f32.msk $0xffff, v33  }
0x54c: {  	[tilespmem:s0+$0x13070] =	vst.add.f32.msk $0xffff, v34  }
0x54d: {  	[tilespmem:s0+$0x13400] =	vst.add.f32.msk $0xffff, v35  }
0x54e: {  	[tilespmem:s0+$0x13410] =	vst.add.f32.msk $0xffff, v36  }
0x54f: {  	[tilespmem:s0+$0x13420] =	vst.add.f32.msk $0xffff, v37  }
0x550: {  	[tilespmem:s0+$0x13430] =	vst.add.f32.msk $0xffff, v38  }
0x551: {  	[tilespmem:s0+$0x13440] =	vst.add.f32.msk $0xffff, v39  }
0x552: {  	[tilespmem:s0+$0x13450] =	vst.add.f32.msk $0xffff, v40  }
0x553: {  	[tilespmem:s0+$0x13460] =	vst.add.f32.msk $0xffff, v41  }
0x554: {  	[tilespmem:s0+$0x13470] =	vst.add.f32.msk $0xffff, v42  }
0x555: {  	[tilespmem:s0+$0x13800] =	vst.add.f32.msk $0xffff, v43  }
0x556: {  	[tilespmem:s0+$0x13810] =	vst.add.f32.msk $0xffff, v44  }
0x557: {  	[tilespmem:s0+$0x13820] =	vst.add.f32.msk $0xffff, v45  }
0x558: {  	[tilespmem:s0+$0x13830] =	vst.add.f32.msk $0xffff, v46  }
0x559: {  	[tilespmem:s0+$0x13840] =	vst.add.f32.msk $0xffff, v47  }
0x55a: {  	[tilespmem:s0+$0x13850] =	vst.add.f32.msk $0xffff, v48  }
0x55b: {  	[tilespmem:s0+$0x13860] =	vst.add.f32.msk $0xffff, v49  }
0x55c: {  	s28 =	rddreg [dreg:$0x9];
	[tilespmem:s0+$0x12440] =	vst.add.f32.msk $0xffff, v3  }
0x55d: {  	[hbm4b:s28+s6] =	stream.linear.scatter [tilespmem:s18], [sflag:$0x6], $0x6000, $0x38;
	[tilespmem:$0x18400] =	vst v63  }
0x55e: {  	_ =	swait.ge [sflag:s23], $0x6000  }
0x55f: {  	[sflag:s23] =	ssyncset.done $0x0  }
0x560: {  	[sflag:s23] =	ssyncadd.s32 $0xFFFFA000  }
0x561: {  	_ =	swait.ge [sflag:s24], $0x6000  }
0x562: {  	s29 =	rddreg [dreg:$0xb]  }
0x563: {  	s31 =	rddreg [dreg:$0xa];
	s2 =	sadd.s32 $0x1, s29  }
0x564: {  	p0 =	sne.s32 s2, s31  }
.Ltmp5:
0x565: {  	_ = 	snop;
	(pc) =	sbr.rel @p0 .LBB2_1-.Ltmp5, $3  }
0x566: {  	_ =	sdelay $0x1  }
0x567: {  	[sflag:s24] =	ssyncset.done $0x0  }
0x568: {  	[sflag:s24] =	ssyncadd.s32 $0xFFFFA000  }
0x569: {  	_ =	sfence.sel $0x180000  }
0x56a: {  	[bflag:$0x0] =	sbarrier.arrive $0xFFFF  }
0x56b: {  	_ =	strace $0x90000047  }
0x56c: {  	s0 =	stileid.u32;
	[bflag:$0x2] =	sbarrier.arrive $0xFFFF  }
0x56d: {  	p0 =	sne.s32 s0, $0x0;
	s0 =	rddreg [dreg:$0x4]  }
0x56e: {  	s0 =	sadd.s32 @!p0 $0x100000, s0  }
0x56f: {  	[sflag:s0] =	ssyncadd.tile.s32 @!p0 $0x1;
	_ =	shalt  }
.Lfunc_end2:
_tile_overlayer_lowered:
.L_overlay_start_2:
0x570: {  	(tag) =	ssettag $0x2  }
0x571: {  	s0 =	rddreg [dreg:$0x0];
	s2 =	stileid.u32  }
0x572: {  	s1 =	rddreg [dreg:$0x1];
	p0 =	sne.s32 s2, $0x0  }
0x573: {  	s3 =	rddreg [dreg:$0x2];
	[bflag:$0x3] =	sbarrier.arrive $0xFFFF;
	s2 =	simm.s32 @!p0 $0x1C07  }
0x574: {  	[timem:s3], [sflag:s2] =	dma.local @!p0 [hbm:s0], s1  }
0x575: {  	s0 =	simm.s32 @!p0 $0x7  }
0x576: {  	_ =	swait.ge @!p0 [sflag:s0], s1  }
0x577: {  	s1 =	ssub.s32 @!p0 $0x0, s1;
	[sflag:s0] =	ssyncset.done @!p0 $0x0  }
0x578: {  	[sflag:s0] =	ssyncadd.s32 @!p0 s1  }
0x579: {  	[bflag:$0x3] =	sbarrier.arrive $0xFFFF  }
0x57a: {  	_ =	shalt  }

</sc_bundles>
